<compile_context>
chip_gen: v7x
topology: tpu7x:2x2x1
jax: 0.10.2.dev20260603
libtpu: 0.0.44.dev20260713+nightly
codegen_flags: <defaults>
</compile_context>

<pallas_src>
import functools
import jax
import jax.numpy as jnp
from jax import lax
from jax.experimental import pallas as pl
from jax.experimental.pallas import tpu as pltpu
from jax.experimental.pallas import tpu_sc as plsc

N = 10000
E = 320000
D_IN = 128
D_H = 256
D_OUT = 128
G = 64

NC = 2
NS = 16
NW = NC * NS

E_PER_S = E // NS
CHUNK = 128
NBUF = 2
NCHUNK = NBUF * (-(-E_PER_S // (NBUF * CHUNK)))
E_PAD_S = NCHUNK * CHUNK

E_PER_W = E // NW

RCHUNK = 80
NRCHUNK = N // RCHUNK
RB_ITERS = -(-NRCHUNK // NS)

_mesh = plsc.VectorSubcoreMesh(core_axis_name="c", subcore_axis_name="s",
                               num_cores=NC, num_subcores=NS)
_sc_params = pltpu.CompilerParams(needs_layout_passes=False)
_HI = lax.Precision.DEFAULT


def _sc_deg_body(dst_hbm, degp_hbm, dstv, acc):
  c = lax.axis_index("c")
  s = lax.axis_index("s")
  wid = s * NC + c
  pltpu.sync_copy(dst_hbm.at[wid], dstv)

  zeros16 = jnp.zeros((16,), jnp.float32)
  ones16 = jnp.ones((16,), jnp.float32)

  def zero_body(i, carry):
    acc[pl.ds(i * 16, 16)] = zeros16
    return carry

  lax.fori_loop(0, N // 16, zero_body, 0, unroll=4)

  def add_body(i, carry):
    idx = dstv[pl.ds(i * 16, 16)]
    plsc.addupdate_scatter(acc, [idx], ones16)
    return carry

  lax.fori_loop(0, E_PER_W // 16, add_body, 0, unroll=4)
  pltpu.sync_copy(acc, degp_hbm.at[wid])


_sc_deg = pl.kernel(
    _sc_deg_body,
    out_type=jax.ShapeDtypeStruct((NW, N), jnp.float32),
    mesh=_mesh,
    compiler_params=_sc_params,
    scratch_types=[
        pltpu.VMEM((E_PER_W,), jnp.int32),
        pltpu.VMEM((N,), jnp.float32),
    ],
)


def _sc_agg_body(hlo, hhi, srcr, dstr, slo, shi, acc_sh, *bufs):
  c = lax.axis_index("c")
  s = lax.axis_index("s")
  srcis = bufs[0:NBUF]
  dstis = bufs[NBUF:2 * NBUF]
  rowss = bufs[2 * NBUF:3 * NBUF]
  gsems = bufs[3 * NBUF:4 * NBUF]
  isemss = bufs[4 * NBUF:5 * NBUF]
  isemds = bufs[5 * NBUF:6 * NBUF]

  def run(h_ref, out_ref):
    def init_body(t, carry):
      ch = s + t * NS

      @pl.when(ch < NRCHUNK)
      def _():
        r0 = pl.multiple_of(ch * RCHUNK, 8)
        pltpu.sync_copy(h_ref.at[pl.ds(r0, RCHUNK)], acc_sh.at[pl.ds(r0, RCHUNK)])

      return carry

    lax.fori_loop(0, RB_ITERS, init_body, 0)
    plsc.subcore_barrier()

    HC = CHUNK // 2

    def start_gather(si, rbuf, gsem):
      pltpu.async_copy(h_ref.at[si.at[pl.ds(0, HC)]], rbuf.at[pl.ds(0, HC)],
                       gsem)
      pltpu.async_copy(h_ref.at[si.at[pl.ds(HC, HC)]], rbuf.at[pl.ds(HC, HC)],
                       gsem)

    for k in range(NBUF):
      pltpu.sync_copy(srcr.at[s, k], srcis[k])
      pltpu.sync_copy(dstr.at[s, k], dstis[k])
      start_gather(srcis[k], rowss[k], gsems[k])

    def grp_body(t, carry):
      def half(si, di, rbuf, gsem, isems, isemd, off):
        nxt = NBUF * t + NBUF + off
        pltpu.make_async_copy(h_ref.at[si], rbuf, gsem).wait()

        @pl.when(nxt < NCHUNK)
        def _():
          pltpu.async_copy(srcr.at[s, nxt], si, isems)

        @pl.when(t > 0)
        def _():
          pltpu.make_async_copy(dstr.at[s, 0], di, isemd).wait()

        pltpu.sync_copy(rbuf, acc_sh.at[di], add=True)

        @pl.when(nxt < NCHUNK)
        def _():
          pltpu.async_copy(dstr.at[s, nxt], di, isemd)
          pltpu.make_async_copy(srcr.at[s, 0], si, isems).wait()
          start_gather(si, rbuf, gsem)

      for k in range(NBUF):
        half(srcis[k], dstis[k], rowss[k], gsems[k], isemss[k], isemds[k], k)
      return carry

    lax.fori_loop(0, NCHUNK // NBUF, grp_body, 0)
    plsc.subcore_barrier()

    def out_body(t, carry):
      ch = s + t * NS

      @pl.when(ch < NRCHUNK)
      def _():
        r0 = pl.multiple_of(ch * RCHUNK, 8)
        pltpu.sync_copy(acc_sh.at[pl.ds(r0, RCHUNK)], out_ref.at[pl.ds(r0, RCHUNK)])

      return carry

    lax.fori_loop(0, RB_ITERS, out_body, 0)

  @pl.when(c == 0)
  def _():
    run(hlo, slo)

  @pl.when(c == 1)
  def _():
    run(hhi, shi)


_sc_agg = pl.kernel(
    _sc_agg_body,
    out_type=(
        jax.ShapeDtypeStruct((N, 128), jnp.float32),
        jax.ShapeDtypeStruct((N, 128), jnp.float32),
    ),
    mesh=_mesh,
    compiler_params=_sc_params,
    scratch_types=[
        pltpu.VMEM_SHARED((N + 8, 128), jnp.float32),
        *[pltpu.VMEM((CHUNK,), jnp.int32) for _ in range(2 * NBUF)],
        *[pltpu.VMEM((CHUNK, 128), jnp.float32) for _ in range(NBUF)],
        *[pltpu.SemaphoreType.DMA for _ in range(3 * NBUF)],
    ],
)


_BLK = 1000
_NBLK = N // _BLK


def _tc_layer1_body(degp_ref, x_ref, w1_ref, hlo_ref, hhi_ref, dinv_ref):
  deg = 1.0 + jnp.sum(degp_ref[...].reshape(NW, _BLK), axis=0)
  dinv = lax.rsqrt(deg)
  h = jnp.dot(x_ref[...], w1_ref[...], preferred_element_type=jnp.float32,
              precision=_HI)
  hs = h * dinv[:, None]
  hlo_ref[...] = hs[:, :128]
  hhi_ref[...] = hs[:, 128:]
  dinv_ref[...] = dinv[None, None, :]


def _tc_layer1(degp, x, w1):
  return pl.pallas_call(
      _tc_layer1_body,
      grid=(_NBLK,),
      in_specs=[
          pl.BlockSpec((NW, 1, 1, _BLK), lambda i: (0, i, 0, 0)),
          pl.BlockSpec((_BLK, D_IN), lambda i: (i, 0)),
          pl.BlockSpec((D_IN, D_H), lambda i: (0, 0)),
      ],
      out_specs=[
          pl.BlockSpec((_BLK, 128), lambda i: (i, 0)),
          pl.BlockSpec((_BLK, 128), lambda i: (i, 0)),
          pl.BlockSpec((1, 1, _BLK), lambda i: (i, 0, 0)),
      ],
      out_shape=[
          jax.ShapeDtypeStruct((N, 128), jnp.float32),
          jax.ShapeDtypeStruct((N, 128), jnp.float32),
          jax.ShapeDtypeStruct((_NBLK, 1, _BLK), jnp.float32),
      ],
  )(degp, x, w1)


def _tc_layer2_body(slo_ref, shi_ref, dinv_ref, b1_ref,
                    w2_ref, olo_ref, ohi_ref):
  st = jnp.concatenate([slo_ref[...], shi_ref[...]], axis=1)
  dinv = dinv_ref[0, 0, :]
  h1 = jnp.maximum(st * dinv[:, None] + b1_ref[0, :][None, :], 0.0)
  h2 = jnp.dot(h1, w2_ref[...], preferred_element_type=jnp.float32,
               precision=_HI) * dinv[:, None]
  olo_ref[...] = h2[:, :128]
  ohi_ref[...] = h2[:, 128:]


def _tc_layer2(slo, shi, dinv3, b1r, w2):
  blk = lambda i: (i, 0)
  return pl.pallas_call(
      _tc_layer2_body,
      grid=(_NBLK,),
      in_specs=[
          pl.BlockSpec((_BLK, 128), blk),
          pl.BlockSpec((_BLK, 128), blk),
          pl.BlockSpec((1, 1, _BLK), lambda i: (i, 0, 0)),
          pl.BlockSpec((1, D_H), lambda i: (0, 0)),
          pl.BlockSpec((D_H, D_H), lambda i: (0, 0)),
      ],
      out_specs=[
          pl.BlockSpec((_BLK, 128), blk),
          pl.BlockSpec((_BLK, 128), blk),
      ],
      out_shape=[
          jax.ShapeDtypeStruct((N, 128), jnp.float32),
          jax.ShapeDtypeStruct((N, 128), jnp.float32),
      ],
  )(slo, shi, dinv3, b1r, w2)


def _tc_pool_head_body(slo_ref, shi_ref, dinv_ref, b2_ref,
                       batch_ref, p1_ref, pb1_ref, p2_ref, pb2_ref, out_ref,
                       gsum, cnt):
  i = pl.program_id(0)

  @pl.when(i == 0)
  def _():
    gsum[...] = jnp.zeros((G, D_H), jnp.float32)
    cnt[...] = jnp.zeros((G, 8), jnp.float32)

  st = jnp.concatenate([slo_ref[...], shi_ref[...]], axis=1)
  dinv = dinv_ref[0, 0, :]
  h2 = jnp.maximum(st * dinv[:, None] + b2_ref[0, :][None, :], 0.0)
  b = batch_ref[0, 0, :]
  onehot = (lax.broadcasted_iota(jnp.int32, (G, _BLK), 0)
            == b[None, :]).astype(jnp.float32)
  gsum[...] += jnp.dot(onehot, h2, preferred_element_type=jnp.float32,
                       precision=_HI)
  cnt[...] += jnp.dot(onehot, jnp.ones((_BLK, 8), jnp.float32),
                      preferred_element_type=jnp.float32, precision=_HI)

  @pl.when(i == _NBLK - 1)
  def _():
    counts = cnt[:, 0:1]
    g = gsum[...] / jnp.maximum(counts, 1.0)
    r = jnp.maximum(
        jnp.dot(g, p1_ref[...], preferred_element_type=jnp.float32,
                precision=_HI) + pb1_ref[0, :][None, :], 0.0)
    out_ref[...] = jnp.dot(r, p2_ref[...], preferred_element_type=jnp.float32,
                           precision=_HI) + pb2_ref[0, :][None, :]


def _tc_pool_head(slo, shi, dinv3, b2r, batch3, p1, pb1r, p2, pb2r):
  blk = lambda i: (i, 0)
  return pl.pallas_call(
      _tc_pool_head_body,
      grid=(_NBLK,),
      in_specs=[
          pl.BlockSpec((_BLK, 128), blk),
          pl.BlockSpec((_BLK, 128), blk),
          pl.BlockSpec((1, 1, _BLK), lambda i: (i, 0, 0)),
          pl.BlockSpec((1, D_H), lambda i: (0, 0)),
          pl.BlockSpec((1, 1, _BLK), lambda i: (i, 0, 0)),
          pl.BlockSpec((D_H, D_H), lambda i: (0, 0)),
          pl.BlockSpec((1, D_H), lambda i: (0, 0)),
          pl.BlockSpec((D_H, D_OUT), lambda i: (0, 0)),
          pl.BlockSpec((1, D_OUT), lambda i: (0, 0)),
      ],
      out_specs=pl.BlockSpec((G, D_OUT), lambda i: (0, 0)),
      out_shape=jax.ShapeDtypeStruct((G, D_OUT), jnp.float32),
      scratch_shapes=[
          pltpu.VMEM((G, D_H), jnp.float32),
          pltpu.VMEM((G, 8), jnp.float32),
      ],
  )(slo, shi, dinv3, b2r, batch3, p1, pb1r, p2, pb2r)


@jax.jit
def kernel(x, edge_index, batch, W1, b1, W2, b2, P1, pb1, P2, pb2):
  src = edge_index[0].astype(jnp.int32)
  dst = edge_index[1].astype(jnp.int32)
  dstw = dst.reshape(NW, E_PER_W)
  pad = E_PAD_S - E_PER_S
  srcp = jnp.pad(src.reshape(NS, E_PER_S), ((0, 0), (0, pad)),
                 constant_values=0).reshape(NS, NCHUNK, CHUNK)
  dstp = jnp.pad(dst.reshape(NS, E_PER_S), ((0, 0), (0, pad)),
                 constant_values=N).reshape(NS, NCHUNK, CHUNK)
  batch3 = batch.astype(jnp.int32).reshape(_NBLK, 1, _BLK)
  b1r = b1.reshape(1, D_H)
  b2r = b2.reshape(1, D_H)
  pb1r = pb1.reshape(1, D_H)
  pb2r = pb2.reshape(1, D_OUT)

  degp = _sc_deg(dstw)
  degp4 = degp.reshape(NW, _NBLK, 1, _BLK)
  hlo, hhi, dinv3 = _tc_layer1(degp4, x, W1)
  slo, shi = _sc_agg(hlo, hhi, srcp, dstp)
  h2lo, h2hi = _tc_layer2(slo, shi, dinv3, b1r, W2)
  s2lo, s2hi = _sc_agg(h2lo, h2hi, srcp, dstp)
  return _tc_pool_head(s2lo, s2hi, dinv3, b2r, batch3,
                       P1, pb1r, P2, pb2r)

# --- scband reference (transcript-rebuilt; emitter-appended) ---
"""Pipeline reference for scband-gnnencoder-gcn-48481590837596 (READ-ONLY COPY).

The authoritative reference and input builder live on the scoring server;
editing this copy changes nothing except your own understanding.
"""

import jax, jax.numpy as jnp
import numpy as np

N = 10000
E = 320000
D_IN = 128
D_H = 256
D_OUT = 128
G = 64


def setup_inputs(seed: int = 0) -> dict:
    key = jax.random.key(seed)
    ks = jax.random.split(key, 12)
    x = jax.random.normal(ks[0], (N, D_IN), dtype=jnp.float32)
    edge_index = jax.random.randint(ks[1], (2, E), 0, N)
    batch = jnp.sort(jax.random.randint(ks[2], (N,), 0, G))
    # GCNConv layer 1: input_dim -> hidden_dim
    W1 = jax.random.normal(ks[3], (D_IN, D_H), dtype=jnp.float32) * 0.05
    b1 = jnp.zeros((D_H,), dtype=jnp.float32)
    # GCNConv layer 2: hidden_dim -> hidden_dim
    W2 = jax.random.normal(ks[4], (D_H, D_H), dtype=jnp.float32) * 0.05
    b2 = jnp.zeros((D_H,), dtype=jnp.float32)
    # projection head
    P1 = jax.random.normal(ks[5], (D_H, D_H), dtype=jnp.float32) * 0.05
    pb1 = jnp.zeros((D_H,), dtype=jnp.float32)
    P2 = jax.random.normal(ks[6], (D_H, D_OUT), dtype=jnp.float32) * 0.05
    pb2 = jnp.zeros((D_OUT,), dtype=jnp.float32)
    return {"x": x, "edge_index": edge_index, "batch": batch,
            "W1": W1, "b1": b1, "W2": W2, "b2": b2,
            "P1": P1, "pb1": pb1, "P2": P2, "pb2": pb2}


def gcn_conv(x, edge_index, W, b, num_nodes):
    # x' = x @ W
    h = x @ W
    src = edge_index[0]
    dst = edge_index[1]
    # add self loops
    loop = jnp.arange(num_nodes, dtype=src.dtype)
    src = jnp.concatenate([src, loop])
    dst = jnp.concatenate([dst, loop])
    # symmetric normalization: deg computed on destination (col) with unit edge weights
    deg = jnp.zeros((num_nodes,), dtype=h.dtype).at[dst].add(1.0)
    deg_inv_sqrt = jnp.where(deg > 0, deg ** -0.5, 0.0)
    norm = deg_inv_sqrt[src] * deg_inv_sqrt[dst]
    msgs = h[src] * norm[:, None]
    out = jnp.zeros((num_nodes, h.shape[1]), dtype=h.dtype).at[dst].add(msgs)
    return out + b


def global_mean_pool(x, batch, num_graphs):
    sums = jax.ops.segment_sum(x, batch, num_segments=num_graphs)
    counts = jax.ops.segment_sum(jnp.ones((x.shape[0],), dtype=x.dtype), batch, num_segments=num_graphs)
    return sums / jnp.maximum(counts, 1.0)[:, None]


def reference(x, edge_index, batch, W1, b1, W2, b2, P1, pb1, P2, pb2):
    # layer 1
    h = jax.nn.relu(gcn_conv(x, edge_index, W1, b1, N))
    # dropout is identity in eval mode
    # layer 2
    h = jax.nn.relu(gcn_conv(h, edge_index, W2, b2, N))
    # mean readout
    g = global_mean_pool(h, batch, G)
    # projection head
    g = jax.nn.relu(g @ P1 + pb1)
    g = g @ P2 + pb2
    return g

if __name__ == "__main__":
    import jax
    _d = setup_inputs()
    print(jax.jit(kernel)(*tuple(_d.values())))

</pallas_src>

<mosaic_0001>
#map = affine_map<(d0, d1) -> (0, 0)>
module attributes {stable_mosaic.version = 14 : i64} {
  func.func @_sc_deg_body(%arg0: i32, %arg1: i32, %arg2: memref<32x10000xi32, #tpu.memory_space<hbm>>, %arg3: memref<32x10000xf32, #tpu.memory_space<hbm>>, %arg4: memref<10000xi32, #tpu.memory_space<vmem>>, %arg5: memref<10000xf32, #tpu.memory_space<vmem>>) attributes {dimension_semantics = [#tpu.dimension_semantics<core_parallel>, #tpu.dimension_semantics<subcore_parallel>], iteration_bounds = array<i64: 2, 16>, scalar_prefetch = 0 : i64, scratch_operands = 2 : i64, tpu.core_type = #tpu.core_type<sc_vector_subcore>, window_params = [{transform_indices = #map}, {transform_indices = #map}]} {
    %mul3A = arith.constant 2 : i32
    %mul3A_0 = arith.muli %arg1, %mul3A : i32
    %add3A = arith.addi %mul3A_0, %arg0 : i32
    "tpu.region"() ({
      %run_scoped3A = tpu.sem_alloc : memref<!tpu.dma_semaphore, #tpu.memory_space<semaphore_mem>>
      %dma_start3A = arith.constant 0 : i32
      %dma_start3A_25 = tpu.memref_slice %arg2[%add3A, %dma_start3A] : memref<32x10000xi32, #tpu.memory_space<hbm>> -> memref<1x10000xi32, #tpu.memory_space<hbm>>
      %dma_start3A_26 = tpu.memref_squeeze %dma_start3A_25 : memref<1x10000xi32, #tpu.memory_space<hbm>> -> memref<10000xi32, #tpu.memory_space<hbm>>
      %dma_start3A_27 = arith.constant 0 : i32
      %dma_start3A_28 = tpu.memref_slice %arg2[%add3A, %dma_start3A_27] : memref<32x10000xi32, #tpu.memory_space<hbm>> -> memref<1x10000xi32, #tpu.memory_space<hbm>>
      %dma_start3A_29 = tpu.memref_squeeze %dma_start3A_28 : memref<1x10000xi32, #tpu.memory_space<hbm>> -> memref<10000xi32, #tpu.memory_space<hbm>>
      tpu.enqueue_dma source(%dma_start3A_29 : memref<10000xi32, #tpu.memory_space<hbm>>) target(%arg4 : memref<10000xi32, #tpu.memory_space<vmem>>) target_semaphore(%run_scoped3A : memref<!tpu.dma_semaphore, #tpu.memory_space<semaphore_mem>>)
      %dma_wait3A = arith.constant 0 : i32
      %dma_wait3A_30 = tpu.memref_slice %arg2[%add3A, %dma_wait3A] : memref<32x10000xi32, #tpu.memory_space<hbm>> -> memref<1x10000xi32, #tpu.memory_space<hbm>>
      %dma_wait3A_31 = tpu.memref_squeeze %dma_wait3A_30 : memref<1x10000xi32, #tpu.memory_space<hbm>> -> memref<10000xi32, #tpu.memory_space<hbm>>
      %dma_wait3A_32 = arith.constant 0 : i32
      %dma_wait3A_33 = tpu.memref_slice %arg2[%add3A, %dma_wait3A_32] : memref<32x10000xi32, #tpu.memory_space<hbm>> -> memref<1x10000xi32, #tpu.memory_space<hbm>>
      %dma_wait3A_34 = tpu.memref_squeeze %dma_wait3A_33 : memref<1x10000xi32, #tpu.memory_space<hbm>> -> memref<10000xi32, #tpu.memory_space<hbm>>
      tpu.wait_dma2 semaphore(%run_scoped3A : memref<!tpu.dma_semaphore, #tpu.memory_space<semaphore_mem>>) src(%dma_wait3A_34 : memref<10000xi32, #tpu.memory_space<hbm>>) dst(%arg4 : memref<10000xi32, #tpu.memory_space<vmem>>)
      tpu.yield
    }) : () -> ()
    %broadcast_in_dim3A = arith.constant 0.000000e+00 : f32
    %broadcast_in_dim3A_1 = vector.broadcast %broadcast_in_dim3A : f32 to vector<16xf32>
    %broadcast_in_dim3A_2 = arith.constant 1.000000e+00 : f32
    %broadcast_in_dim3A_3 = vector.broadcast %broadcast_in_dim3A_2 : f32 to vector<16xf32>
    %scan3A = arith.constant 0 : i32
    %scan3A_4 = arith.constant 0 : i32
    %scan3A_5 = arith.constant 624 : i32
    %scan3A_6 = arith.addi %scan3A_4, %scan3A_5 : i32
    %scan3A_7 = arith.constant 4 : i32
    scf.for %scan3A_25 = %scan3A_4 to %scan3A_6 step %scan3A_7  : i32 {
      %mul3A_26 = arith.constant 16 : i32
      %mul3A_27 = arith.muli %scan3A_25, %mul3A_26 : i32
      %swap3A_28 = arith.index_cast %mul3A_27 : i32 to index
      %swap3A_29 = tpu.vector_load %arg5[%swap3A_28] {strides = array<i32>} : memref<10000xf32, #tpu.memory_space<vmem>>, vector<16xf32>,
      tpu.vector_store %arg5[%swap3A_28], %broadcast_in_dim3A_1 {strides = array<i32>} : memref<10000xf32, #tpu.memory_space<vmem>>, vector<16xf32>,
      %scan3A_30 = arith.constant 1 : i32
      %scan3A_31 = arith.addi %scan3A_25, %scan3A_30 : i32
      %mul3A_32 = arith.constant 16 : i32
      %mul3A_33 = arith.muli %scan3A_31, %mul3A_32 : i32
      %swap3A_34 = arith.index_cast %mul3A_33 : i32 to index
      %swap3A_35 = tpu.vector_load %arg5[%swap3A_34] {strides = array<i32>} : memref<10000xf32, #tpu.memory_space<vmem>>, vector<16xf32>,
      tpu.vector_store %arg5[%swap3A_34], %broadcast_in_dim3A_1 {strides = array<i32>} : memref<10000xf32, #tpu.memory_space<vmem>>, vector<16xf32>,
      %scan3A_36 = arith.constant 2 : i32
      %scan3A_37 = arith.addi %scan3A_25, %scan3A_36 : i32
      %mul3A_38 = arith.constant 16 : i32
      %mul3A_39 = arith.muli %scan3A_37, %mul3A_38 : i32
      %swap3A_40 = arith.index_cast %mul3A_39 : i32 to index
      %swap3A_41 = tpu.vector_load %arg5[%swap3A_40] {strides = array<i32>} : memref<10000xf32, #tpu.memory_space<vmem>>, vector<16xf32>,
      tpu.vector_store %arg5[%swap3A_40], %broadcast_in_dim3A_1 {strides = array<i32>} : memref<10000xf32, #tpu.memory_space<vmem>>, vector<16xf32>,
      %scan3A_42 = arith.constant 3 : i32
      %scan3A_43 = arith.addi %scan3A_25, %scan3A_42 : i32
      %mul3A_44 = arith.constant 16 : i32
      %mul3A_45 = arith.muli %scan3A_43, %mul3A_44 : i32
      %swap3A_46 = arith.index_cast %mul3A_45 : i32 to index
      %swap3A_47 = tpu.vector_load %arg5[%swap3A_46] {strides = array<i32>} : memref<10000xf32, #tpu.memory_space<vmem>>, vector<16xf32>,
      tpu.vector_store %arg5[%swap3A_46], %broadcast_in_dim3A_1 {strides = array<i32>} : memref<10000xf32, #tpu.memory_space<vmem>>, vector<16xf32>,
    }
    %scan3A_8 = arith.constant 624 : i32
    %scan3A_9 = arith.addi %scan3A_4, %scan3A_8 : i32
    %mul3A_10 = arith.constant 16 : i32
    %mul3A_11 = arith.muli %scan3A_9, %mul3A_10 : i32
    %swap3A = arith.index_cast %mul3A_11 : i32 to index
    %swap3A_12 = tpu.vector_load %arg5[%swap3A] {strides = array<i32>} : memref<10000xf32, #tpu.memory_space<vmem>>, vector<16xf32>,
    tpu.vector_store %arg5[%swap3A], %broadcast_in_dim3A_1 {strides = array<i32>} : memref<10000xf32, #tpu.memory_space<vmem>>, vector<16xf32>,
    %scan3A_13 = arith.constant 625 : i32
    %scan3A_14 = arith.constant 0 : i32
    %scan3A_15 = arith.constant 0 : i32
    %scan3A_16 = arith.constant 624 : i32
    %scan3A_17 = arith.addi %scan3A_15, %scan3A_16 : i32
    %scan3A_18 = arith.constant 4 : i32
    scf.for %scan3A_25 = %scan3A_15 to %scan3A_17 step %scan3A_18  : i32 {
      %mul3A_26 = arith.constant 16 : i32
      %mul3A_27 = arith.muli %scan3A_25, %mul3A_26 : i32
      %get3A_28 = arith.index_cast %mul3A_27 : i32 to index
      %get3A_29 = tpu.vector_load %arg4[%get3A_28] {strides = array<i32>} : memref<10000xi32, #tpu.memory_space<vmem>>, vector<16xi32>,
      tpu.vector_store_idx %arg5[%get3A_29], %broadcast_in_dim3A_3 {add = true} : memref<10000xf32, #tpu.memory_space<vmem>>[vector<16xi32>], vector<16xf32>,
      %scan3A_30 = arith.constant 1 : i32
      %scan3A_31 = arith.addi %scan3A_25, %scan3A_30 : i32
      %mul3A_32 = arith.constant 16 : i32
      %mul3A_33 = arith.muli %scan3A_31, %mul3A_32 : i32
      %get3A_34 = arith.index_cast %mul3A_33 : i32 to index
      %get3A_35 = tpu.vector_load %arg4[%get3A_34] {strides = array<i32>} : memref<10000xi32, #tpu.memory_space<vmem>>, vector<16xi32>,
      tpu.vector_store_idx %arg5[%get3A_35], %broadcast_in_dim3A_3 {add = true} : memref<10000xf32, #tpu.memory_space<vmem>>[vector<16xi32>], vector<16xf32>,
      %scan3A_36 = arith.constant 2 : i32
      %scan3A_37 = arith.addi %scan3A_25, %scan3A_36 : i32
      %mul3A_38 = arith.constant 16 : i32
      %mul3A_39 = arith.muli %scan3A_37, %mul3A_38 : i32
      %get3A_40 = arith.index_cast %mul3A_39 : i32 to index
      %get3A_41 = tpu.vector_load %arg4[%get3A_40] {strides = array<i32>} : memref<10000xi32, #tpu.memory_space<vmem>>, vector<16xi32>,
      tpu.vector_store_idx %arg5[%get3A_41], %broadcast_in_dim3A_3 {add = true} : memref<10000xf32, #tpu.memory_space<vmem>>[vector<16xi32>], vector<16xf32>,
      %scan3A_42 = arith.constant 3 : i32
      %scan3A_43 = arith.addi %scan3A_25, %scan3A_42 : i32
      %mul3A_44 = arith.constant 16 : i32
      %mul3A_45 = arith.muli %scan3A_43, %mul3A_44 : i32
      %get3A_46 = arith.index_cast %mul3A_45 : i32 to index
      %get3A_47 = tpu.vector_load %arg4[%get3A_46] {strides = array<i32>} : memref<10000xi32, #tpu.memory_space<vmem>>, vector<16xi32>,
      tpu.vector_store_idx %arg5[%get3A_47], %broadcast_in_dim3A_3 {add = true} : memref<10000xf32, #tpu.memory_space<vmem>>[vector<16xi32>], vector<16xf32>,
    }
    %scan3A_19 = arith.constant 624 : i32
    %scan3A_20 = arith.addi %scan3A_15, %scan3A_19 : i32
    %mul3A_21 = arith.constant 16 : i32
    %mul3A_22 = arith.muli %scan3A_20, %mul3A_21 : i32
    %get3A = arith.index_cast %mul3A_22 : i32 to index
    %get3A_23 = tpu.vector_load %arg4[%get3A] {strides = array<i32>} : memref<10000xi32, #tpu.memory_space<vmem>>, vector<16xi32>,
    tpu.vector_store_idx %arg5[%get3A_23], %broadcast_in_dim3A_3 {add = true} : memref<10000xf32, #tpu.memory_space<vmem>>[vector<16xi32>], vector<16xf32>,
    %scan3A_24 = arith.constant 625 : i32
    "tpu.region"() ({
      %run_scoped3A = tpu.sem_alloc : memref<!tpu.dma_semaphore, #tpu.memory_space<semaphore_mem>>
      %dma_start3A = arith.constant 0 : i32
      %dma_start3A_25 = tpu.memref_slice %arg3[%add3A, %dma_start3A] : memref<32x10000xf32, #tpu.memory_space<hbm>> -> memref<1x10000xf32, #tpu.memory_space<hbm>>
      %dma_start3A_26 = tpu.memref_squeeze %dma_start3A_25 : memref<1x10000xf32, #tpu.memory_space<hbm>> -> memref<10000xf32, #tpu.memory_space<hbm>>
      %dma_start3A_27 = arith.constant 0 : i32
      %dma_start3A_28 = tpu.memref_slice %arg3[%add3A, %dma_start3A_27] : memref<32x10000xf32, #tpu.memory_space<hbm>> -> memref<1x10000xf32, #tpu.memory_space<hbm>>
      %dma_start3A_29 = tpu.memref_squeeze %dma_start3A_28 : memref<1x10000xf32, #tpu.memory_space<hbm>> -> memref<10000xf32, #tpu.memory_space<hbm>>
      tpu.enqueue_dma source(%arg5 : memref<10000xf32, #tpu.memory_space<vmem>>) target(%dma_start3A_29 : memref<10000xf32, #tpu.memory_space<hbm>>) target_semaphore(%run_scoped3A : memref<!tpu.dma_semaphore, #tpu.memory_space<semaphore_mem>>)
      %dma_wait3A = arith.constant 0 : i32
      %dma_wait3A_30 = tpu.memref_slice %arg3[%add3A, %dma_wait3A] : memref<32x10000xf32, #tpu.memory_space<hbm>> -> memref<1x10000xf32, #tpu.memory_space<hbm>>
      %dma_wait3A_31 = tpu.memref_squeeze %dma_wait3A_30 : memref<1x10000xf32, #tpu.memory_space<hbm>> -> memref<10000xf32, #tpu.memory_space<hbm>>
      %dma_wait3A_32 = arith.constant 0 : i32
      %dma_wait3A_33 = tpu.memref_slice %arg3[%add3A, %dma_wait3A_32] : memref<32x10000xf32, #tpu.memory_space<hbm>> -> memref<1x10000xf32, #tpu.memory_space<hbm>>
      %dma_wait3A_34 = tpu.memref_squeeze %dma_wait3A_33 : memref<1x10000xf32, #tpu.memory_space<hbm>> -> memref<10000xf32, #tpu.memory_space<hbm>>
      tpu.wait_dma2 semaphore(%run_scoped3A : memref<!tpu.dma_semaphore, #tpu.memory_space<semaphore_mem>>) src(%arg5 : memref<10000xf32, #tpu.memory_space<vmem>>) dst(%dma_wait3A_34 : memref<10000xf32, #tpu.memory_space<hbm>>)
      tpu.yield
    }) : () -> ()
    return
  }
}

#map = affine_map<(d0, d1) -> (0, 0)>
#map1 = affine_map<(d0, d1) -> (0, 0, 0)>
module attributes {stable_mosaic.version = 14 : i64} {
  func.func @_sc_agg_body(%arg0: i32, %arg1: i32, %arg2: memref<10000x128xf32, #tpu.memory_space<hbm>>, %arg3: memref<10000x128xf32, #tpu.memory_space<hbm>>, %arg4: memref<16x158x128xi32, #tpu.memory_space<hbm>>, %arg5: memref<16x158x128xi32, #tpu.memory_space<hbm>>, %arg6: memref<10000x128xf32, #tpu.memory_space<hbm>>, %arg7: memref<10000x128xf32, #tpu.memory_space<hbm>>, %arg8: memref<10008x128xf32, #tpu.memory_space<vmem_shared>>, %arg9: memref<128xi32, #tpu.memory_space<vmem>>, %arg10: memref<128xi32, #tpu.memory_space<vmem>>, %arg11: memref<128xi32, #tpu.memory_space<vmem>>, %arg12: memref<128xi32, #tpu.memory_space<vmem>>, %arg13: memref<128x128xf32, #tpu.memory_space<vmem>>, %arg14: memref<128x128xf32, #tpu.memory_space<vmem>>, %arg15: memref<!tpu.dma_semaphore, #tpu.memory_space<semaphore_mem>>, %arg16: memref<!tpu.dma_semaphore, #tpu.memory_space<semaphore_mem>>, %arg17: memref<!tpu.dma_semaphore, #tpu.memory_space<semaphore_mem>>, %arg18: memref<!tpu.dma_semaphore, #tpu.memory_space<semaphore_mem>>, %arg19: memref<!tpu.dma_semaphore, #tpu.memory_space<semaphore_mem>>, %arg20: memref<!tpu.dma_semaphore, #tpu.memory_space<semaphore_mem>>) attributes {dimension_semantics = [#tpu.dimension_semantics<core_parallel>, #tpu.dimension_semantics<subcore_parallel>], iteration_bounds = array<i64: 2, 16>, scalar_prefetch = 0 : i64, scratch_operands = 13 : i64, tpu.core_type = #tpu.core_type<sc_vector_subcore>, window_params = [{transform_indices = #map}, {transform_indices = #map}, {transform_indices = #map1}, {transform_indices = #map1}, {transform_indices = #map}, {transform_indices = #map}]} {
    %eq3A = arith.constant 0 : i32
    %eq3A_0 = arith.cmpi eq, %arg0, %eq3A : i32
    %convert_element_type3A = arith.extui %eq3A_0 : i1 to i32
    %cond3A = arith.constant 0 : i32
    %cond3A_1 = arith.cmpi ne, %convert_element_type3A, %cond3A : i32
    scf.if %cond3A_1 {
      %scan3A = arith.constant 0 : i32
      %scan3A_7 = arith.constant 0 : i32
      %scan3A_8 = arith.constant 8 : i32
      %scan3A_9 = arith.addi %scan3A_7, %scan3A_8 : i32
      %scan3A_10 = arith.constant 1 : i32
      scf.for %scan3A_59 = %scan3A_7 to %scan3A_9 step %scan3A_10  : i32 {
        %mul3A = arith.constant 16 : i32
        %mul3A_60 = arith.muli %scan3A_59, %mul3A : i32
        %add3A = arith.addi %arg1, %mul3A_60 : i32
        %lt3A = arith.constant 125 : i32
        %lt3A_61 = arith.cmpi slt, %add3A, %lt3A : i32
        %convert_element_type3A_62 = arith.extui %lt3A_61 : i1 to i32
        %cond3A_63 = arith.constant 0 : i32
        %cond3A_64 = arith.cmpi ne, %convert_element_type3A_62, %cond3A_63 : i32
        scf.if %cond3A_64 {
          %mul3A_65 = arith.constant 80 : i32
          %mul3A_66 = arith.muli %add3A, %mul3A_65 : i32
          %multiple_of3A = tpu.assume_multiple %mul3A_66, 8 : i32
          "tpu.region"() ({
            %run_scoped3A_67 = tpu.sem_alloc : memref<!tpu.dma_semaphore, #tpu.memory_space<semaphore_mem>>
            %dma_start3A_68 = arith.constant 0 : i32
            %dma_start3A_69 = tpu.memref_slice %arg8[%multiple_of3A, %dma_start3A_68] : memref<10008x128xf32, #tpu.memory_space<vmem_shared>> -> memref<80x128xf32, #tpu.memory_space<vmem_shared>>
            %dma_start3A_70 = arith.constant 0 : i32
            %dma_start3A_71 = tpu.memref_slice %arg2[%multiple_of3A, %dma_start3A_70] : memref<10000x128xf32, #tpu.memory_space<hbm>> -> memref<80x128xf32, #tpu.memory_space<hbm>>
            tpu.enqueue_dma source(%dma_start3A_71 : memref<80x128xf32, #tpu.memory_space<hbm>>) target(%dma_start3A_69 : memref<80x128xf32, #tpu.memory_space<vmem_shared>>) target_semaphore(%run_scoped3A_67 : memref<!tpu.dma_semaphore, #tpu.memory_space<semaphore_mem>>)
            %dma_wait3A = arith.constant 0 : i32
            %dma_wait3A_72 = tpu.memref_slice %arg8[%multiple_of3A, %dma_wait3A] : memref<10008x128xf32, #tpu.memory_space<vmem_shared>> -> memref<80x128xf32, #tpu.memory_space<vmem_shared>>
            %dma_wait3A_73 = arith.constant 0 : i32
            %dma_wait3A_74 = tpu.memref_slice %arg2[%multiple_of3A, %dma_wait3A_73] : memref<10000x128xf32, #tpu.memory_space<hbm>> -> memref<80x128xf32, #tpu.memory_space<hbm>>
            tpu.wait_dma2 semaphore(%run_scoped3A_67 : memref<!tpu.dma_semaphore, #tpu.memory_space<semaphore_mem>>) src(%dma_wait3A_74 : memref<80x128xf32, #tpu.memory_space<hbm>>) dst(%dma_wait3A_72 : memref<80x128xf32, #tpu.memory_space<vmem_shared>>)
            tpu.yield
          }) : () -> ()
        } else {
        }
      }
      %scan3A_11 = arith.constant 8 : i32
      %barrier3A = arith.constant 0 : index
      tpu.barrier barrier_id(%barrier3A)
      %run_scoped3A = arith.constant 0 : i32
      "tpu.region"() ({
        %run_scoped3A_59 = tpu.sem_alloc : memref<!tpu.dma_semaphore, #tpu.memory_space<semaphore_mem>>
        %dma_start3A_60 = arith.constant 0 : i32
        %dma_start3A_61 = tpu.memref_slice %arg4[%arg1, %run_scoped3A, %dma_start3A_60] : memref<16x158x128xi32, #tpu.memory_space<hbm>> -> memref<1x1x128xi32, #tpu.memory_space<hbm>>
        %dma_start3A_62 = tpu.memref_squeeze %dma_start3A_61 : memref<1x1x128xi32, #tpu.memory_space<hbm>> -> memref<128xi32, #tpu.memory_space<hbm>>
        %dma_start3A_63 = arith.constant 0 : i32
        %dma_start3A_64 = tpu.memref_slice %arg4[%arg1, %run_scoped3A, %dma_start3A_63] : memref<16x158x128xi32, #tpu.memory_space<hbm>> -> memref<1x1x128xi32, #tpu.memory_space<hbm>>
        %dma_start3A_65 = tpu.memref_squeeze %dma_start3A_64 : memref<1x1x128xi32, #tpu.memory_space<hbm>> -> memref<128xi32, #tpu.memory_space<hbm>>
        tpu.enqueue_dma source(%dma_start3A_65 : memref<128xi32, #tpu.memory_space<hbm>>) target(%arg9 : memref<128xi32, #tpu.memory_space<vmem>>) target_semaphore(%run_scoped3A_59 : memref<!tpu.dma_semaphore, #tpu.memory_space<semaphore_mem>>)
        %dma_wait3A = arith.constant 0 : i32
        %dma_wait3A_66 = tpu.memref_slice %arg4[%arg1, %run_scoped3A, %dma_wait3A] : memref<16x158x128xi32, #tpu.memory_space<hbm>> -> memref<1x1x128xi32, #tpu.memory_space<hbm>>
        %dma_wait3A_67 = tpu.memref_squeeze %dma_wait3A_66 : memref<1x1x128xi32, #tpu.memory_space<hbm>> -> memref<128xi32, #tpu.memory_space<hbm>>
        %dma_wait3A_68 = arith.constant 0 : i32
        %dma_wait3A_69 = tpu.memref_slice %arg4[%arg1, %run_scoped3A, %dma_wait3A_68] : memref<16x158x128xi32, #tpu.memory_space<hbm>> -> memref<1x1x128xi32, #tpu.memory_space<hbm>>
        %dma_wait3A_70 = tpu.memref_squeeze %dma_wait3A_69 : memref<1x1x128xi32, #tpu.memory_space<hbm>> -> memref<128xi32, #tpu.memory_space<hbm>>
        tpu.wait_dma2 semaphore(%run_scoped3A_59 : memref<!tpu.dma_semaphore, #tpu.memory_space<semaphore_mem>>) src(%dma_wait3A_70 : memref<128xi32, #tpu.memory_space<hbm>>) dst(%arg9 : memref<128xi32, #tpu.memory_space<vmem>>)
        tpu.yield
      }) : () -> ()
      %run_scoped3A_12 = arith.constant 0 : i32
      "tpu.region"() ({
        %run_scoped3A_59 = tpu.sem_alloc : memref<!tpu.dma_semaphore, #tpu.memory_space<semaphore_mem>>
        %dma_start3A_60 = arith.constant 0 : i32
        %dma_start3A_61 = tpu.memref_slice %arg5[%arg1, %run_scoped3A_12, %dma_start3A_60] : memref<16x158x128xi32, #tpu.memory_space<hbm>> -> memref<1x1x128xi32, #tpu.memory_space<hbm>>
        %dma_start3A_62 = tpu.memref_squeeze %dma_start3A_61 : memref<1x1x128xi32, #tpu.memory_space<hbm>> -> memref<128xi32, #tpu.memory_space<hbm>>
        %dma_start3A_63 = arith.constant 0 : i32
        %dma_start3A_64 = tpu.memref_slice %arg5[%arg1, %run_scoped3A_12, %dma_start3A_63] : memref<16x158x128xi32, #tpu.memory_space<hbm>> -> memref<1x1x128xi32, #tpu.memory_space<hbm>>
        %dma_start3A_65 = tpu.memref_squeeze %dma_start3A_64 : memref<1x1x128xi32, #tpu.memory_space<hbm>> -> memref<128xi32, #tpu.memory_space<hbm>>
        tpu.enqueue_dma source(%dma_start3A_65 : memref<128xi32, #tpu.memory_space<hbm>>) target(%arg11 : memref<128xi32, #tpu.memory_space<vmem>>) target_semaphore(%run_scoped3A_59 : memref<!tpu.dma_semaphore, #tpu.memory_space<semaphore_mem>>)
        %dma_wait3A = arith.constant 0 : i32
        %dma_wait3A_66 = tpu.memref_slice %arg5[%arg1, %run_scoped3A_12, %dma_wait3A] : memref<16x158x128xi32, #tpu.memory_space<hbm>> -> memref<1x1x128xi32, #tpu.memory_space<hbm>>
        %dma_wait3A_67 = tpu.memref_squeeze %dma_wait3A_66 : memref<1x1x128xi32, #tpu.memory_space<hbm>> -> memref<128xi32, #tpu.memory_space<hbm>>
        %dma_wait3A_68 = arith.constant 0 : i32
        %dma_wait3A_69 = tpu.memref_slice %arg5[%arg1, %run_scoped3A_12, %dma_wait3A_68] : memref<16x158x128xi32, #tpu.memory_space<hbm>> -> memref<1x1x128xi32, #tpu.memory_space<hbm>>
        %dma_wait3A_70 = tpu.memref_squeeze %dma_wait3A_69 : memref<1x1x128xi32, #tpu.memory_space<hbm>> -> memref<128xi32, #tpu.memory_space<hbm>>
        tpu.wait_dma2 semaphore(%run_scoped3A_59 : memref<!tpu.dma_semaphore, #tpu.memory_space<semaphore_mem>>) src(%dma_wait3A_70 : memref<128xi32, #tpu.memory_space<hbm>>) dst(%arg11 : memref<128xi32, #tpu.memory_space<vmem>>)
        tpu.yield
      }) : () -> ()
      %dma_start3A = arith.constant 0 : i32
      %dma_start3A_13 = arith.constant 0 : i32
      %dma_start3A_14 = tpu.memref_slice %arg13[%dma_start3A, %dma_start3A_13] : memref<128x128xf32, #tpu.memory_space<vmem>> -> memref<64x128xf32, #tpu.memory_space<vmem>>
      %dma_start3A_15 = arith.constant 0 : i32
      %dma_start3A_16 = tpu.memref_slice %arg9[%dma_start3A_15] : memref<128xi32, #tpu.memory_space<vmem>> -> memref<64xi32, #tpu.memory_space<vmem>>
      %dma_start3A_17 = arith.constant 0 : i32
      %dma_start3A_18 = arith.constant 0 : i32
      %dma_start3A_19 = tpu.memref_slice %arg2[%dma_start3A_17, %dma_start3A_18] : memref<10000x128xf32, #tpu.memory_space<hbm>> -> memref<10000x128xf32, #tpu.memory_space<hbm>>
      tpu.enqueue_indirect_dma source(%dma_start3A_19 : memref<10000x128xf32, #tpu.memory_space<hbm>>) target(%dma_start3A_14 : memref<64x128xf32, #tpu.memory_space<vmem>>) offsets(%dma_start3A_16 : memref<64xi32, #tpu.memory_space<vmem>>) semaphore(%arg15 : memref<!tpu.dma_semaphore, #tpu.memory_space<semaphore_mem>>)
      %dma_start3A_20 = arith.constant 64 : i32
      %dma_start3A_21 = arith.constant 0 : i32
      %dma_start3A_22 = tpu.memref_slice %arg13[%dma_start3A_20, %dma_start3A_21] : memref<128x128xf32, #tpu.memory_space<vmem>> -> memref<64x128xf32, #tpu.memory_space<vmem>>
      %dma_start3A_23 = arith.constant 64 : i32
      %dma_start3A_24 = tpu.memref_slice %arg9[%dma_start3A_23] : memref<128xi32, #tpu.memory_space<vmem>> -> memref<64xi32, #tpu.memory_space<vmem>>
      %dma_start3A_25 = arith.constant 0 : i32
      %dma_start3A_26 = arith.constant 0 : i32
      %dma_start3A_27 = tpu.memref_slice %arg2[%dma_start3A_25, %dma_start3A_26] : memref<10000x128xf32, #tpu.memory_space<hbm>> -> memref<10000x128xf32, #tpu.memory_space<hbm>>
      tpu.enqueue_indirect_dma source(%dma_start3A_27 : memref<10000x128xf32, #tpu.memory_space<hbm>>) target(%dma_start3A_22 : memref<64x128xf32, #tpu.memory_space<vmem>>) offsets(%dma_start3A_24 : memref<64xi32, #tpu.memory_space<vmem>>) semaphore(%arg15 : memref<!tpu.dma_semaphore, #tpu.memory_space<semaphore_mem>>)
      %run_scoped3A_28 = arith.constant 1 : i32
      "tpu.region"() ({
        %run_scoped3A_59 = tpu.sem_alloc : memref<!tpu.dma_semaphore, #tpu.memory_space<semaphore_mem>>
        %dma_start3A_60 = arith.constant 0 : i32
        %dma_start3A_61 = tpu.memref_slice %arg4[%arg1, %run_scoped3A_28, %dma_start3A_60] : memref<16x158x128xi32, #tpu.memory_space<hbm>> -> memref<1x1x128xi32, #tpu.memory_space<hbm>>
        %dma_start3A_62 = tpu.memref_squeeze %dma_start3A_61 : memref<1x1x128xi32, #tpu.memory_space<hbm>> -> memref<128xi32, #tpu.memory_space<hbm>>
        %dma_start3A_63 = arith.constant 0 : i32
        %dma_start3A_64 = tpu.memref_slice %arg4[%arg1, %run_scoped3A_28, %dma_start3A_63] : memref<16x158x128xi32, #tpu.memory_space<hbm>> -> memref<1x1x128xi32, #tpu.memory_space<hbm>>
        %dma_start3A_65 = tpu.memref_squeeze %dma_start3A_64 : memref<1x1x128xi32, #tpu.memory_space<hbm>> -> memref<128xi32, #tpu.memory_space<hbm>>
        tpu.enqueue_dma source(%dma_start3A_65 : memref<128xi32, #tpu.memory_space<hbm>>) target(%arg10 : memref<128xi32, #tpu.memory_space<vmem>>) target_semaphore(%run_scoped3A_59 : memref<!tpu.dma_semaphore, #tpu.memory_space<semaphore_mem>>)
        %dma_wait3A = arith.constant 0 : i32
        %dma_wait3A_66 = tpu.memref_slice %arg4[%arg1, %run_scoped3A_28, %dma_wait3A] : memref<16x158x128xi32, #tpu.memory_space<hbm>> -> memref<1x1x128xi32, #tpu.memory_space<hbm>>
        %dma_wait3A_67 = tpu.memref_squeeze %dma_wait3A_66 : memref<1x1x128xi32, #tpu.memory_space<hbm>> -> memref<128xi32, #tpu.memory_space<hbm>>
        %dma_wait3A_68 = arith.constant 0 : i32
        %dma_wait3A_69 = tpu.memref_slice %arg4[%arg1, %run_scoped3A_28, %dma_wait3A_68] : memref<16x158x128xi32, #tpu.memory_space<hbm>> -> memref<1x1x128xi32, #tpu.memory_space<hbm>>
        %dma_wait3A_70 = tpu.memref_squeeze %dma_wait3A_69 : memref<1x1x128xi32, #tpu.memory_space<hbm>> -> memref<128xi32, #tpu.memory_space<hbm>>
        tpu.wait_dma2 semaphore(%run_scoped3A_59 : memref<!tpu.dma_semaphore, #tpu.memory_space<semaphore_mem>>) src(%dma_wait3A_70 : memref<128xi32, #tpu.memory_space<hbm>>) dst(%arg10 : memref<128xi32, #tpu.memory_space<vmem>>)
        tpu.yield
      }) : () -> ()
      %run_scoped3A_29 = arith.constant 1 : i32
      "tpu.region"() ({
        %run_scoped3A_59 = tpu.sem_alloc : memref<!tpu.dma_semaphore, #tpu.memory_space<semaphore_mem>>
        %dma_start3A_60 = arith.constant 0 : i32
        %dma_start3A_61 = tpu.memref_slice %arg5[%arg1, %run_scoped3A_29, %dma_start3A_60] : memref<16x158x128xi32, #tpu.memory_space<hbm>> -> memref<1x1x128xi32, #tpu.memory_space<hbm>>
        %dma_start3A_62 = tpu.memref_squeeze %dma_start3A_61 : memref<1x1x128xi32, #tpu.memory_space<hbm>> -> memref<128xi32, #tpu.memory_space<hbm>>
        %dma_start3A_63 = arith.constant 0 : i32
        %dma_start3A_64 = tpu.memref_slice %arg5[%arg1, %run_scoped3A_29, %dma_start3A_63] : memref<16x158x128xi32, #tpu.memory_space<hbm>> -> memref<1x1x128xi32, #tpu.memory_space<hbm>>
        %dma_start3A_65 = tpu.memref_squeeze %dma_start3A_64 : memref<1x1x128xi32, #tpu.memory_space<hbm>> -> memref<128xi32, #tpu.memory_space<hbm>>
        tpu.enqueue_dma source(%dma_start3A_65 : memref<128xi32, #tpu.memory_space<hbm>>) target(%arg12 : memref<128xi32, #tpu.memory_space<vmem>>) target_semaphore(%run_scoped3A_59 : memref<!tpu.dma_semaphore, #tpu.memory_space<semaphore_mem>>)
        %dma_wait3A = arith.constant 0 : i32
        %dma_wait3A_66 = tpu.memref_slice %arg5[%arg1, %run_scoped3A_29, %dma_wait3A] : memref<16x158x128xi32, #tpu.memory_space<hbm>> -> memref<1x1x128xi32, #tpu.memory_space<hbm>>
        %dma_wait3A_67 = tpu.memref_squeeze %dma_wait3A_66 : memref<1x1x128xi32, #tpu.memory_space<hbm>> -> memref<128xi32, #tpu.memory_space<hbm>>
        %dma_wait3A_68 = arith.constant 0 : i32
        %dma_wait3A_69 = tpu.memref_slice %arg5[%arg1, %run_scoped3A_29, %dma_wait3A_68] : memref<16x158x128xi32, #tpu.memory_space<hbm>> -> memref<1x1x128xi32, #tpu.memory_space<hbm>>
        %dma_wait3A_70 = tpu.memref_squeeze %dma_wait3A_69 : memref<1x1x128xi32, #tpu.memory_space<hbm>> -> memref<128xi32, #tpu.memory_space<hbm>>
        tpu.wait_dma2 semaphore(%run_scoped3A_59 : memref<!tpu.dma_semaphore, #tpu.memory_space<semaphore_mem>>) src(%dma_wait3A_70 : memref<128xi32, #tpu.memory_space<hbm>>) dst(%arg12 : memref<128xi32, #tpu.memory_space<vmem>>)
        tpu.yield
      }) : () -> ()
      %dma_start3A_30 = arith.constant 0 : i32
      %dma_start3A_31 = arith.constant 0 : i32
      %dma_start3A_32 = tpu.memref_slice %arg14[%dma_start3A_30, %dma_start3A_31] : memref<128x128xf32, #tpu.memory_space<vmem>> -> memref<64x128xf32, #tpu.memory_space<vmem>>
      %dma_start3A_33 = arith.constant 0 : i32
      %dma_start3A_34 = tpu.memref_slice %arg10[%dma_start3A_33] : memref<128xi32, #tpu.memory_space<vmem>> -> memref<64xi32, #tpu.memory_space<vmem>>
      %dma_start3A_35 = arith.constant 0 : i32
      %dma_start3A_36 = arith.constant 0 : i32
      %dma_start3A_37 = tpu.memref_slice %arg2[%dma_start3A_35, %dma_start3A_36] : memref<10000x128xf32, #tpu.memory_space<hbm>> -> memref<10000x128xf32, #tpu.memory_space<hbm>>
      tpu.enqueue_indirect_dma source(%dma_start3A_37 : memref<10000x128xf32, #tpu.memory_space<hbm>>) target(%dma_start3A_32 : memref<64x128xf32, #tpu.memory_space<vmem>>) offsets(%dma_start3A_34 : memref<64xi32, #tpu.memory_space<vmem>>) semaphore(%arg16 : memref<!tpu.dma_semaphore, #tpu.memory_space<semaphore_mem>>)
      %dma_start3A_38 = arith.constant 64 : i32
      %dma_start3A_39 = arith.constant 0 : i32
      %dma_start3A_40 = tpu.memref_slice %arg14[%dma_start3A_38, %dma_start3A_39] : memref<128x128xf32, #tpu.memory_space<vmem>> -> memref<64x128xf32, #tpu.memory_space<vmem>>
      %dma_start3A_41 = arith.constant 64 : i32
      %dma_start3A_42 = tpu.memref_slice %arg10[%dma_start3A_41] : memref<128xi32, #tpu.memory_space<vmem>> -> memref<64xi32, #tpu.memory_space<vmem>>
      %dma_start3A_43 = arith.constant 0 : i32
      %dma_start3A_44 = arith.constant 0 : i32
      %dma_start3A_45 = tpu.memref_slice %arg2[%dma_start3A_43, %dma_start3A_44] : memref<10000x128xf32, #tpu.memory_space<hbm>> -> memref<10000x128xf32, #tpu.memory_space<hbm>>
      tpu.enqueue_indirect_dma source(%dma_start3A_45 : memref<10000x128xf32, #tpu.memory_space<hbm>>) target(%dma_start3A_40 : memref<64x128xf32, #tpu.memory_space<vmem>>) offsets(%dma_start3A_42 : memref<64xi32, #tpu.memory_space<vmem>>) semaphore(%arg16 : memref<!tpu.dma_semaphore, #tpu.memory_space<semaphore_mem>>)
      %scan3A_46 = arith.constant 0 : i32
      %scan3A_47 = arith.constant 0 : i32
      %scan3A_48 = arith.constant 79 : i32
      %scan3A_49 = arith.addi %scan3A_47, %scan3A_48 : i32
      %scan3A_50 = arith.constant 1 : i32
      scf.for %scan3A_59 = %scan3A_47 to %scan3A_49 step %scan3A_50  : i32 {
        %mul3A = arith.constant 2 : i32
        %mul3A_60 = arith.muli %mul3A, %scan3A_59 : i32
        %add3A = arith.constant 2 : i32
        %add3A_61 = arith.addi %mul3A_60, %add3A : i32
        %add3A_62 = arith.constant 0 : i32
        %add3A_63 = arith.addi %add3A_61, %add3A_62 : i32
        %dma_wait3A = arith.constant 0 : i32
        %dma_wait3A_64 = arith.constant 0 : i32
        %dma_wait3A_65 = tpu.memref_slice %arg2[%dma_wait3A, %dma_wait3A_64] : memref<10000x128xf32, #tpu.memory_space<hbm>> -> memref<10000x128xf32, #tpu.memory_space<hbm>>
        tpu.wait_indirect_dma semaphore(%arg15 : memref<!tpu.dma_semaphore, #tpu.memory_space<semaphore_mem>>) src(%dma_wait3A_65 : memref<10000x128xf32, #tpu.memory_space<hbm>>) dst(%arg13 : memref<128x128xf32, #tpu.memory_space<vmem>>)
        %lt3A = arith.constant 158 : i32
        %lt3A_66 = arith.cmpi slt, %add3A_63, %lt3A : i32
        %convert_element_type3A_67 = arith.extui %lt3A_66 : i1 to i32
        %cond3A_68 = arith.constant 0 : i32
        %cond3A_69 = arith.cmpi ne, %convert_element_type3A_67, %cond3A_68 : i32
        scf.if %cond3A_69 {
          %dma_start3A_103 = arith.constant 0 : i32
          %dma_start3A_104 = tpu.memref_slice %arg4[%arg1, %add3A_63, %dma_start3A_103] : memref<16x158x128xi32, #tpu.memory_space<hbm>> -> memref<1x1x128xi32, #tpu.memory_space<hbm>>
          %dma_start3A_105 = tpu.memref_squeeze %dma_start3A_104 : memref<1x1x128xi32, #tpu.memory_space<hbm>> -> memref<128xi32, #tpu.memory_space<hbm>>
          %dma_start3A_106 = arith.constant 0 : i32
          %dma_start3A_107 = tpu.memref_slice %arg4[%arg1, %add3A_63, %dma_start3A_106] : memref<16x158x128xi32, #tpu.memory_space<hbm>> -> memref<1x1x128xi32, #tpu.memory_space<hbm>>
          %dma_start3A_108 = tpu.memref_squeeze %dma_start3A_107 : memref<1x1x128xi32, #tpu.memory_space<hbm>> -> memref<128xi32, #tpu.memory_space<hbm>>
          tpu.enqueue_dma source(%dma_start3A_108 : memref<128xi32, #tpu.memory_space<hbm>>) target(%arg9 : memref<128xi32, #tpu.memory_space<vmem>>) target_semaphore(%arg17 : memref<!tpu.dma_semaphore, #tpu.memory_space<semaphore_mem>>)
        } else {
        }
        %gt3A = arith.constant 0 : i32
        %gt3A_70 = arith.cmpi sgt, %scan3A_59, %gt3A : i32
        %convert_element_type3A_71 = arith.extui %gt3A_70 : i1 to i32
        %cond3A_72 = arith.constant 0 : i32
        %cond3A_73 = arith.cmpi ne, %convert_element_type3A_71, %cond3A_72 : i32
        scf.if %cond3A_73 {
          %dma_wait3A_103 = arith.constant 0 : i32
          %dma_wait3A_104 = arith.constant 0 : i32
          %dma_wait3A_105 = tpu.memref_slice %arg5[%arg1, %dma_wait3A_103, %dma_wait3A_104] : memref<16x158x128xi32, #tpu.memory_space<hbm>> -> memref<1x1x128xi32, #tpu.memory_space<hbm>>
          %dma_wait3A_106 = tpu.memref_squeeze %dma_wait3A_105 : memref<1x1x128xi32, #tpu.memory_space<hbm>> -> memref<128xi32, #tpu.memory_space<hbm>>
          %dma_wait3A_107 = arith.constant 0 : i32
          %dma_wait3A_108 = tpu.memref_slice %arg5[%arg1, %dma_wait3A_103, %dma_wait3A_107] : memref<16x158x128xi32, #tpu.memory_space<hbm>> -> memref<1x1x128xi32, #tpu.memory_space<hbm>>
          %dma_wait3A_109 = tpu.memref_squeeze %dma_wait3A_108 : memref<1x1x128xi32, #tpu.memory_space<hbm>> -> memref<128xi32, #tpu.memory_space<hbm>>
          tpu.wait_dma2 semaphore(%arg19 : memref<!tpu.dma_semaphore, #tpu.memory_space<semaphore_mem>>) src(%dma_wait3A_109 : memref<128xi32, #tpu.memory_space<hbm>>) dst(%arg11 : memref<128xi32, #tpu.memory_space<vmem>>)
        } else {
        }
        "tpu.region"() ({
          %run_scoped3A_103 = tpu.sem_alloc : memref<!tpu.dma_semaphore, #tpu.memory_space<semaphore_mem>>
          %dma_start3A_104 = arith.constant 0 : i32
          %dma_start3A_105 = arith.constant 0 : i32
          %dma_start3A_106 = tpu.memref_slice %arg8[%dma_start3A_104, %dma_start3A_105] : memref<10008x128xf32, #tpu.memory_space<vmem_shared>> -> memref<10008x128xf32, #tpu.memory_space<vmem_shared>>
          tpu.enqueue_indirect_dma source(%arg13 : memref<128x128xf32, #tpu.memory_space<vmem>>) target(%dma_start3A_106 : memref<10008x128xf32, #tpu.memory_space<vmem_shared>>) offsets(%arg11 : memref<128xi32, #tpu.memory_space<vmem>>) semaphore(%run_scoped3A_103 : memref<!tpu.dma_semaphore, #tpu.memory_space<semaphore_mem>>) {add = true}
          %dma_wait3A_107 = arith.constant 0 : i32
          %dma_wait3A_108 = arith.constant 0 : i32
          %dma_wait3A_109 = tpu.memref_slice %arg8[%dma_wait3A_107, %dma_wait3A_108] : memref<10008x128xf32, #tpu.memory_space<vmem_shared>> -> memref<10008x128xf32, #tpu.memory_space<vmem_shared>>
          tpu.wait_indirect_dma semaphore(%run_scoped3A_103 : memref<!tpu.dma_semaphore, #tpu.memory_space<semaphore_mem>>) src(%arg13 : memref<128x128xf32, #tpu.memory_space<vmem>>) dst(%dma_wait3A_109 : memref<10008x128xf32, #tpu.memory_space<vmem_shared>>)
          tpu.yield
        }) : () -> ()
        %lt3A_74 = arith.constant 158 : i32
        %lt3A_75 = arith.cmpi slt, %add3A_63, %lt3A_74 : i32
        %convert_element_type3A_76 = arith.extui %lt3A_75 : i1 to i32
        %cond3A_77 = arith.constant 0 : i32
        %cond3A_78 = arith.cmpi ne, %convert_element_type3A_76, %cond3A_77 : i32
        scf.if %cond3A_78 {
          %dma_start3A_103 = arith.constant 0 : i32
          %dma_start3A_104 = tpu.memref_slice %arg5[%arg1, %add3A_63, %dma_start3A_103] : memref<16x158x128xi32, #tpu.memory_space<hbm>> -> memref<1x1x128xi32, #tpu.memory_space<hbm>>
          %dma_start3A_105 = tpu.memref_squeeze %dma_start3A_104 : memref<1x1x128xi32, #tpu.memory_space<hbm>> -> memref<128xi32, #tpu.memory_space<hbm>>
          %dma_start3A_106 = arith.constant 0 : i32
          %dma_start3A_107 = tpu.memref_slice %arg5[%arg1, %add3A_63, %dma_start3A_106] : memref<16x158x128xi32, #tpu.memory_space<hbm>> -> memref<1x1x128xi32, #tpu.memory_space<hbm>>
          %dma_start3A_108 = tpu.memref_squeeze %dma_start3A_107 : memref<1x1x128xi32, #tpu.memory_space<hbm>> -> memref<128xi32, #tpu.memory_space<hbm>>
          tpu.enqueue_dma source(%dma_start3A_108 : memref<128xi32, #tpu.memory_space<hbm>>) target(%arg11 : memref<128xi32, #tpu.memory_space<vmem>>) target_semaphore(%arg19 : memref<!tpu.dma_semaphore, #tpu.memory_space<semaphore_mem>>)
          %dma_wait3A_109 = arith.constant 0 : i32
          %dma_wait3A_110 = arith.constant 0 : i32
          %dma_wait3A_111 = tpu.memref_slice %arg4[%arg1, %dma_wait3A_109, %dma_wait3A_110] : memref<16x158x128xi32, #tpu.memory_space<hbm>> -> memref<1x1x128xi32, #tpu.memory_space<hbm>>
          %dma_wait3A_112 = tpu.memref_squeeze %dma_wait3A_111 : memref<1x1x128xi32, #tpu.memory_space<hbm>> -> memref<128xi32, #tpu.memory_space<hbm>>
          %dma_wait3A_113 = arith.constant 0 : i32
          %dma_wait3A_114 = tpu.memref_slice %arg4[%arg1, %dma_wait3A_109, %dma_wait3A_113] : memref<16x158x128xi32, #tpu.memory_space<hbm>> -> memref<1x1x128xi32, #tpu.memory_space<hbm>>
          %dma_wait3A_115 = tpu.memref_squeeze %dma_wait3A_114 : memref<1x1x128xi32, #tpu.memory_space<hbm>> -> memref<128xi32, #tpu.memory_space<hbm>>
          tpu.wait_dma2 semaphore(%arg17 : memref<!tpu.dma_semaphore, #tpu.memory_space<semaphore_mem>>) src(%dma_wait3A_115 : memref<128xi32, #tpu.memory_space<hbm>>) dst(%arg9 : memref<128xi32, #tpu.memory_space<vmem>>)
          %dma_start3A_116 = arith.constant 0 : i32
          %dma_start3A_117 = arith.constant 0 : i32
          %dma_start3A_118 = tpu.memref_slice %arg13[%dma_start3A_116, %dma_start3A_117] : memref<128x128xf32, #tpu.memory_space<vmem>> -> memref<64x128xf32, #tpu.memory_space<vmem>>
          %dma_start3A_119 = arith.constant 0 : i32
          %dma_start3A_120 = tpu.memref_slice %arg9[%dma_start3A_119] : memref<128xi32, #tpu.memory_space<vmem>> -> memref<64xi32, #tpu.memory_space<vmem>>
          %dma_start3A_121 = arith.constant 0 : i32
          %dma_start3A_122 = arith.constant 0 : i32
          %dma_start3A_123 = tpu.memref_slice %arg2[%dma_start3A_121, %dma_start3A_122] : memref<10000x128xf32, #tpu.memory_space<hbm>> -> memref<10000x128xf32, #tpu.memory_space<hbm>>
          tpu.enqueue_indirect_dma source(%dma_start3A_123 : memref<10000x128xf32, #tpu.memory_space<hbm>>) target(%dma_start3A_118 : memref<64x128xf32, #tpu.memory_space<vmem>>) offsets(%dma_start3A_120 : memref<64xi32, #tpu.memory_space<vmem>>) semaphore(%arg15 : memref<!tpu.dma_semaphore, #tpu.memory_space<semaphore_mem>>)
          %dma_start3A_124 = arith.constant 64 : i32
          %dma_start3A_125 = arith.constant 0 : i32
          %dma_start3A_126 = tpu.memref_slice %arg13[%dma_start3A_124, %dma_start3A_125] : memref<128x128xf32, #tpu.memory_space<vmem>> -> memref<64x128xf32, #tpu.memory_space<vmem>>
          %dma_start3A_127 = arith.constant 64 : i32
          %dma_start3A_128 = tpu.memref_slice %arg9[%dma_start3A_127] : memref<128xi32, #tpu.memory_space<vmem>> -> memref<64xi32, #tpu.memory_space<vmem>>
          %dma_start3A_129 = arith.constant 0 : i32
          %dma_start3A_130 = arith.constant 0 : i32
          %dma_start3A_131 = tpu.memref_slice %arg2[%dma_start3A_129, %dma_start3A_130] : memref<10000x128xf32, #tpu.memory_space<hbm>> -> memref<10000x128xf32, #tpu.memory_space<hbm>>
          tpu.enqueue_indirect_dma source(%dma_start3A_131 : memref<10000x128xf32, #tpu.memory_space<hbm>>) target(%dma_start3A_126 : memref<64x128xf32, #tpu.memory_space<vmem>>) offsets(%dma_start3A_128 : memref<64xi32, #tpu.memory_space<vmem>>) semaphore(%arg15 : memref<!tpu.dma_semaphore, #tpu.memory_space<semaphore_mem>>)
        } else {
        }
        %mul3A_79 = arith.constant 2 : i32
        %mul3A_80 = arith.muli %mul3A_79, %scan3A_59 : i32
        %add3A_81 = arith.constant 2 : i32
        %add3A_82 = arith.addi %mul3A_80, %add3A_81 : i32
        %add3A_83 = arith.constant 1 : i32
        %add3A_84 = arith.addi %add3A_82, %add3A_83 : i32
        %dma_wait3A_85 = arith.constant 0 : i32
        %dma_wait3A_86 = arith.constant 0 : i32
        %dma_wait3A_87 = tpu.memref_slice %arg2[%dma_wait3A_85, %dma_wait3A_86] : memref<10000x128xf32, #tpu.memory_space<hbm>> -> memref<10000x128xf32, #tpu.memory_space<hbm>>
        tpu.wait_indirect_dma semaphore(%arg16 : memref<!tpu.dma_semaphore, #tpu.memory_space<semaphore_mem>>) src(%dma_wait3A_87 : memref<10000x128xf32, #tpu.memory_space<hbm>>) dst(%arg14 : memref<128x128xf32, #tpu.memory_space<vmem>>)
        %lt3A_88 = arith.constant 158 : i32
        %lt3A_89 = arith.cmpi slt, %add3A_84, %lt3A_88 : i32
        %convert_element_type3A_90 = arith.extui %lt3A_89 : i1 to i32
        %cond3A_91 = arith.constant 0 : i32
        %cond3A_92 = arith.cmpi ne, %convert_element_type3A_90, %cond3A_91 : i32
        scf.if %cond3A_92 {
          %dma_start3A_103 = arith.constant 0 : i32
          %dma_start3A_104 = tpu.memref_slice %arg4[%arg1, %add3A_84, %dma_start3A_103] : memref<16x158x128xi32, #tpu.memory_space<hbm>> -> memref<1x1x128xi32, #tpu.memory_space<hbm>>
          %dma_start3A_105 = tpu.memref_squeeze %dma_start3A_104 : memref<1x1x128xi32, #tpu.memory_space<hbm>> -> memref<128xi32, #tpu.memory_space<hbm>>
          %dma_start3A_106 = arith.constant 0 : i32
          %dma_start3A_107 = tpu.memref_slice %arg4[%arg1, %add3A_84, %dma_start3A_106] : memref<16x158x128xi32, #tpu.memory_space<hbm>> -> memref<1x1x128xi32, #tpu.memory_space<hbm>>
          %dma_start3A_108 = tpu.memref_squeeze %dma_start3A_107 : memref<1x1x128xi32, #tpu.memory_space<hbm>> -> memref<128xi32, #tpu.memory_space<hbm>>
          tpu.enqueue_dma source(%dma_start3A_108 : memref<128xi32, #tpu.memory_space<hbm>>) target(%arg10 : memref<128xi32, #tpu.memory_space<vmem>>) target_semaphore(%arg18 : memref<!tpu.dma_semaphore, #tpu.memory_space<semaphore_mem>>)
        } else {
        }
        %gt3A_93 = arith.constant 0 : i32
        %gt3A_94 = arith.cmpi sgt, %scan3A_59, %gt3A_93 : i32
        %convert_element_type3A_95 = arith.extui %gt3A_94 : i1 to i32
        %cond3A_96 = arith.constant 0 : i32
        %cond3A_97 = arith.cmpi ne, %convert_element_type3A_95, %cond3A_96 : i32
        scf.if %cond3A_97 {
          %dma_wait3A_103 = arith.constant 0 : i32
          %dma_wait3A_104 = arith.constant 0 : i32
          %dma_wait3A_105 = tpu.memref_slice %arg5[%arg1, %dma_wait3A_103, %dma_wait3A_104] : memref<16x158x128xi32, #tpu.memory_space<hbm>> -> memref<1x1x128xi32, #tpu.memory_space<hbm>>
          %dma_wait3A_106 = tpu.memref_squeeze %dma_wait3A_105 : memref<1x1x128xi32, #tpu.memory_space<hbm>> -> memref<128xi32, #tpu.memory_space<hbm>>
          %dma_wait3A_107 = arith.constant 0 : i32
          %dma_wait3A_108 = tpu.memref_slice %arg5[%arg1, %dma_wait3A_103, %dma_wait3A_107] : memref<16x158x128xi32, #tpu.memory_space<hbm>> -> memref<1x1x128xi32, #tpu.memory_space<hbm>>
          %dma_wait3A_109 = tpu.memref_squeeze %dma_wait3A_108 : memref<1x1x128xi32, #tpu.memory_space<hbm>> -> memref<128xi32, #tpu.memory_space<hbm>>
          tpu.wait_dma2 semaphore(%arg20 : memref<!tpu.dma_semaphore, #tpu.memory_space<semaphore_mem>>) src(%dma_wait3A_109 : memref<128xi32, #tpu.memory_space<hbm>>) dst(%arg12 : memref<128xi32, #tpu.memory_space<vmem>>)
        } else {
        }
        "tpu.region"() ({
          %run_scoped3A_103 = tpu.sem_alloc : memref<!tpu.dma_semaphore, #tpu.memory_space<semaphore_mem>>
          %dma_start3A_104 = arith.constant 0 : i32
          %dma_start3A_105 = arith.constant 0 : i32
          %dma_start3A_106 = tpu.memref_slice %arg8[%dma_start3A_104, %dma_start3A_105] : memref<10008x128xf32, #tpu.memory_space<vmem_shared>> -> memref<10008x128xf32, #tpu.memory_space<vmem_shared>>
          tpu.enqueue_indirect_dma source(%arg14 : memref<128x128xf32, #tpu.memory_space<vmem>>) target(%dma_start3A_106 : memref<10008x128xf32, #tpu.memory_space<vmem_shared>>) offsets(%arg12 : memref<128xi32, #tpu.memory_space<vmem>>) semaphore(%run_scoped3A_103 : memref<!tpu.dma_semaphore, #tpu.memory_space<semaphore_mem>>) {add = true}
          %dma_wait3A_107 = arith.constant 0 : i32
          %dma_wait3A_108 = arith.constant 0 : i32
          %dma_wait3A_109 = tpu.memref_slice %arg8[%dma_wait3A_107, %dma_wait3A_108] : memref<10008x128xf32, #tpu.memory_space<vmem_shared>> -> memref<10008x128xf32, #tpu.memory_space<vmem_shared>>
          tpu.wait_indirect_dma semaphore(%run_scoped3A_103 : memref<!tpu.dma_semaphore, #tpu.memory_space<semaphore_mem>>) src(%arg14 : memref<128x128xf32, #tpu.memory_space<vmem>>) dst(%dma_wait3A_109 : memref<10008x128xf32, #tpu.memory_space<vmem_shared>>)
          tpu.yield
        }) : () -> ()
        %lt3A_98 = arith.constant 158 : i32
        %lt3A_99 = arith.cmpi slt, %add3A_84, %lt3A_98 : i32
        %convert_element_type3A_100 = arith.extui %lt3A_99 : i1 to i32
        %cond3A_101 = arith.constant 0 : i32
        %cond3A_102 = arith.cmpi ne, %convert_element_type3A_100, %cond3A_101 : i32
        scf.if %cond3A_102 {
          %dma_start3A_103 = arith.constant 0 : i32
          %dma_start3A_104 = tpu.memref_slice %arg5[%arg1, %add3A_84, %dma_start3A_103] : memref<16x158x128xi32, #tpu.memory_space<hbm>> -> memref<1x1x128xi32, #tpu.memory_space<hbm>>
          %dma_start3A_105 = tpu.memref_squeeze %dma_start3A_104 : memref<1x1x128xi32, #tpu.memory_space<hbm>> -> memref<128xi32, #tpu.memory_space<hbm>>
          %dma_start3A_106 = arith.constant 0 : i32
          %dma_start3A_107 = tpu.memref_slice %arg5[%arg1, %add3A_84, %dma_start3A_106] : memref<16x158x128xi32, #tpu.memory_space<hbm>> -> memref<1x1x128xi32, #tpu.memory_space<hbm>>
          %dma_start3A_108 = tpu.memref_squeeze %dma_start3A_107 : memref<1x1x128xi32, #tpu.memory_space<hbm>> -> memref<128xi32, #tpu.memory_space<hbm>>
          tpu.enqueue_dma source(%dma_start3A_108 : memref<128xi32, #tpu.memory_space<hbm>>) target(%arg12 : memref<128xi32, #tpu.memory_space<vmem>>) target_semaphore(%arg20 : memref<!tpu.dma_semaphore, #tpu.memory_space<semaphore_mem>>)
          %dma_wait3A_109 = arith.constant 0 : i32
          %dma_wait3A_110 = arith.constant 0 : i32
          %dma_wait3A_111 = tpu.memref_slice %arg4[%arg1, %dma_wait3A_109, %dma_wait3A_110] : memref<16x158x128xi32, #tpu.memory_space<hbm>> -> memref<1x1x128xi32, #tpu.memory_space<hbm>>
          %dma_wait3A_112 = tpu.memref_squeeze %dma_wait3A_111 : memref<1x1x128xi32, #tpu.memory_space<hbm>> -> memref<128xi32, #tpu.memory_space<hbm>>
          %dma_wait3A_113 = arith.constant 0 : i32
          %dma_wait3A_114 = tpu.memref_slice %arg4[%arg1, %dma_wait3A_109, %dma_wait3A_113] : memref<16x158x128xi32, #tpu.memory_space<hbm>> -> memref<1x1x128xi32, #tpu.memory_space<hbm>>
          %dma_wait3A_115 = tpu.memref_squeeze %dma_wait3A_114 : memref<1x1x128xi32, #tpu.memory_space<hbm>> -> memref<128xi32, #tpu.memory_space<hbm>>
          tpu.wait_dma2 semaphore(%arg18 : memref<!tpu.dma_semaphore, #tpu.memory_space<semaphore_mem>>) src(%dma_wait3A_115 : memref<128xi32, #tpu.memory_space<hbm>>) dst(%arg10 : memref<128xi32, #tpu.memory_space<vmem>>)
          %dma_start3A_116 = arith.constant 0 : i32
          %dma_start3A_117 = arith.constant 0 : i32
          %dma_start3A_118 = tpu.memref_slice %arg14[%dma_start3A_116, %dma_start3A_117] : memref<128x128xf32, #tpu.memory_space<vmem>> -> memref<64x128xf32, #tpu.memory_space<vmem>>
          %dma_start3A_119 = arith.constant 0 : i32
          %dma_start3A_120 = tpu.memref_slice %arg10[%dma_start3A_119] : memref<128xi32, #tpu.memory_space<vmem>> -> memref<64xi32, #tpu.memory_space<vmem>>
          %dma_start3A_121 = arith.constant 0 : i32
          %dma_start3A_122 = arith.constant 0 : i32
          %dma_start3A_123 = tpu.memref_slice %arg2[%dma_start3A_121, %dma_start3A_122] : memref<10000x128xf32, #tpu.memory_space<hbm>> -> memref<10000x128xf32, #tpu.memory_space<hbm>>
          tpu.enqueue_indirect_dma source(%dma_start3A_123 : memref<10000x128xf32, #tpu.memory_space<hbm>>) target(%dma_start3A_118 : memref<64x128xf32, #tpu.memory_space<vmem>>) offsets(%dma_start3A_120 : memref<64xi32, #tpu.memory_space<vmem>>) semaphore(%arg16 : memref<!tpu.dma_semaphore, #tpu.memory_space<semaphore_mem>>)
          %dma_start3A_124 = arith.constant 64 : i32
          %dma_start3A_125 = arith.constant 0 : i32
          %dma_start3A_126 = tpu.memref_slice %arg14[%dma_start3A_124, %dma_start3A_125] : memref<128x128xf32, #tpu.memory_space<vmem>> -> memref<64x128xf32, #tpu.memory_space<vmem>>
          %dma_start3A_127 = arith.constant 64 : i32
          %dma_start3A_128 = tpu.memref_slice %arg10[%dma_start3A_127] : memref<128xi32, #tpu.memory_space<vmem>> -> memref<64xi32, #tpu.memory_space<vmem>>
          %dma_start3A_129 = arith.constant 0 : i32
          %dma_start3A_130 = arith.constant 0 : i32
          %dma_start3A_131 = tpu.memref_slice %arg2[%dma_start3A_129, %dma_start3A_130] : memref<10000x128xf32, #tpu.memory_space<hbm>> -> memref<10000x128xf32, #tpu.memory_space<hbm>>
          tpu.enqueue_indirect_dma source(%dma_start3A_131 : memref<10000x128xf32, #tpu.memory_space<hbm>>) target(%dma_start3A_126 : memref<64x128xf32, #tpu.memory_space<vmem>>) offsets(%dma_start3A_128 : memref<64xi32, #tpu.memory_space<vmem>>) semaphore(%arg16 : memref<!tpu.dma_semaphore, #tpu.memory_space<semaphore_mem>>)
        } else {
        }
      }
      %scan3A_51 = arith.constant 79 : i32
      %barrier3A_52 = arith.constant 0 : index
      tpu.barrier barrier_id(%barrier3A_52)
      %scan3A_53 = arith.constant 0 : i32
      %scan3A_54 = arith.constant 0 : i32
      %scan3A_55 = arith.constant 8 : i32
      %scan3A_56 = arith.addi %scan3A_54, %scan3A_55 : i32
      %scan3A_57 = arith.constant 1 : i32
      scf.for %scan3A_59 = %scan3A_54 to %scan3A_56 step %scan3A_57  : i32 {
        %mul3A = arith.constant 16 : i32
        %mul3A_60 = arith.muli %scan3A_59, %mul3A : i32
        %add3A = arith.addi %arg1, %mul3A_60 : i32
        %lt3A = arith.constant 125 : i32
        %lt3A_61 = arith.cmpi slt, %add3A, %lt3A : i32
        %convert_element_type3A_62 = arith.extui %lt3A_61 : i1 to i32
        %cond3A_63 = arith.constant 0 : i32
        %cond3A_64 = arith.cmpi ne, %convert_element_type3A_62, %cond3A_63 : i32
        scf.if %cond3A_64 {
          %mul3A_65 = arith.constant 80 : i32
          %mul3A_66 = arith.muli %add3A, %mul3A_65 : i32
          %multiple_of3A = tpu.assume_multiple %mul3A_66, 8 : i32
          "tpu.region"() ({
            %run_scoped3A_67 = tpu.sem_alloc : memref<!tpu.dma_semaphore, #tpu.memory_space<semaphore_mem>>
            %dma_start3A_68 = arith.constant 0 : i32
            %dma_start3A_69 = tpu.memref_slice %arg6[%multiple_of3A, %dma_start3A_68] : memref<10000x128xf32, #tpu.memory_space<hbm>> -> memref<80x128xf32, #tpu.memory_space<hbm>>
            %dma_start3A_70 = arith.constant 0 : i32
            %dma_start3A_71 = tpu.memref_slice %arg8[%multiple_of3A, %dma_start3A_70] : memref<10008x128xf32, #tpu.memory_space<vmem_shared>> -> memref<80x128xf32, #tpu.memory_space<vmem_shared>>
            tpu.enqueue_dma source(%dma_start3A_71 : memref<80x128xf32, #tpu.memory_space<vmem_shared>>) target(%dma_start3A_69 : memref<80x128xf32, #tpu.memory_space<hbm>>) target_semaphore(%run_scoped3A_67 : memref<!tpu.dma_semaphore, #tpu.memory_space<semaphore_mem>>)
            %dma_wait3A = arith.constant 0 : i32
            %dma_wait3A_72 = tpu.memref_slice %arg6[%multiple_of3A, %dma_wait3A] : memref<10000x128xf32, #tpu.memory_space<hbm>> -> memref<80x128xf32, #tpu.memory_space<hbm>>
            %dma_wait3A_73 = arith.constant 0 : i32
            %dma_wait3A_74 = tpu.memref_slice %arg8[%multiple_of3A, %dma_wait3A_73] : memref<10008x128xf32, #tpu.memory_space<vmem_shared>> -> memref<80x128xf32, #tpu.memory_space<vmem_shared>>
            tpu.wait_dma2 semaphore(%run_scoped3A_67 : memref<!tpu.dma_semaphore, #tpu.memory_space<semaphore_mem>>) src(%dma_wait3A_74 : memref<80x128xf32, #tpu.memory_space<vmem_shared>>) dst(%dma_wait3A_72 : memref<80x128xf32, #tpu.memory_space<hbm>>)
            tpu.yield
          }) : () -> ()
        } else {
        }
      }
      %scan3A_58 = arith.constant 8 : i32
    } else {
    }
    %eq3A_2 = arith.constant 1 : i32
    %eq3A_3 = arith.cmpi eq, %arg0, %eq3A_2 : i32
    %convert_element_type3A_4 = arith.extui %eq3A_3 : i1 to i32
    %cond3A_5 = arith.constant 0 : i32
    %cond3A_6 = arith.cmpi ne, %convert_element_type3A_4, %cond3A_5 : i32
    scf.if %cond3A_6 {
      %scan3A = arith.constant 0 : i32
      %scan3A_7 = arith.constant 0 : i32
      %scan3A_8 = arith.constant 8 : i32
      %scan3A_9 = arith.addi %scan3A_7, %scan3A_8 : i32
      %scan3A_10 = arith.constant 1 : i32
      scf.for %scan3A_59 = %scan3A_7 to %scan3A_9 step %scan3A_10  : i32 {
        %mul3A = arith.constant 16 : i32
        %mul3A_60 = arith.muli %scan3A_59, %mul3A : i32
        %add3A = arith.addi %arg1, %mul3A_60 : i32
        %lt3A = arith.constant 125 : i32
        %lt3A_61 = arith.cmpi slt, %add3A, %lt3A : i32
        %convert_element_type3A_62 = arith.extui %lt3A_61 : i1 to i32
        %cond3A_63 = arith.constant 0 : i32
        %cond3A_64 = arith.cmpi ne, %convert_element_type3A_62, %cond3A_63 : i32
        scf.if %cond3A_64 {
          %mul3A_65 = arith.constant 80 : i32
          %mul3A_66 = arith.muli %add3A, %mul3A_65 : i32
          %multiple_of3A = tpu.assume_multiple %mul3A_66, 8 : i32
          "tpu.region"() ({
            %run_scoped3A_67 = tpu.sem_alloc : memref<!tpu.dma_semaphore, #tpu.memory_space<semaphore_mem>>
            %dma_start3A_68 = arith.constant 0 : i32
            %dma_start3A_69 = tpu.memref_slice %arg8[%multiple_of3A, %dma_start3A_68] : memref<10008x128xf32, #tpu.memory_space<vmem_shared>> -> memref<80x128xf32, #tpu.memory_space<vmem_shared>>
            %dma_start3A_70 = arith.constant 0 : i32
            %dma_start3A_71 = tpu.memref_slice %arg3[%multiple_of3A, %dma_start3A_70] : memref<10000x128xf32, #tpu.memory_space<hbm>> -> memref<80x128xf32, #tpu.memory_space<hbm>>
            tpu.enqueue_dma source(%dma_start3A_71 : memref<80x128xf32, #tpu.memory_space<hbm>>) target(%dma_start3A_69 : memref<80x128xf32, #tpu.memory_space<vmem_shared>>) target_semaphore(%run_scoped3A_67 : memref<!tpu.dma_semaphore, #tpu.memory_space<semaphore_mem>>)
            %dma_wait3A = arith.constant 0 : i32
            %dma_wait3A_72 = tpu.memref_slice %arg8[%multiple_of3A, %dma_wait3A] : memref<10008x128xf32, #tpu.memory_space<vmem_shared>> -> memref<80x128xf32, #tpu.memory_space<vmem_shared>>
            %dma_wait3A_73 = arith.constant 0 : i32
            %dma_wait3A_74 = tpu.memref_slice %arg3[%multiple_of3A, %dma_wait3A_73] : memref<10000x128xf32, #tpu.memory_space<hbm>> -> memref<80x128xf32, #tpu.memory_space<hbm>>
            tpu.wait_dma2 semaphore(%run_scoped3A_67 : memref<!tpu.dma_semaphore, #tpu.memory_space<semaphore_mem>>) src(%dma_wait3A_74 : memref<80x128xf32, #tpu.memory_space<hbm>>) dst(%dma_wait3A_72 : memref<80x128xf32, #tpu.memory_space<vmem_shared>>)
            tpu.yield
          }) : () -> ()
        } else {
        }
      }
      %scan3A_11 = arith.constant 8 : i32
      %barrier3A = arith.constant 0 : index
      tpu.barrier barrier_id(%barrier3A)
      %run_scoped3A = arith.constant 0 : i32
      "tpu.region"() ({
        %run_scoped3A_59 = tpu.sem_alloc : memref<!tpu.dma_semaphore, #tpu.memory_space<semaphore_mem>>
        %dma_start3A_60 = arith.constant 0 : i32
        %dma_start3A_61 = tpu.memref_slice %arg4[%arg1, %run_scoped3A, %dma_start3A_60] : memref<16x158x128xi32, #tpu.memory_space<hbm>> -> memref<1x1x128xi32, #tpu.memory_space<hbm>>
        %dma_start3A_62 = tpu.memref_squeeze %dma_start3A_61 : memref<1x1x128xi32, #tpu.memory_space<hbm>> -> memref<128xi32, #tpu.memory_space<hbm>>
        %dma_start3A_63 = arith.constant 0 : i32
        %dma_start3A_64 = tpu.memref_slice %arg4[%arg1, %run_scoped3A, %dma_start3A_63] : memref<16x158x128xi32, #tpu.memory_space<hbm>> -> memref<1x1x128xi32, #tpu.memory_space<hbm>>
        %dma_start3A_65 = tpu.memref_squeeze %dma_start3A_64 : memref<1x1x128xi32, #tpu.memory_space<hbm>> -> memref<128xi32, #tpu.memory_space<hbm>>
        tpu.enqueue_dma source(%dma_start3A_65 : memref<128xi32, #tpu.memory_space<hbm>>) target(%arg9 : memref<128xi32, #tpu.memory_space<vmem>>) target_semaphore(%run_scoped3A_59 : memref<!tpu.dma_semaphore, #tpu.memory_space<semaphore_mem>>)
        %dma_wait3A = arith.constant 0 : i32
        %dma_wait3A_66 = tpu.memref_slice %arg4[%arg1, %run_scoped3A, %dma_wait3A] : memref<16x158x128xi32, #tpu.memory_space<hbm>> -> memref<1x1x128xi32, #tpu.memory_space<hbm>>
        %dma_wait3A_67 = tpu.memref_squeeze %dma_wait3A_66 : memref<1x1x128xi32, #tpu.memory_space<hbm>> -> memref<128xi32, #tpu.memory_space<hbm>>
        %dma_wait3A_68 = arith.constant 0 : i32
        %dma_wait3A_69 = tpu.memref_slice %arg4[%arg1, %run_scoped3A, %dma_wait3A_68] : memref<16x158x128xi32, #tpu.memory_space<hbm>> -> memref<1x1x128xi32, #tpu.memory_space<hbm>>
        %dma_wait3A_70 = tpu.memref_squeeze %dma_wait3A_69 : memref<1x1x128xi32, #tpu.memory_space<hbm>> -> memref<128xi32, #tpu.memory_space<hbm>>
        tpu.wait_dma2 semaphore(%run_scoped3A_59 : memref<!tpu.dma_semaphore, #tpu.memory_space<semaphore_mem>>) src(%dma_wait3A_70 : memref<128xi32, #tpu.memory_space<hbm>>) dst(%arg9 : memref<128xi32, #tpu.memory_space<vmem>>)
        tpu.yield
      }) : () -> ()
      %run_scoped3A_12 = arith.constant 0 : i32
      "tpu.region"() ({
        %run_scoped3A_59 = tpu.sem_alloc : memref<!tpu.dma_semaphore, #tpu.memory_space<semaphore_mem>>
        %dma_start3A_60 = arith.constant 0 : i32
        %dma_start3A_61 = tpu.memref_slice %arg5[%arg1, %run_scoped3A_12, %dma_start3A_60] : memref<16x158x128xi32, #tpu.memory_space<hbm>> -> memref<1x1x128xi32, #tpu.memory_space<hbm>>
        %dma_start3A_62 = tpu.memref_squeeze %dma_start3A_61 : memref<1x1x128xi32, #tpu.memory_space<hbm>> -> memref<128xi32, #tpu.memory_space<hbm>>
        %dma_start3A_63 = arith.constant 0 : i32
        %dma_start3A_64 = tpu.memref_slice %arg5[%arg1, %run_scoped3A_12, %dma_start3A_63] : memref<16x158x128xi32, #tpu.memory_space<hbm>> -> memref<1x1x128xi32, #tpu.memory_space<hbm>>
        %dma_start3A_65 = tpu.memref_squeeze %dma_start3A_64 : memref<1x1x128xi32, #tpu.memory_space<hbm>> -> memref<128xi32, #tpu.memory_space<hbm>>
        tpu.enqueue_dma source(%dma_start3A_65 : memref<128xi32, #tpu.memory_space<hbm>>) target(%arg11 : memref<128xi32, #tpu.memory_space<vmem>>) target_semaphore(%run_scoped3A_59 : memref<!tpu.dma_semaphore, #tpu.memory_space<semaphore_mem>>)
        %dma_wait3A = arith.constant 0 : i32
        %dma_wait3A_66 = tpu.memref_slice %arg5[%arg1, %run_scoped3A_12, %dma_wait3A] : memref<16x158x128xi32, #tpu.memory_space<hbm>> -> memref<1x1x128xi32, #tpu.memory_space<hbm>>
        %dma_wait3A_67 = tpu.memref_squeeze %dma_wait3A_66 : memref<1x1x128xi32, #tpu.memory_space<hbm>> -> memref<128xi32, #tpu.memory_space<hbm>>
        %dma_wait3A_68 = arith.constant 0 : i32
        %dma_wait3A_69 = tpu.memref_slice %arg5[%arg1, %run_scoped3A_12, %dma_wait3A_68] : memref<16x158x128xi32, #tpu.memory_space<hbm>> -> memref<1x1x128xi32, #tpu.memory_space<hbm>>
        %dma_wait3A_70 = tpu.memref_squeeze %dma_wait3A_69 : memref<1x1x128xi32, #tpu.memory_space<hbm>> -> memref<128xi32, #tpu.memory_space<hbm>>
        tpu.wait_dma2 semaphore(%run_scoped3A_59 : memref<!tpu.dma_semaphore, #tpu.memory_space<semaphore_mem>>) src(%dma_wait3A_70 : memref<128xi32, #tpu.memory_space<hbm>>) dst(%arg11 : memref<128xi32, #tpu.memory_space<vmem>>)
        tpu.yield
      }) : () -> ()
      %dma_start3A = arith.constant 0 : i32
      %dma_start3A_13 = arith.constant 0 : i32
      %dma_start3A_14 = tpu.memref_slice %arg13[%dma_start3A, %dma_start3A_13] : memref<128x128xf32, #tpu.memory_space<vmem>> -> memref<64x128xf32, #tpu.memory_space<vmem>>
      %dma_start3A_15 = arith.constant 0 : i32
      %dma_start3A_16 = tpu.memref_slice %arg9[%dma_start3A_15] : memref<128xi32, #tpu.memory_space<vmem>> -> memref<64xi32, #tpu.memory_space<vmem>>
      %dma_start3A_17 = arith.constant 0 : i32
      %dma_start3A_18 = arith.constant 0 : i32
      %dma_start3A_19 = tpu.memref_slice %arg3[%dma_start3A_17, %dma_start3A_18] : memref<10000x128xf32, #tpu.memory_space<hbm>> -> memref<10000x128xf32, #tpu.memory_space<hbm>>
      tpu.enqueue_indirect_dma source(%dma_start3A_19 : memref<10000x128xf32, #tpu.memory_space<hbm>>) target(%dma_start3A_14 : memref<64x128xf32, #tpu.memory_space<vmem>>) offsets(%dma_start3A_16 : memref<64xi32, #tpu.memory_space<vmem>>) semaphore(%arg15 : memref<!tpu.dma_semaphore, #tpu.memory_space<semaphore_mem>>)
      %dma_start3A_20 = arith.constant 64 : i32
      %dma_start3A_21 = arith.constant 0 : i32
      %dma_start3A_22 = tpu.memref_slice %arg13[%dma_start3A_20, %dma_start3A_21] : memref<128x128xf32, #tpu.memory_space<vmem>> -> memref<64x128xf32, #tpu.memory_space<vmem>>
      %dma_start3A_23 = arith.constant 64 : i32
      %dma_start3A_24 = tpu.memref_slice %arg9[%dma_start3A_23] : memref<128xi32, #tpu.memory_space<vmem>> -> memref<64xi32, #tpu.memory_space<vmem>>
      %dma_start3A_25 = arith.constant 0 : i32
      %dma_start3A_26 = arith.constant 0 : i32
      %dma_start3A_27 = tpu.memref_slice %arg3[%dma_start3A_25, %dma_start3A_26] : memref<10000x128xf32, #tpu.memory_space<hbm>> -> memref<10000x128xf32, #tpu.memory_space<hbm>>
      tpu.enqueue_indirect_dma source(%dma_start3A_27 : memref<10000x128xf32, #tpu.memory_space<hbm>>) target(%dma_start3A_22 : memref<64x128xf32, #tpu.memory_space<vmem>>) offsets(%dma_start3A_24 : memref<64xi32, #tpu.memory_space<vmem>>) semaphore(%arg15 : memref<!tpu.dma_semaphore, #tpu.memory_space<semaphore_mem>>)
      %run_scoped3A_28 = arith.constant 1 : i32
      "tpu.region"() ({
        %run_scoped3A_59 = tpu.sem_alloc : memref<!tpu.dma_semaphore, #tpu.memory_space<semaphore_mem>>
        %dma_start3A_60 = arith.constant 0 : i32
        %dma_start3A_61 = tpu.memref_slice %arg4[%arg1, %run_scoped3A_28, %dma_start3A_60] : memref<16x158x128xi32, #tpu.memory_space<hbm>> -> memref<1x1x128xi32, #tpu.memory_space<hbm>>
        %dma_start3A_62 = tpu.memref_squeeze %dma_start3A_61 : memref<1x1x128xi32, #tpu.memory_space<hbm>> -> memref<128xi32, #tpu.memory_space<hbm>>
        %dma_start3A_63 = arith.constant 0 : i32
        %dma_start3A_64 = tpu.memref_slice %arg4[%arg1, %run_scoped3A_28, %dma_start3A_63] : memref<16x158x128xi32, #tpu.memory_space<hbm>> -> memref<1x1x128xi32, #tpu.memory_space<hbm>>
        %dma_start3A_65 = tpu.memref_squeeze %dma_start3A_64 : memref<1x1x128xi32, #tpu.memory_space<hbm>> -> memref<128xi32, #tpu.memory_space<hbm>>
        tpu.enqueue_dma source(%dma_start3A_65 : memref<128xi32, #tpu.memory_space<hbm>>) target(%arg10 : memref<128xi32, #tpu.memory_space<vmem>>) target_semaphore(%run_scoped3A_59 : memref<!tpu.dma_semaphore, #tpu.memory_space<semaphore_mem>>)
        %dma_wait3A = arith.constant 0 : i32
        %dma_wait3A_66 = tpu.memref_slice %arg4[%arg1, %run_scoped3A_28, %dma_wait3A] : memref<16x158x128xi32, #tpu.memory_space<hbm>> -> memref<1x1x128xi32, #tpu.memory_space<hbm>>
        %dma_wait3A_67 = tpu.memref_squeeze %dma_wait3A_66 : memref<1x1x128xi32, #tpu.memory_space<hbm>> -> memref<128xi32, #tpu.memory_space<hbm>>
        %dma_wait3A_68 = arith.constant 0 : i32
        %dma_wait3A_69 = tpu.memref_slice %arg4[%arg1, %run_scoped3A_28, %dma_wait3A_68] : memref<16x158x128xi32, #tpu.memory_space<hbm>> -> memref<1x1x128xi32, #tpu.memory_space<hbm>>
        %dma_wait3A_70 = tpu.memref_squeeze %dma_wait3A_69 : memref<1x1x128xi32, #tpu.memory_space<hbm>> -> memref<128xi32, #tpu.memory_space<hbm>>
        tpu.wait_dma2 semaphore(%run_scoped3A_59 : memref<!tpu.dma_semaphore, #tpu.memory_space<semaphore_mem>>) src(%dma_wait3A_70 : memref<128xi32, #tpu.memory_space<hbm>>) dst(%arg10 : memref<128xi32, #tpu.memory_space<vmem>>)
        tpu.yield
      }) : () -> ()
      %run_scoped3A_29 = arith.constant 1 : i32
      "tpu.region"() ({
        %run_scoped3A_59 = tpu.sem_alloc : memref<!tpu.dma_semaphore, #tpu.memory_space<semaphore_mem>>
        %dma_start3A_60 = arith.constant 0 : i32
        %dma_start3A_61 = tpu.memref_slice %arg5[%arg1, %run_scoped3A_29, %dma_start3A_60] : memref<16x158x128xi32, #tpu.memory_space<hbm>> -> memref<1x1x128xi32, #tpu.memory_space<hbm>>
        %dma_start3A_62 = tpu.memref_squeeze %dma_start3A_61 : memref<1x1x128xi32, #tpu.memory_space<hbm>> -> memref<128xi32, #tpu.memory_space<hbm>>
        %dma_start3A_63 = arith.constant 0 : i32
        %dma_start3A_64 = tpu.memref_slice %arg5[%arg1, %run_scoped3A_29, %dma_start3A_63] : memref<16x158x128xi32, #tpu.memory_space<hbm>> -> memref<1x1x128xi32, #tpu.memory_space<hbm>>
        %dma_start3A_65 = tpu.memref_squeeze %dma_start3A_64 : memref<1x1x128xi32, #tpu.memory_space<hbm>> -> memref<128xi32, #tpu.memory_space<hbm>>
        tpu.enqueue_dma source(%dma_start3A_65 : memref<128xi32, #tpu.memory_space<hbm>>) target(%arg12 : memref<128xi32, #tpu.memory_space<vmem>>) target_semaphore(%run_scoped3A_59 : memref<!tpu.dma_semaphore, #tpu.memory_space<semaphore_mem>>)
        %dma_wait3A = arith.constant 0 : i32
        %dma_wait3A_66 = tpu.memref_slice %arg5[%arg1, %run_scoped3A_29, %dma_wait3A] : memref<16x158x128xi32, #tpu.memory_space<hbm>> -> memref<1x1x128xi32, #tpu.memory_space<hbm>>
        %dma_wait3A_67 = tpu.memref_squeeze %dma_wait3A_66 : memref<1x1x128xi32, #tpu.memory_space<hbm>> -> memref<128xi32, #tpu.memory_space<hbm>>
        %dma_wait3A_68 = arith.constant 0 : i32
        %dma_wait3A_69 = tpu.memref_slice %arg5[%arg1, %run_scoped3A_29, %dma_wait3A_68] : memref<16x158x128xi32, #tpu.memory_space<hbm>> -> memref<1x1x128xi32, #tpu.memory_space<hbm>>
        %dma_wait3A_70 = tpu.memref_squeeze %dma_wait3A_69 : memref<1x1x128xi32, #tpu.memory_space<hbm>> -> memref<128xi32, #tpu.memory_space<hbm>>
        tpu.wait_dma2 semaphore(%run_scoped3A_59 : memref<!tpu.dma_semaphore, #tpu.memory_space<semaphore_mem>>) src(%dma_wait3A_70 : memref<128xi32, #tpu.memory_space<hbm>>) dst(%arg12 : memref<128xi32, #tpu.memory_space<vmem>>)
        tpu.yield
      }) : () -> ()
      %dma_start3A_30 = arith.constant 0 : i32
      %dma_start3A_31 = arith.constant 0 : i32
      %dma_start3A_32 = tpu.memref_slice %arg14[%dma_start3A_30, %dma_start3A_31] : memref<128x128xf32, #tpu.memory_space<vmem>> -> memref<64x128xf32, #tpu.memory_space<vmem>>
      %dma_start3A_33 = arith.constant 0 : i32
      %dma_start3A_34 = tpu.memref_slice %arg10[%dma_start3A_33] : memref<128xi32, #tpu.memory_space<vmem>> -> memref<64xi32, #tpu.memory_space<vmem>>
      %dma_start3A_35 = arith.constant 0 : i32
      %dma_start3A_36 = arith.constant 0 : i32
      %dma_start3A_37 = tpu.memref_slice %arg3[%dma_start3A_35, %dma_start3A_36] : memref<10000x128xf32, #tpu.memory_space<hbm>> -> memref<10000x128xf32, #tpu.memory_space<hbm>>
      tpu.enqueue_indirect_dma source(%dma_start3A_37 : memref<10000x128xf32, #tpu.memory_space<hbm>>) target(%dma_start3A_32 : memref<64x128xf32, #tpu.memory_space<vmem>>) offsets(%dma_start3A_34 : memref<64xi32, #tpu.memory_space<vmem>>) semaphore(%arg16 : memref<!tpu.dma_semaphore, #tpu.memory_space<semaphore_mem>>)
      %dma_start3A_38 = arith.constant 64 : i32
      %dma_start3A_39 = arith.constant 0 : i32
      %dma_start3A_40 = tpu.memref_slice %arg14[%dma_start3A_38, %dma_start3A_39] : memref<128x128xf32, #tpu.memory_space<vmem>> -> memref<64x128xf32, #tpu.memory_space<vmem>>
      %dma_start3A_41 = arith.constant 64 : i32
      %dma_start3A_42 = tpu.memref_slice %arg10[%dma_start3A_41] : memref<128xi32, #tpu.memory_space<vmem>> -> memref<64xi32, #tpu.memory_space<vmem>>
      %dma_start3A_43 = arith.constant 0 : i32
      %dma_start3A_44 = arith.constant 0 : i32
      %dma_start3A_45 = tpu.memref_slice %arg3[%dma_start3A_43, %dma_start3A_44] : memref<10000x128xf32, #tpu.memory_space<hbm>> -> memref<10000x128xf32, #tpu.memory_space<hbm>>
      tpu.enqueue_indirect_dma source(%dma_start3A_45 : memref<10000x128xf32, #tpu.memory_space<hbm>>) target(%dma_start3A_40 : memref<64x128xf32, #tpu.memory_space<vmem>>) offsets(%dma_start3A_42 : memref<64xi32, #tpu.memory_space<vmem>>) semaphore(%arg16 : memref<!tpu.dma_semaphore, #tpu.memory_space<semaphore_mem>>)
      %scan3A_46 = arith.constant 0 : i32
      %scan3A_47 = arith.constant 0 : i32
      %scan3A_48 = arith.constant 79 : i32
      %scan3A_49 = arith.addi %scan3A_47, %scan3A_48 : i32
      %scan3A_50 = arith.constant 1 : i32
      scf.for %scan3A_59 = %scan3A_47 to %scan3A_49 step %scan3A_50  : i32 {
        %mul3A = arith.constant 2 : i32
        %mul3A_60 = arith.muli %mul3A, %scan3A_59 : i32
        %add3A = arith.constant 2 : i32
        %add3A_61 = arith.addi %mul3A_60, %add3A : i32
        %add3A_62 = arith.constant 0 : i32
        %add3A_63 = arith.addi %add3A_61, %add3A_62 : i32
        %dma_wait3A = arith.constant 0 : i32
        %dma_wait3A_64 = arith.constant 0 : i32
        %dma_wait3A_65 = tpu.memref_slice %arg3[%dma_wait3A, %dma_wait3A_64] : memref<10000x128xf32, #tpu.memory_space<hbm>> -> memref<10000x128xf32, #tpu.memory_space<hbm>>
        tpu.wait_indirect_dma semaphore(%arg15 : memref<!tpu.dma_semaphore, #tpu.memory_space<semaphore_mem>>) src(%dma_wait3A_65 : memref<10000x128xf32, #tpu.memory_space<hbm>>) dst(%arg13 : memref<128x128xf32, #tpu.memory_space<vmem>>)
        %lt3A = arith.constant 158 : i32
        %lt3A_66 = arith.cmpi slt, %add3A_63, %lt3A : i32
        %convert_element_type3A_67 = arith.extui %lt3A_66 : i1 to i32
        %cond3A_68 = arith.constant 0 : i32
        %cond3A_69 = arith.cmpi ne, %convert_element_type3A_67, %cond3A_68 : i32
        scf.if %cond3A_69 {
          %dma_start3A_103 = arith.constant 0 : i32
          %dma_start3A_104 = tpu.memref_slice %arg4[%arg1, %add3A_63, %dma_start3A_103] : memref<16x158x128xi32, #tpu.memory_space<hbm>> -> memref<1x1x128xi32, #tpu.memory_space<hbm>>
          %dma_start3A_105 = tpu.memref_squeeze %dma_start3A_104 : memref<1x1x128xi32, #tpu.memory_space<hbm>> -> memref<128xi32, #tpu.memory_space<hbm>>
          %dma_start3A_106 = arith.constant 0 : i32
          %dma_start3A_107 = tpu.memref_slice %arg4[%arg1, %add3A_63, %dma_start3A_106] : memref<16x158x128xi32, #tpu.memory_space<hbm>> -> memref<1x1x128xi32, #tpu.memory_space<hbm>>
          %dma_start3A_108 = tpu.memref_squeeze %dma_start3A_107 : memref<1x1x128xi32, #tpu.memory_space<hbm>> -> memref<128xi32, #tpu.memory_space<hbm>>
          tpu.enqueue_dma source(%dma_start3A_108 : memref<128xi32, #tpu.memory_space<hbm>>) target(%arg9 : memref<128xi32, #tpu.memory_space<vmem>>) target_semaphore(%arg17 : memref<!tpu.dma_semaphore, #tpu.memory_space<semaphore_mem>>)
        } else {
        }
        %gt3A = arith.constant 0 : i32
        %gt3A_70 = arith.cmpi sgt, %scan3A_59, %gt3A : i32
        %convert_element_type3A_71 = arith.extui %gt3A_70 : i1 to i32
        %cond3A_72 = arith.constant 0 : i32
        %cond3A_73 = arith.cmpi ne, %convert_element_type3A_71, %cond3A_72 : i32
        scf.if %cond3A_73 {
          %dma_wait3A_103 = arith.constant 0 : i32
          %dma_wait3A_104 = arith.constant 0 : i32
          %dma_wait3A_105 = tpu.memref_slice %arg5[%arg1, %dma_wait3A_103, %dma_wait3A_104] : memref<16x158x128xi32, #tpu.memory_space<hbm>> -> memref<1x1x128xi32, #tpu.memory_space<hbm>>
          %dma_wait3A_106 = tpu.memref_squeeze %dma_wait3A_105 : memref<1x1x128xi32, #tpu.memory_space<hbm>> -> memref<128xi32, #tpu.memory_space<hbm>>
          %dma_wait3A_107 = arith.constant 0 : i32
          %dma_wait3A_108 = tpu.memref_slice %arg5[%arg1, %dma_wait3A_103, %dma_wait3A_107] : memref<16x158x128xi32, #tpu.memory_space<hbm>> -> memref<1x1x128xi32, #tpu.memory_space<hbm>>
          %dma_wait3A_109 = tpu.memref_squeeze %dma_wait3A_108 : memref<1x1x128xi32, #tpu.memory_space<hbm>> -> memref<128xi32, #tpu.memory_space<hbm>>
          tpu.wait_dma2 semaphore(%arg19 : memref<!tpu.dma_semaphore, #tpu.memory_space<semaphore_mem>>) src(%dma_wait3A_109 : memref<128xi32, #tpu.memory_space<hbm>>) dst(%arg11 : memref<128xi32, #tpu.memory_space<vmem>>)
        } else {
        }
        "tpu.region"() ({
          %run_scoped3A_103 = tpu.sem_alloc : memref<!tpu.dma_semaphore, #tpu.memory_space<semaphore_mem>>
          %dma_start3A_104 = arith.constant 0 : i32
          %dma_start3A_105 = arith.constant 0 : i32
          %dma_start3A_106 = tpu.memref_slice %arg8[%dma_start3A_104, %dma_start3A_105] : memref<10008x128xf32, #tpu.memory_space<vmem_shared>> -> memref<10008x128xf32, #tpu.memory_space<vmem_shared>>
          tpu.enqueue_indirect_dma source(%arg13 : memref<128x128xf32, #tpu.memory_space<vmem>>) target(%dma_start3A_106 : memref<10008x128xf32, #tpu.memory_space<vmem_shared>>) offsets(%arg11 : memref<128xi32, #tpu.memory_space<vmem>>) semaphore(%run_scoped3A_103 : memref<!tpu.dma_semaphore, #tpu.memory_space<semaphore_mem>>) {add = true}
          %dma_wait3A_107 = arith.constant 0 : i32
          %dma_wait3A_108 = arith.constant 0 : i32
          %dma_wait3A_109 = tpu.memref_slice %arg8[%dma_wait3A_107, %dma_wait3A_108] : memref<10008x128xf32, #tpu.memory_space<vmem_shared>> -> memref<10008x128xf32, #tpu.memory_space<vmem_shared>>
          tpu.wait_indirect_dma semaphore(%run_scoped3A_103 : memref<!tpu.dma_semaphore, #tpu.memory_space<semaphore_mem>>) src(%arg13 : memref<128x128xf32, #tpu.memory_space<vmem>>) dst(%dma_wait3A_109 : memref<10008x128xf32, #tpu.memory_space<vmem_shared>>)
          tpu.yield
        }) : () -> ()
        %lt3A_74 = arith.constant 158 : i32
        %lt3A_75 = arith.cmpi slt, %add3A_63, %lt3A_74 : i32
        %convert_element_type3A_76 = arith.extui %lt3A_75 : i1 to i32
        %cond3A_77 = arith.constant 0 : i32
        %cond3A_78 = arith.cmpi ne, %convert_element_type3A_76, %cond3A_77 : i32
        scf.if %cond3A_78 {
          %dma_start3A_103 = arith.constant 0 : i32
          %dma_start3A_104 = tpu.memref_slice %arg5[%arg1, %add3A_63, %dma_start3A_103] : memref<16x158x128xi32, #tpu.memory_space<hbm>> -> memref<1x1x128xi32, #tpu.memory_space<hbm>>
          %dma_start3A_105 = tpu.memref_squeeze %dma_start3A_104 : memref<1x1x128xi32, #tpu.memory_space<hbm>> -> memref<128xi32, #tpu.memory_space<hbm>>
          %dma_start3A_106 = arith.constant 0 : i32
          %dma_start3A_107 = tpu.memref_slice %arg5[%arg1, %add3A_63, %dma_start3A_106] : memref<16x158x128xi32, #tpu.memory_space<hbm>> -> memref<1x1x128xi32, #tpu.memory_space<hbm>>
          %dma_start3A_108 = tpu.memref_squeeze %dma_start3A_107 : memref<1x1x128xi32, #tpu.memory_space<hbm>> -> memref<128xi32, #tpu.memory_space<hbm>>
          tpu.enqueue_dma source(%dma_start3A_108 : memref<128xi32, #tpu.memory_space<hbm>>) target(%arg11 : memref<128xi32, #tpu.memory_space<vmem>>) target_semaphore(%arg19 : memref<!tpu.dma_semaphore, #tpu.memory_space<semaphore_mem>>)
          %dma_wait3A_109 = arith.constant 0 : i32
          %dma_wait3A_110 = arith.constant 0 : i32
          %dma_wait3A_111 = tpu.memref_slice %arg4[%arg1, %dma_wait3A_109, %dma_wait3A_110] : memref<16x158x128xi32, #tpu.memory_space<hbm>> -> memref<1x1x128xi32, #tpu.memory_space<hbm>>
          %dma_wait3A_112 = tpu.memref_squeeze %dma_wait3A_111 : memref<1x1x128xi32, #tpu.memory_space<hbm>> -> memref<128xi32, #tpu.memory_space<hbm>>
          %dma_wait3A_113 = arith.constant 0 : i32
          %dma_wait3A_114 = tpu.memref_slice %arg4[%arg1, %dma_wait3A_109, %dma_wait3A_113] : memref<16x158x128xi32, #tpu.memory_space<hbm>> -> memref<1x1x128xi32, #tpu.memory_space<hbm>>
          %dma_wait3A_115 = tpu.memref_squeeze %dma_wait3A_114 : memref<1x1x128xi32, #tpu.memory_space<hbm>> -> memref<128xi32, #tpu.memory_space<hbm>>
          tpu.wait_dma2 semaphore(%arg17 : memref<!tpu.dma_semaphore, #tpu.memory_space<semaphore_mem>>) src(%dma_wait3A_115 : memref<128xi32, #tpu.memory_space<hbm>>) dst(%arg9 : memref<128xi32, #tpu.memory_space<vmem>>)
          %dma_start3A_116 = arith.constant 0 : i32
          %dma_start3A_117 = arith.constant 0 : i32
          %dma_start3A_118 = tpu.memref_slice %arg13[%dma_start3A_116, %dma_start3A_117] : memref<128x128xf32, #tpu.memory_space<vmem>> -> memref<64x128xf32, #tpu.memory_space<vmem>>
          %dma_start3A_119 = arith.constant 0 : i32
          %dma_start3A_120 = tpu.memref_slice %arg9[%dma_start3A_119] : memref<128xi32, #tpu.memory_space<vmem>> -> memref<64xi32, #tpu.memory_space<vmem>>
          %dma_start3A_121 = arith.constant 0 : i32
          %dma_start3A_122 = arith.constant 0 : i32
          %dma_start3A_123 = tpu.memref_slice %arg3[%dma_start3A_121, %dma_start3A_122] : memref<10000x128xf32, #tpu.memory_space<hbm>> -> memref<10000x128xf32, #tpu.memory_space<hbm>>
          tpu.enqueue_indirect_dma source(%dma_start3A_123 : memref<10000x128xf32, #tpu.memory_space<hbm>>) target(%dma_start3A_118 : memref<64x128xf32, #tpu.memory_space<vmem>>) offsets(%dma_start3A_120 : memref<64xi32, #tpu.memory_space<vmem>>) semaphore(%arg15 : memref<!tpu.dma_semaphore, #tpu.memory_space<semaphore_mem>>)
          %dma_start3A_124 = arith.constant 64 : i32
          %dma_start3A_125 = arith.constant 0 : i32
          %dma_start3A_126 = tpu.memref_slice %arg13[%dma_start3A_124, %dma_start3A_125] : memref<128x128xf32, #tpu.memory_space<vmem>> -> memref<64x128xf32, #tpu.memory_space<vmem>>
          %dma_start3A_127 = arith.constant 64 : i32
          %dma_start3A_128 = tpu.memref_slice %arg9[%dma_start3A_127] : memref<128xi32, #tpu.memory_space<vmem>> -> memref<64xi32, #tpu.memory_space<vmem>>
          %dma_start3A_129 = arith.constant 0 : i32
          %dma_start3A_130 = arith.constant 0 : i32
          %dma_start3A_131 = tpu.memref_slice %arg3[%dma_start3A_129, %dma_start3A_130] : memref<10000x128xf32, #tpu.memory_space<hbm>> -> memref<10000x128xf32, #tpu.memory_space<hbm>>
          tpu.enqueue_indirect_dma source(%dma_start3A_131 : memref<10000x128xf32, #tpu.memory_space<hbm>>) target(%dma_start3A_126 : memref<64x128xf32, #tpu.memory_space<vmem>>) offsets(%dma_start3A_128 : memref<64xi32, #tpu.memory_space<vmem>>) semaphore(%arg15 : memref<!tpu.dma_semaphore, #tpu.memory_space<semaphore_mem>>)
        } else {
        }
        %mul3A_79 = arith.constant 2 : i32
        %mul3A_80 = arith.muli %mul3A_79, %scan3A_59 : i32
        %add3A_81 = arith.constant 2 : i32
        %add3A_82 = arith.addi %mul3A_80, %add3A_81 : i32
        %add3A_83 = arith.constant 1 : i32
        %add3A_84 = arith.addi %add3A_82, %add3A_83 : i32
        %dma_wait3A_85 = arith.constant 0 : i32
        %dma_wait3A_86 = arith.constant 0 : i32
        %dma_wait3A_87 = tpu.memref_slice %arg3[%dma_wait3A_85, %dma_wait3A_86] : memref<10000x128xf32, #tpu.memory_space<hbm>> -> memref<10000x128xf32, #tpu.memory_space<hbm>>
        tpu.wait_indirect_dma semaphore(%arg16 : memref<!tpu.dma_semaphore, #tpu.memory_space<semaphore_mem>>) src(%dma_wait3A_87 : memref<10000x128xf32, #tpu.memory_space<hbm>>) dst(%arg14 : memref<128x128xf32, #tpu.memory_space<vmem>>)
        %lt3A_88 = arith.constant 158 : i32
        %lt3A_89 = arith.cmpi slt, %add3A_84, %lt3A_88 : i32
        %convert_element_type3A_90 = arith.extui %lt3A_89 : i1 to i32
        %cond3A_91 = arith.constant 0 : i32
        %cond3A_92 = arith.cmpi ne, %convert_element_type3A_90, %cond3A_91 : i32
        scf.if %cond3A_92 {
          %dma_start3A_103 = arith.constant 0 : i32
          %dma_start3A_104 = tpu.memref_slice %arg4[%arg1, %add3A_84, %dma_start3A_103] : memref<16x158x128xi32, #tpu.memory_space<hbm>> -> memref<1x1x128xi32, #tpu.memory_space<hbm>>
          %dma_start3A_105 = tpu.memref_squeeze %dma_start3A_104 : memref<1x1x128xi32, #tpu.memory_space<hbm>> -> memref<128xi32, #tpu.memory_space<hbm>>
          %dma_start3A_106 = arith.constant 0 : i32
          %dma_start3A_107 = tpu.memref_slice %arg4[%arg1, %add3A_84, %dma_start3A_106] : memref<16x158x128xi32, #tpu.memory_space<hbm>> -> memref<1x1x128xi32, #tpu.memory_space<hbm>>
          %dma_start3A_108 = tpu.memref_squeeze %dma_start3A_107 : memref<1x1x128xi32, #tpu.memory_space<hbm>> -> memref<128xi32, #tpu.memory_space<hbm>>
          tpu.enqueue_dma source(%dma_start3A_108 : memref<128xi32, #tpu.memory_space<hbm>>) target(%arg10 : memref<128xi32, #tpu.memory_space<vmem>>) target_semaphore(%arg18 : memref<!tpu.dma_semaphore, #tpu.memory_space<semaphore_mem>>)
        } else {
        }
        %gt3A_93 = arith.constant 0 : i32
        %gt3A_94 = arith.cmpi sgt, %scan3A_59, %gt3A_93 : i32
        %convert_element_type3A_95 = arith.extui %gt3A_94 : i1 to i32
        %cond3A_96 = arith.constant 0 : i32
        %cond3A_97 = arith.cmpi ne, %convert_element_type3A_95, %cond3A_96 : i32
        scf.if %cond3A_97 {
          %dma_wait3A_103 = arith.constant 0 : i32
          %dma_wait3A_104 = arith.constant 0 : i32
          %dma_wait3A_105 = tpu.memref_slice %arg5[%arg1, %dma_wait3A_103, %dma_wait3A_104] : memref<16x158x128xi32, #tpu.memory_space<hbm>> -> memref<1x1x128xi32, #tpu.memory_space<hbm>>
          %dma_wait3A_106 = tpu.memref_squeeze %dma_wait3A_105 : memref<1x1x128xi32, #tpu.memory_space<hbm>> -> memref<128xi32, #tpu.memory_space<hbm>>
          %dma_wait3A_107 = arith.constant 0 : i32
          %dma_wait3A_108 = tpu.memref_slice %arg5[%arg1, %dma_wait3A_103, %dma_wait3A_107] : memref<16x158x128xi32, #tpu.memory_space<hbm>> -> memref<1x1x128xi32, #tpu.memory_space<hbm>>
          %dma_wait3A_109 = tpu.memref_squeeze %dma_wait3A_108 : memref<1x1x128xi32, #tpu.memory_space<hbm>> -> memref<128xi32, #tpu.memory_space<hbm>>
          tpu.wait_dma2 semaphore(%arg20 : memref<!tpu.dma_semaphore, #tpu.memory_space<semaphore_mem>>) src(%dma_wait3A_109 : memref<128xi32, #tpu.memory_space<hbm>>) dst(%arg12 : memref<128xi32, #tpu.memory_space<vmem>>)
        } else {
        }
        "tpu.region"() ({
          %run_scoped3A_103 = tpu.sem_alloc : memref<!tpu.dma_semaphore, #tpu.memory_space<semaphore_mem>>
          %dma_start3A_104 = arith.constant 0 : i32
          %dma_start3A_105 = arith.constant 0 : i32
          %dma_start3A_106 = tpu.memref_slice %arg8[%dma_start3A_104, %dma_start3A_105] : memref<10008x128xf32, #tpu.memory_space<vmem_shared>> -> memref<10008x128xf32, #tpu.memory_space<vmem_shared>>
          tpu.enqueue_indirect_dma source(%arg14 : memref<128x128xf32, #tpu.memory_space<vmem>>) target(%dma_start3A_106 : memref<10008x128xf32, #tpu.memory_space<vmem_shared>>) offsets(%arg12 : memref<128xi32, #tpu.memory_space<vmem>>) semaphore(%run_scoped3A_103 : memref<!tpu.dma_semaphore, #tpu.memory_space<semaphore_mem>>) {add = true}
          %dma_wait3A_107 = arith.constant 0 : i32
          %dma_wait3A_108 = arith.constant 0 : i32
          %dma_wait3A_109 = tpu.memref_slice %arg8[%dma_wait3A_107, %dma_wait3A_108] : memref<10008x128xf32, #tpu.memory_space<vmem_shared>> -> memref<10008x128xf32, #tpu.memory_space<vmem_shared>>
          tpu.wait_indirect_dma semaphore(%run_scoped3A_103 : memref<!tpu.dma_semaphore, #tpu.memory_space<semaphore_mem>>) src(%arg14 : memref<128x128xf32, #tpu.memory_space<vmem>>) dst(%dma_wait3A_109 : memref<10008x128xf32, #tpu.memory_space<vmem_shared>>)
          tpu.yield
        }) : () -> ()
        %lt3A_98 = arith.constant 158 : i32
        %lt3A_99 = arith.cmpi slt, %add3A_84, %lt3A_98 : i32
        %convert_element_type3A_100 = arith.extui %lt3A_99 : i1 to i32
        %cond3A_101 = arith.constant 0 : i32
        %cond3A_102 = arith.cmpi ne, %convert_element_type3A_100, %cond3A_101 : i32
        scf.if %cond3A_102 {
          %dma_start3A_103 = arith.constant 0 : i32
          %dma_start3A_104 = tpu.memref_slice %arg5[%arg1, %add3A_84, %dma_start3A_103] : memref<16x158x128xi32, #tpu.memory_space<hbm>> -> memref<1x1x128xi32, #tpu.memory_space<hbm>>
          %dma_start3A_105 = tpu.memref_squeeze %dma_start3A_104 : memref<1x1x128xi32, #tpu.memory_space<hbm>> -> memref<128xi32, #tpu.memory_space<hbm>>
          %dma_start3A_106 = arith.constant 0 : i32
          %dma_start3A_107 = tpu.memref_slice %arg5[%arg1, %add3A_84, %dma_start3A_106] : memref<16x158x128xi32, #tpu.memory_space<hbm>> -> memref<1x1x128xi32, #tpu.memory_space<hbm>>
          %dma_start3A_108 = tpu.memref_squeeze %dma_start3A_107 : memref<1x1x128xi32, #tpu.memory_space<hbm>> -> memref<128xi32, #tpu.memory_space<hbm>>
          tpu.enqueue_dma source(%dma_start3A_108 : memref<128xi32, #tpu.memory_space<hbm>>) target(%arg12 : memref<128xi32, #tpu.memory_space<vmem>>) target_semaphore(%arg20 : memref<!tpu.dma_semaphore, #tpu.memory_space<semaphore_mem>>)
          %dma_wait3A_109 = arith.constant 0 : i32
          %dma_wait3A_110 = arith.constant 0 : i32
          %dma_wait3A_111 = tpu.memref_slice %arg4[%arg1, %dma_wait3A_109, %dma_wait3A_110] : memref<16x158x128xi32, #tpu.memory_space<hbm>> -> memref<1x1x128xi32, #tpu.memory_space<hbm>>
          %dma_wait3A_112 = tpu.memref_squeeze %dma_wait3A_111 : memref<1x1x128xi32, #tpu.memory_space<hbm>> -> memref<128xi32, #tpu.memory_space<hbm>>
          %dma_wait3A_113 = arith.constant 0 : i32
          %dma_wait3A_114 = tpu.memref_slice %arg4[%arg1, %dma_wait3A_109, %dma_wait3A_113] : memref<16x158x128xi32, #tpu.memory_space<hbm>> -> memref<1x1x128xi32, #tpu.memory_space<hbm>>
          %dma_wait3A_115 = tpu.memref_squeeze %dma_wait3A_114 : memref<1x1x128xi32, #tpu.memory_space<hbm>> -> memref<128xi32, #tpu.memory_space<hbm>>
          tpu.wait_dma2 semaphore(%arg18 : memref<!tpu.dma_semaphore, #tpu.memory_space<semaphore_mem>>) src(%dma_wait3A_115 : memref<128xi32, #tpu.memory_space<hbm>>) dst(%arg10 : memref<128xi32, #tpu.memory_space<vmem>>)
          %dma_start3A_116 = arith.constant 0 : i32
          %dma_start3A_117 = arith.constant 0 : i32
          %dma_start3A_118 = tpu.memref_slice %arg14[%dma_start3A_116, %dma_start3A_117] : memref<128x128xf32, #tpu.memory_space<vmem>> -> memref<64x128xf32, #tpu.memory_space<vmem>>
          %dma_start3A_119 = arith.constant 0 : i32
          %dma_start3A_120 = tpu.memref_slice %arg10[%dma_start3A_119] : memref<128xi32, #tpu.memory_space<vmem>> -> memref<64xi32, #tpu.memory_space<vmem>>
          %dma_start3A_121 = arith.constant 0 : i32
          %dma_start3A_122 = arith.constant 0 : i32
          %dma_start3A_123 = tpu.memref_slice %arg3[%dma_start3A_121, %dma_start3A_122] : memref<10000x128xf32, #tpu.memory_space<hbm>> -> memref<10000x128xf32, #tpu.memory_space<hbm>>
          tpu.enqueue_indirect_dma source(%dma_start3A_123 : memref<10000x128xf32, #tpu.memory_space<hbm>>) target(%dma_start3A_118 : memref<64x128xf32, #tpu.memory_space<vmem>>) offsets(%dma_start3A_120 : memref<64xi32, #tpu.memory_space<vmem>>) semaphore(%arg16 : memref<!tpu.dma_semaphore, #tpu.memory_space<semaphore_mem>>)
          %dma_start3A_124 = arith.constant 64 : i32
          %dma_start3A_125 = arith.constant 0 : i32
          %dma_start3A_126 = tpu.memref_slice %arg14[%dma_start3A_124, %dma_start3A_125] : memref<128x128xf32, #tpu.memory_space<vmem>> -> memref<64x128xf32, #tpu.memory_space<vmem>>
          %dma_start3A_127 = arith.constant 64 : i32
          %dma_start3A_128 = tpu.memref_slice %arg10[%dma_start3A_127] : memref<128xi32, #tpu.memory_space<vmem>> -> memref<64xi32, #tpu.memory_space<vmem>>
          %dma_start3A_129 = arith.constant 0 : i32
          %dma_start3A_130 = arith.constant 0 : i32
          %dma_start3A_131 = tpu.memref_slice %arg3[%dma_start3A_129, %dma_start3A_130] : memref<10000x128xf32, #tpu.memory_space<hbm>> -> memref<10000x128xf32, #tpu.memory_space<hbm>>
          tpu.enqueue_indirect_dma source(%dma_start3A_131 : memref<10000x128xf32, #tpu.memory_space<hbm>>) target(%dma_start3A_126 : memref<64x128xf32, #tpu.memory_space<vmem>>) offsets(%dma_start3A_128 : memref<64xi32, #tpu.memory_space<vmem>>) semaphore(%arg16 : memref<!tpu.dma_semaphore, #tpu.memory_space<semaphore_mem>>)
        } else {
        }
      }
      %scan3A_51 = arith.constant 79 : i32
      %barrier3A_52 = arith.constant 0 : index
      tpu.barrier barrier_id(%barrier3A_52)
      %scan3A_53 = arith.constant 0 : i32
      %scan3A_54 = arith.constant 0 : i32
      %scan3A_55 = arith.constant 8 : i32
      %scan3A_56 = arith.addi %scan3A_54, %scan3A_55 : i32
      %scan3A_57 = arith.constant 1 : i32
      scf.for %scan3A_59 = %scan3A_54 to %scan3A_56 step %scan3A_57  : i32 {
        %mul3A = arith.constant 16 : i32
        %mul3A_60 = arith.muli %scan3A_59, %mul3A : i32
        %add3A = arith.addi %arg1, %mul3A_60 : i32
        %lt3A = arith.constant 125 : i32
        %lt3A_61 = arith.cmpi slt, %add3A, %lt3A : i32
        %convert_element_type3A_62 = arith.extui %lt3A_61 : i1 to i32
        %cond3A_63 = arith.constant 0 : i32
        %cond3A_64 = arith.cmpi ne, %convert_element_type3A_62, %cond3A_63 : i32
        scf.if %cond3A_64 {
          %mul3A_65 = arith.constant 80 : i32
          %mul3A_66 = arith.muli %add3A, %mul3A_65 : i32
          %multiple_of3A = tpu.assume_multiple %mul3A_66, 8 : i32
          "tpu.region"() ({
            %run_scoped3A_67 = tpu.sem_alloc : memref<!tpu.dma_semaphore, #tpu.memory_space<semaphore_mem>>
            %dma_start3A_68 = arith.constant 0 : i32
            %dma_start3A_69 = tpu.memref_slice %arg7[%multiple_of3A, %dma_start3A_68] : memref<10000x128xf32, #tpu.memory_space<hbm>> -> memref<80x128xf32, #tpu.memory_space<hbm>>
            %dma_start3A_70 = arith.constant 0 : i32
            %dma_start3A_71 = tpu.memref_slice %arg8[%multiple_of3A, %dma_start3A_70] : memref<10008x128xf32, #tpu.memory_space<vmem_shared>> -> memref<80x128xf32, #tpu.memory_space<vmem_shared>>
            tpu.enqueue_dma source(%dma_start3A_71 : memref<80x128xf32, #tpu.memory_space<vmem_shared>>) target(%dma_start3A_69 : memref<80x128xf32, #tpu.memory_space<hbm>>) target_semaphore(%run_scoped3A_67 : memref<!tpu.dma_semaphore, #tpu.memory_space<semaphore_mem>>)
            %dma_wait3A = arith.constant 0 : i32
            %dma_wait3A_72 = tpu.memref_slice %arg7[%multiple_of3A, %dma_wait3A] : memref<10000x128xf32, #tpu.memory_space<hbm>> -> memref<80x128xf32, #tpu.memory_space<hbm>>
            %dma_wait3A_73 = arith.constant 0 : i32
            %dma_wait3A_74 = tpu.memref_slice %arg8[%multiple_of3A, %dma_wait3A_73] : memref<10008x128xf32, #tpu.memory_space<vmem_shared>> -> memref<80x128xf32, #tpu.memory_space<vmem_shared>>
            tpu.wait_dma2 semaphore(%run_scoped3A_67 : memref<!tpu.dma_semaphore, #tpu.memory_space<semaphore_mem>>) src(%dma_wait3A_74 : memref<80x128xf32, #tpu.memory_space<vmem_shared>>) dst(%dma_wait3A_72 : memref<80x128xf32, #tpu.memory_space<hbm>>)
            tpu.yield
          }) : () -> ()
        } else {
        }
      }
      %scan3A_58 = arith.constant 8 : i32
    } else {
    }
    return
  }
}

#map = affine_map<(d0, d1) -> (0, 0)>
#map1 = affine_map<(d0, d1) -> (0, 0, 0)>
module attributes {stable_mosaic.version = 14 : i64} {
  func.func @_sc_agg_body(%arg0: i32, %arg1: i32, %arg2: memref<10000x128xf32, #tpu.memory_space<hbm>>, %arg3: memref<10000x128xf32, #tpu.memory_space<hbm>>, %arg4: memref<16x158x128xi32, #tpu.memory_space<hbm>>, %arg5: memref<16x158x128xi32, #tpu.memory_space<hbm>>, %arg6: memref<10000x128xf32, #tpu.memory_space<hbm>>, %arg7: memref<10000x128xf32, #tpu.memory_space<hbm>>, %arg8: memref<10008x128xf32, #tpu.memory_space<vmem_shared>>, %arg9: memref<128xi32, #tpu.memory_space<vmem>>, %arg10: memref<128xi32, #tpu.memory_space<vmem>>, %arg11: memref<128xi32, #tpu.memory_space<vmem>>, %arg12: memref<128xi32, #tpu.memory_space<vmem>>, %arg13: memref<128x128xf32, #tpu.memory_space<vmem>>, %arg14: memref<128x128xf32, #tpu.memory_space<vmem>>, %arg15: memref<!tpu.dma_semaphore, #tpu.memory_space<semaphore_mem>>, %arg16: memref<!tpu.dma_semaphore, #tpu.memory_space<semaphore_mem>>, %arg17: memref<!tpu.dma_semaphore, #tpu.memory_space<semaphore_mem>>, %arg18: memref<!tpu.dma_semaphore, #tpu.memory_space<semaphore_mem>>, %arg19: memref<!tpu.dma_semaphore, #tpu.memory_space<semaphore_mem>>, %arg20: memref<!tpu.dma_semaphore, #tpu.memory_space<semaphore_mem>>) attributes {dimension_semantics = [#tpu.dimension_semantics<core_parallel>, #tpu.dimension_semantics<subcore_parallel>], iteration_bounds = array<i64: 2, 16>, scalar_prefetch = 0 : i64, scratch_operands = 13 : i64, tpu.core_type = #tpu.core_type<sc_vector_subcore>, window_params = [{transform_indices = #map}, {transform_indices = #map}, {transform_indices = #map1}, {transform_indices = #map1}, {transform_indices = #map}, {transform_indices = #map}]} {
    %eq3A = arith.constant 0 : i32
    %eq3A_0 = arith.cmpi eq, %arg0, %eq3A : i32
    %convert_element_type3A = arith.extui %eq3A_0 : i1 to i32
    %cond3A = arith.constant 0 : i32
    %cond3A_1 = arith.cmpi ne, %convert_element_type3A, %cond3A : i32
    scf.if %cond3A_1 {
      %scan3A = arith.constant 0 : i32
      %scan3A_7 = arith.constant 0 : i32
      %scan3A_8 = arith.constant 8 : i32
      %scan3A_9 = arith.addi %scan3A_7, %scan3A_8 : i32
      %scan3A_10 = arith.constant 1 : i32
      scf.for %scan3A_59 = %scan3A_7 to %scan3A_9 step %scan3A_10  : i32 {
        %mul3A = arith.constant 16 : i32
        %mul3A_60 = arith.muli %scan3A_59, %mul3A : i32
        %add3A = arith.addi %arg1, %mul3A_60 : i32
        %lt3A = arith.constant 125 : i32
        %lt3A_61 = arith.cmpi slt, %add3A, %lt3A : i32
        %convert_element_type3A_62 = arith.extui %lt3A_61 : i1 to i32
        %cond3A_63 = arith.constant 0 : i32
        %cond3A_64 = arith.cmpi ne, %convert_element_type3A_62, %cond3A_63 : i32
        scf.if %cond3A_64 {
          %mul3A_65 = arith.constant 80 : i32
          %mul3A_66 = arith.muli %add3A, %mul3A_65 : i32
          %multiple_of3A = tpu.assume_multiple %mul3A_66, 8 : i32
          "tpu.region"() ({
            %run_scoped3A_67 = tpu.sem_alloc : memref<!tpu.dma_semaphore, #tpu.memory_space<semaphore_mem>>
            %dma_start3A_68 = arith.constant 0 : i32
            %dma_start3A_69 = tpu.memref_slice %arg8[%multiple_of3A, %dma_start3A_68] : memref<10008x128xf32, #tpu.memory_space<vmem_shared>> -> memref<80x128xf32, #tpu.memory_space<vmem_shared>>
            %dma_start3A_70 = arith.constant 0 : i32
            %dma_start3A_71 = tpu.memref_slice %arg2[%multiple_of3A, %dma_start3A_70] : memref<10000x128xf32, #tpu.memory_space<hbm>> -> memref<80x128xf32, #tpu.memory_space<hbm>>
            tpu.enqueue_dma source(%dma_start3A_71 : memref<80x128xf32, #tpu.memory_space<hbm>>) target(%dma_start3A_69 : memref<80x128xf32, #tpu.memory_space<vmem_shared>>) target_semaphore(%run_scoped3A_67 : memref<!tpu.dma_semaphore, #tpu.memory_space<semaphore_mem>>)
            %dma_wait3A = arith.constant 0 : i32
            %dma_wait3A_72 = tpu.memref_slice %arg8[%multiple_of3A, %dma_wait3A] : memref<10008x128xf32, #tpu.memory_space<vmem_shared>> -> memref<80x128xf32, #tpu.memory_space<vmem_shared>>
            %dma_wait3A_73 = arith.constant 0 : i32
            %dma_wait3A_74 = tpu.memref_slice %arg2[%multiple_of3A, %dma_wait3A_73] : memref<10000x128xf32, #tpu.memory_space<hbm>> -> memref<80x128xf32, #tpu.memory_space<hbm>>
            tpu.wait_dma2 semaphore(%run_scoped3A_67 : memref<!tpu.dma_semaphore, #tpu.memory_space<semaphore_mem>>) src(%dma_wait3A_74 : memref<80x128xf32, #tpu.memory_space<hbm>>) dst(%dma_wait3A_72 : memref<80x128xf32, #tpu.memory_space<vmem_shared>>)
            tpu.yield
          }) : () -> ()
        } else {
        }
      }
      %scan3A_11 = arith.constant 8 : i32
      %barrier3A = arith.constant 0 : index
      tpu.barrier barrier_id(%barrier3A)
      %run_scoped3A = arith.constant 0 : i32
      "tpu.region"() ({
        %run_scoped3A_59 = tpu.sem_alloc : memref<!tpu.dma_semaphore, #tpu.memory_space<semaphore_mem>>
        %dma_start3A_60 = arith.constant 0 : i32
        %dma_start3A_61 = tpu.memref_slice %arg4[%arg1, %run_scoped3A, %dma_start3A_60] : memref<16x158x128xi32, #tpu.memory_space<hbm>> -> memref<1x1x128xi32, #tpu.memory_space<hbm>>
        %dma_start3A_62 = tpu.memref_squeeze %dma_start3A_61 : memref<1x1x128xi32, #tpu.memory_space<hbm>> -> memref<128xi32, #tpu.memory_space<hbm>>
        %dma_start3A_63 = arith.constant 0 : i32
        %dma_start3A_64 = tpu.memref_slice %arg4[%arg1, %run_scoped3A, %dma_start3A_63] : memref<16x158x128xi32, #tpu.memory_space<hbm>> -> memref<1x1x128xi32, #tpu.memory_space<hbm>>
        %dma_start3A_65 = tpu.memref_squeeze %dma_start3A_64 : memref<1x1x128xi32, #tpu.memory_space<hbm>> -> memref<128xi32, #tpu.memory_space<hbm>>
        tpu.enqueue_dma source(%dma_start3A_65 : memref<128xi32, #tpu.memory_space<hbm>>) target(%arg9 : memref<128xi32, #tpu.memory_space<vmem>>) target_semaphore(%run_scoped3A_59 : memref<!tpu.dma_semaphore, #tpu.memory_space<semaphore_mem>>)
        %dma_wait3A = arith.constant 0 : i32
        %dma_wait3A_66 = tpu.memref_slice %arg4[%arg1, %run_scoped3A, %dma_wait3A] : memref<16x158x128xi32, #tpu.memory_space<hbm>> -> memref<1x1x128xi32, #tpu.memory_space<hbm>>
        %dma_wait3A_67 = tpu.memref_squeeze %dma_wait3A_66 : memref<1x1x128xi32, #tpu.memory_space<hbm>> -> memref<128xi32, #tpu.memory_space<hbm>>
        %dma_wait3A_68 = arith.constant 0 : i32
        %dma_wait3A_69 = tpu.memref_slice %arg4[%arg1, %run_scoped3A, %dma_wait3A_68] : memref<16x158x128xi32, #tpu.memory_space<hbm>> -> memref<1x1x128xi32, #tpu.memory_space<hbm>>
        %dma_wait3A_70 = tpu.memref_squeeze %dma_wait3A_69 : memref<1x1x128xi32, #tpu.memory_space<hbm>> -> memref<128xi32, #tpu.memory_space<hbm>>
        tpu.wait_dma2 semaphore(%run_scoped3A_59 : memref<!tpu.dma_semaphore, #tpu.memory_space<semaphore_mem>>) src(%dma_wait3A_70 : memref<128xi32, #tpu.memory_space<hbm>>) dst(%arg9 : memref<128xi32, #tpu.memory_space<vmem>>)
        tpu.yield
      }) : () -> ()
      %run_scoped3A_12 = arith.constant 0 : i32
      "tpu.region"() ({
        %run_scoped3A_59 = tpu.sem_alloc : memref<!tpu.dma_semaphore, #tpu.memory_space<semaphore_mem>>
        %dma_start3A_60 = arith.constant 0 : i32
        %dma_start3A_61 = tpu.memref_slice %arg5[%arg1, %run_scoped3A_12, %dma_start3A_60] : memref<16x158x128xi32, #tpu.memory_space<hbm>> -> memref<1x1x128xi32, #tpu.memory_space<hbm>>
        %dma_start3A_62 = tpu.memref_squeeze %dma_start3A_61 : memref<1x1x128xi32, #tpu.memory_space<hbm>> -> memref<128xi32, #tpu.memory_space<hbm>>
        %dma_start3A_63 = arith.constant 0 : i32
        %dma_start3A_64 = tpu.memref_slice %arg5[%arg1, %run_scoped3A_12, %dma_start3A_63] : memref<16x158x128xi32, #tpu.memory_space<hbm>> -> memref<1x1x128xi32, #tpu.memory_space<hbm>>
        %dma_start3A_65 = tpu.memref_squeeze %dma_start3A_64 : memref<1x1x128xi32, #tpu.memory_space<hbm>> -> memref<128xi32, #tpu.memory_space<hbm>>
        tpu.enqueue_dma source(%dma_start3A_65 : memref<128xi32, #tpu.memory_space<hbm>>) target(%arg11 : memref<128xi32, #tpu.memory_space<vmem>>) target_semaphore(%run_scoped3A_59 : memref<!tpu.dma_semaphore, #tpu.memory_space<semaphore_mem>>)
        %dma_wait3A = arith.constant 0 : i32
        %dma_wait3A_66 = tpu.memref_slice %arg5[%arg1, %run_scoped3A_12, %dma_wait3A] : memref<16x158x128xi32, #tpu.memory_space<hbm>> -> memref<1x1x128xi32, #tpu.memory_space<hbm>>
        %dma_wait3A_67 = tpu.memref_squeeze %dma_wait3A_66 : memref<1x1x128xi32, #tpu.memory_space<hbm>> -> memref<128xi32, #tpu.memory_space<hbm>>
        %dma_wait3A_68 = arith.constant 0 : i32
        %dma_wait3A_69 = tpu.memref_slice %arg5[%arg1, %run_scoped3A_12, %dma_wait3A_68] : memref<16x158x128xi32, #tpu.memory_space<hbm>> -> memref<1x1x128xi32, #tpu.memory_space<hbm>>
        %dma_wait3A_70 = tpu.memref_squeeze %dma_wait3A_69 : memref<1x1x128xi32, #tpu.memory_space<hbm>> -> memref<128xi32, #tpu.memory_space<hbm>>
        tpu.wait_dma2 semaphore(%run_scoped3A_59 : memref<!tpu.dma_semaphore, #tpu.memory_space<semaphore_mem>>) src(%dma_wait3A_70 : memref<128xi32, #tpu.memory_space<hbm>>) dst(%arg11 : memref<128xi32, #tpu.memory_space<vmem>>)
        tpu.yield
      }) : () -> ()
      %dma_start3A = arith.constant 0 : i32
      %dma_start3A_13 = arith.constant 0 : i32
      %dma_start3A_14 = tpu.memref_slice %arg13[%dma_start3A, %dma_start3A_13] : memref<128x128xf32, #tpu.memory_space<vmem>> -> memref<64x128xf32, #tpu.memory_space<vmem>>
      %dma_start3A_15 = arith.constant 0 : i32
      %dma_start3A_16 = tpu.memref_slice %arg9[%dma_start3A_15] : memref<128xi32, #tpu.memory_space<vmem>> -> memref<64xi32, #tpu.memory_space<vmem>>
      %dma_start3A_17 = arith.constant 0 : i32
      %dma_start3A_18 = arith.constant 0 : i32
      %dma_start3A_19 = tpu.memref_slice %arg2[%dma_start3A_17, %dma_start3A_18] : memref<10000x128xf32, #tpu.memory_space<hbm>> -> memref<10000x128xf32, #tpu.memory_space<hbm>>
      tpu.enqueue_indirect_dma source(%dma_start3A_19 : memref<10000x128xf32, #tpu.memory_space<hbm>>) target(%dma_start3A_14 : memref<64x128xf32, #tpu.memory_space<vmem>>) offsets(%dma_start3A_16 : memref<64xi32, #tpu.memory_space<vmem>>) semaphore(%arg15 : memref<!tpu.dma_semaphore, #tpu.memory_space<semaphore_mem>>)
      %dma_start3A_20 = arith.constant 64 : i32
      %dma_start3A_21 = arith.constant 0 : i32
      %dma_start3A_22 = tpu.memref_slice %arg13[%dma_start3A_20, %dma_start3A_21] : memref<128x128xf32, #tpu.memory_space<vmem>> -> memref<64x128xf32, #tpu.memory_space<vmem>>
      %dma_start3A_23 = arith.constant 64 : i32
      %dma_start3A_24 = tpu.memref_slice %arg9[%dma_start3A_23] : memref<128xi32, #tpu.memory_space<vmem>> -> memref<64xi32, #tpu.memory_space<vmem>>
      %dma_start3A_25 = arith.constant 0 : i32
      %dma_start3A_26 = arith.constant 0 : i32
      %dma_start3A_27 = tpu.memref_slice %arg2[%dma_start3A_25, %dma_start3A_26] : memref<10000x128xf32, #tpu.memory_space<hbm>> -> memref<10000x128xf32, #tpu.memory_space<hbm>>
      tpu.enqueue_indirect_dma source(%dma_start3A_27 : memref<10000x128xf32, #tpu.memory_space<hbm>>) target(%dma_start3A_22 : memref<64x128xf32, #tpu.memory_space<vmem>>) offsets(%dma_start3A_24 : memref<64xi32, #tpu.memory_space<vmem>>) semaphore(%arg15 : memref<!tpu.dma_semaphore, #tpu.memory_space<semaphore_mem>>)
      %run_scoped3A_28 = arith.constant 1 : i32
      "tpu.region"() ({
        %run_scoped3A_59 = tpu.sem_alloc : memref<!tpu.dma_semaphore, #tpu.memory_space<semaphore_mem>>
        %dma_start3A_60 = arith.constant 0 : i32
        %dma_start3A_61 = tpu.memref_slice %arg4[%arg1, %run_scoped3A_28, %dma_start3A_60] : memref<16x158x128xi32, #tpu.memory_space<hbm>> -> memref<1x1x128xi32, #tpu.memory_space<hbm>>
        %dma_start3A_62 = tpu.memref_squeeze %dma_start3A_61 : memref<1x1x128xi32, #tpu.memory_space<hbm>> -> memref<128xi32, #tpu.memory_space<hbm>>
        %dma_start3A_63 = arith.constant 0 : i32
        %dma_start3A_64 = tpu.memref_slice %arg4[%arg1, %run_scoped3A_28, %dma_start3A_63] : memref<16x158x128xi32, #tpu.memory_space<hbm>> -> memref<1x1x128xi32, #tpu.memory_space<hbm>>
        %dma_start3A_65 = tpu.memref_squeeze %dma_start3A_64 : memref<1x1x128xi32, #tpu.memory_space<hbm>> -> memref<128xi32, #tpu.memory_space<hbm>>
        tpu.enqueue_dma source(%dma_start3A_65 : memref<128xi32, #tpu.memory_space<hbm>>) target(%arg10 : memref<128xi32, #tpu.memory_space<vmem>>) target_semaphore(%run_scoped3A_59 : memref<!tpu.dma_semaphore, #tpu.memory_space<semaphore_mem>>)
        %dma_wait3A = arith.constant 0 : i32
        %dma_wait3A_66 = tpu.memref_slice %arg4[%arg1, %run_scoped3A_28, %dma_wait3A] : memref<16x158x128xi32, #tpu.memory_space<hbm>> -> memref<1x1x128xi32, #tpu.memory_space<hbm>>
        %dma_wait3A_67 = tpu.memref_squeeze %dma_wait3A_66 : memref<1x1x128xi32, #tpu.memory_space<hbm>> -> memref<128xi32, #tpu.memory_space<hbm>>
        %dma_wait3A_68 = arith.constant 0 : i32
        %dma_wait3A_69 = tpu.memref_slice %arg4[%arg1, %run_scoped3A_28, %dma_wait3A_68] : memref<16x158x128xi32, #tpu.memory_space<hbm>> -> memref<1x1x128xi32, #tpu.memory_space<hbm>>
        %dma_wait3A_70 = tpu.memref_squeeze %dma_wait3A_69 : memref<1x1x128xi32, #tpu.memory_space<hbm>> -> memref<128xi32, #tpu.memory_space<hbm>>
        tpu.wait_dma2 semaphore(%run_scoped3A_59 : memref<!tpu.dma_semaphore, #tpu.memory_space<semaphore_mem>>) src(%dma_wait3A_70 : memref<128xi32, #tpu.memory_space<hbm>>) dst(%arg10 : memref<128xi32, #tpu.memory_space<vmem>>)
        tpu.yield
      }) : () -> ()
      %run_scoped3A_29 = arith.constant 1 : i32
      "tpu.region"() ({
        %run_scoped3A_59 = tpu.sem_alloc : memref<!tpu.dma_semaphore, #tpu.memory_space<semaphore_mem>>
        %dma_start3A_60 = arith.constant 0 : i32
        %dma_start3A_61 = tpu.memref_slice %arg5[%arg1, %run_scoped3A_29, %dma_start3A_60] : memref<16x158x128xi32, #tpu.memory_space<hbm>> -> memref<1x1x128xi32, #tpu.memory_space<hbm>>
        %dma_start3A_62 = tpu.memref_squeeze %dma_start3A_61 : memref<1x1x128xi32, #tpu.memory_space<hbm>> -> memref<128xi32, #tpu.memory_space<hbm>>
        %dma_start3A_63 = arith.constant 0 : i32
        %dma_start3A_64 = tpu.memref_slice %arg5[%arg1, %run_scoped3A_29, %dma_start3A_63] : memref<16x158x128xi32, #tpu.memory_space<hbm>> -> memref<1x1x128xi32, #tpu.memory_space<hbm>>
        %dma_start3A_65 = tpu.memref_squeeze %dma_start3A_64 : memref<1x1x128xi32, #tpu.memory_space<hbm>> -> memref<128xi32, #tpu.memory_space<hbm>>
        tpu.enqueue_dma source(%dma_start3A_65 : memref<128xi32, #tpu.memory_space<hbm>>) target(%arg12 : memref<128xi32, #tpu.memory_space<vmem>>) target_semaphore(%run_scoped3A_59 : memref<!tpu.dma_semaphore, #tpu.memory_space<semaphore_mem>>)
        %dma_wait3A = arith.constant 0 : i32
        %dma_wait3A_66 = tpu.memref_slice %arg5[%arg1, %run_scoped3A_29, %dma_wait3A] : memref<16x158x128xi32, #tpu.memory_space<hbm>> -> memref<1x1x128xi32, #tpu.memory_space<hbm>>
        %dma_wait3A_67 = tpu.memref_squeeze %dma_wait3A_66 : memref<1x1x128xi32, #tpu.memory_space<hbm>> -> memref<128xi32, #tpu.memory_space<hbm>>
        %dma_wait3A_68 = arith.constant 0 : i32
        %dma_wait3A_69 = tpu.memref_slice %arg5[%arg1, %run_scoped3A_29, %dma_wait3A_68] : memref<16x158x128xi32, #tpu.memory_space<hbm>> -> memref<1x1x128xi32, #tpu.memory_space<hbm>>
        %dma_wait3A_70 = tpu.memref_squeeze %dma_wait3A_69 : memref<1x1x128xi32, #tpu.memory_space<hbm>> -> memref<128xi32, #tpu.memory_space<hbm>>
        tpu.wait_dma2 semaphore(%run_scoped3A_59 : memref<!tpu.dma_semaphore, #tpu.memory_space<semaphore_mem>>) src(%dma_wait3A_70 : memref<128xi32, #tpu.memory_space<hbm>>) dst(%arg12 : memref<128xi32, #tpu.memory_space<vmem>>)
        tpu.yield
      }) : () -> ()
      %dma_start3A_30 = arith.constant 0 : i32
      %dma_start3A_31 = arith.constant 0 : i32
      %dma_start3A_32 = tpu.memref_slice %arg14[%dma_start3A_30, %dma_start3A_31] : memref<128x128xf32, #tpu.memory_space<vmem>> -> memref<64x128xf32, #tpu.memory_space<vmem>>
      %dma_start3A_33 = arith.constant 0 : i32
      %dma_start3A_34 = tpu.memref_slice %arg10[%dma_start3A_33] : memref<128xi32, #tpu.memory_space<vmem>> -> memref<64xi32, #tpu.memory_space<vmem>>
      %dma_start3A_35 = arith.constant 0 : i32
      %dma_start3A_36 = arith.constant 0 : i32
      %dma_start3A_37 = tpu.memref_slice %arg2[%dma_start3A_35, %dma_start3A_36] : memref<10000x128xf32, #tpu.memory_space<hbm>> -> memref<10000x128xf32, #tpu.memory_space<hbm>>
      tpu.enqueue_indirect_dma source(%dma_start3A_37 : memref<10000x128xf32, #tpu.memory_space<hbm>>) target(%dma_start3A_32 : memref<64x128xf32, #tpu.memory_space<vmem>>) offsets(%dma_start3A_34 : memref<64xi32, #tpu.memory_space<vmem>>) semaphore(%arg16 : memref<!tpu.dma_semaphore, #tpu.memory_space<semaphore_mem>>)
      %dma_start3A_38 = arith.constant 64 : i32
      %dma_start3A_39 = arith.constant 0 : i32
      %dma_start3A_40 = tpu.memref_slice %arg14[%dma_start3A_38, %dma_start3A_39] : memref<128x128xf32, #tpu.memory_space<vmem>> -> memref<64x128xf32, #tpu.memory_space<vmem>>
      %dma_start3A_41 = arith.constant 64 : i32
      %dma_start3A_42 = tpu.memref_slice %arg10[%dma_start3A_41] : memref<128xi32, #tpu.memory_space<vmem>> -> memref<64xi32, #tpu.memory_space<vmem>>
      %dma_start3A_43 = arith.constant 0 : i32
      %dma_start3A_44 = arith.constant 0 : i32
      %dma_start3A_45 = tpu.memref_slice %arg2[%dma_start3A_43, %dma_start3A_44] : memref<10000x128xf32, #tpu.memory_space<hbm>> -> memref<10000x128xf32, #tpu.memory_space<hbm>>
      tpu.enqueue_indirect_dma source(%dma_start3A_45 : memref<10000x128xf32, #tpu.memory_space<hbm>>) target(%dma_start3A_40 : memref<64x128xf32, #tpu.memory_space<vmem>>) offsets(%dma_start3A_42 : memref<64xi32, #tpu.memory_space<vmem>>) semaphore(%arg16 : memref<!tpu.dma_semaphore, #tpu.memory_space<semaphore_mem>>)
      %scan3A_46 = arith.constant 0 : i32
      %scan3A_47 = arith.constant 0 : i32
      %scan3A_48 = arith.constant 79 : i32
      %scan3A_49 = arith.addi %scan3A_47, %scan3A_48 : i32
      %scan3A_50 = arith.constant 1 : i32
      scf.for %scan3A_59 = %scan3A_47 to %scan3A_49 step %scan3A_50  : i32 {
        %mul3A = arith.constant 2 : i32
        %mul3A_60 = arith.muli %mul3A, %scan3A_59 : i32
        %add3A = arith.constant 2 : i32
        %add3A_61 = arith.addi %mul3A_60, %add3A : i32
        %add3A_62 = arith.constant 0 : i32
        %add3A_63 = arith.addi %add3A_61, %add3A_62 : i32
        %dma_wait3A = arith.constant 0 : i32
        %dma_wait3A_64 = arith.constant 0 : i32
        %dma_wait3A_65 = tpu.memref_slice %arg2[%dma_wait3A, %dma_wait3A_64] : memref<10000x128xf32, #tpu.memory_space<hbm>> -> memref<10000x128xf32, #tpu.memory_space<hbm>>
        tpu.wait_indirect_dma semaphore(%arg15 : memref<!tpu.dma_semaphore, #tpu.memory_space<semaphore_mem>>) src(%dma_wait3A_65 : memref<10000x128xf32, #tpu.memory_space<hbm>>) dst(%arg13 : memref<128x128xf32, #tpu.memory_space<vmem>>)
        %lt3A = arith.constant 158 : i32
        %lt3A_66 = arith.cmpi slt, %add3A_63, %lt3A : i32
        %convert_element_type3A_67 = arith.extui %lt3A_66 : i1 to i32
        %cond3A_68 = arith.constant 0 : i32
        %cond3A_69 = arith.cmpi ne, %convert_element_type3A_67, %cond3A_68 : i32
        scf.if %cond3A_69 {
          %dma_start3A_103 = arith.constant 0 : i32
          %dma_start3A_104 = tpu.memref_slice %arg4[%arg1, %add3A_63, %dma_start3A_103] : memref<16x158x128xi32, #tpu.memory_space<hbm>> -> memref<1x1x128xi32, #tpu.memory_space<hbm>>
          %dma_start3A_105 = tpu.memref_squeeze %dma_start3A_104 : memref<1x1x128xi32, #tpu.memory_space<hbm>> -> memref<128xi32, #tpu.memory_space<hbm>>
          %dma_start3A_106 = arith.constant 0 : i32
          %dma_start3A_107 = tpu.memref_slice %arg4[%arg1, %add3A_63, %dma_start3A_106] : memref<16x158x128xi32, #tpu.memory_space<hbm>> -> memref<1x1x128xi32, #tpu.memory_space<hbm>>
          %dma_start3A_108 = tpu.memref_squeeze %dma_start3A_107 : memref<1x1x128xi32, #tpu.memory_space<hbm>> -> memref<128xi32, #tpu.memory_space<hbm>>
          tpu.enqueue_dma source(%dma_start3A_108 : memref<128xi32, #tpu.memory_space<hbm>>) target(%arg9 : memref<128xi32, #tpu.memory_space<vmem>>) target_semaphore(%arg17 : memref<!tpu.dma_semaphore, #tpu.memory_space<semaphore_mem>>)
        } else {
        }
        %gt3A = arith.constant 0 : i32
        %gt3A_70 = arith.cmpi sgt, %scan3A_59, %gt3A : i32
        %convert_element_type3A_71 = arith.extui %gt3A_70 : i1 to i32
        %cond3A_72 = arith.constant 0 : i32
        %cond3A_73 = arith.cmpi ne, %convert_element_type3A_71, %cond3A_72 : i32
        scf.if %cond3A_73 {
          %dma_wait3A_103 = arith.constant 0 : i32
          %dma_wait3A_104 = arith.constant 0 : i32
          %dma_wait3A_105 = tpu.memref_slice %arg5[%arg1, %dma_wait3A_103, %dma_wait3A_104] : memref<16x158x128xi32, #tpu.memory_space<hbm>> -> memref<1x1x128xi32, #tpu.memory_space<hbm>>
          %dma_wait3A_106 = tpu.memref_squeeze %dma_wait3A_105 : memref<1x1x128xi32, #tpu.memory_space<hbm>> -> memref<128xi32, #tpu.memory_space<hbm>>
          %dma_wait3A_107 = arith.constant 0 : i32
          %dma_wait3A_108 = tpu.memref_slice %arg5[%arg1, %dma_wait3A_103, %dma_wait3A_107] : memref<16x158x128xi32, #tpu.memory_space<hbm>> -> memref<1x1x128xi32, #tpu.memory_space<hbm>>
          %dma_wait3A_109 = tpu.memref_squeeze %dma_wait3A_108 : memref<1x1x128xi32, #tpu.memory_space<hbm>> -> memref<128xi32, #tpu.memory_space<hbm>>
          tpu.wait_dma2 semaphore(%arg19 : memref<!tpu.dma_semaphore, #tpu.memory_space<semaphore_mem>>) src(%dma_wait3A_109 : memref<128xi32, #tpu.memory_space<hbm>>) dst(%arg11 : memref<128xi32, #tpu.memory_space<vmem>>)
        } else {
        }
        "tpu.region"() ({
          %run_scoped3A_103 = tpu.sem_alloc : memref<!tpu.dma_semaphore, #tpu.memory_space<semaphore_mem>>
          %dma_start3A_104 = arith.constant 0 : i32
          %dma_start3A_105 = arith.constant 0 : i32
          %dma_start3A_106 = tpu.memref_slice %arg8[%dma_start3A_104, %dma_start3A_105] : memref<10008x128xf32, #tpu.memory_space<vmem_shared>> -> memref<10008x128xf32, #tpu.memory_space<vmem_shared>>
          tpu.enqueue_indirect_dma source(%arg13 : memref<128x128xf32, #tpu.memory_space<vmem>>) target(%dma_start3A_106 : memref<10008x128xf32, #tpu.memory_space<vmem_shared>>) offsets(%arg11 : memref<128xi32, #tpu.memory_space<vmem>>) semaphore(%run_scoped3A_103 : memref<!tpu.dma_semaphore, #tpu.memory_space<semaphore_mem>>) {add = true}
          %dma_wait3A_107 = arith.constant 0 : i32
          %dma_wait3A_108 = arith.constant 0 : i32
          %dma_wait3A_109 = tpu.memref_slice %arg8[%dma_wait3A_107, %dma_wait3A_108] : memref<10008x128xf32, #tpu.memory_space<vmem_shared>> -> memref<10008x128xf32, #tpu.memory_space<vmem_shared>>
          tpu.wait_indirect_dma semaphore(%run_scoped3A_103 : memref<!tpu.dma_semaphore, #tpu.memory_space<semaphore_mem>>) src(%arg13 : memref<128x128xf32, #tpu.memory_space<vmem>>) dst(%dma_wait3A_109 : memref<10008x128xf32, #tpu.memory_space<vmem_shared>>)
          tpu.yield
        }) : () -> ()
        %lt3A_74 = arith.constant 158 : i32
        %lt3A_75 = arith.cmpi slt, %add3A_63, %lt3A_74 : i32
        %convert_element_type3A_76 = arith.extui %lt3A_75 : i1 to i32
        %cond3A_77 = arith.constant 0 : i32
        %cond3A_78 = arith.cmpi ne, %convert_element_type3A_76, %cond3A_77 : i32
        scf.if %cond3A_78 {
          %dma_start3A_103 = arith.constant 0 : i32
          %dma_start3A_104 = tpu.memref_slice %arg5[%arg1, %add3A_63, %dma_start3A_103] : memref<16x158x128xi32, #tpu.memory_space<hbm>> -> memref<1x1x128xi32, #tpu.memory_space<hbm>>
          %dma_start3A_105 = tpu.memref_squeeze %dma_start3A_104 : memref<1x1x128xi32, #tpu.memory_space<hbm>> -> memref<128xi32, #tpu.memory_space<hbm>>
          %dma_start3A_106 = arith.constant 0 : i32
          %dma_start3A_107 = tpu.memref_slice %arg5[%arg1, %add3A_63, %dma_start3A_106] : memref<16x158x128xi32, #tpu.memory_space<hbm>> -> memref<1x1x128xi32, #tpu.memory_space<hbm>>
          %dma_start3A_108 = tpu.memref_squeeze %dma_start3A_107 : memref<1x1x128xi32, #tpu.memory_space<hbm>> -> memref<128xi32, #tpu.memory_space<hbm>>
          tpu.enqueue_dma source(%dma_start3A_108 : memref<128xi32, #tpu.memory_space<hbm>>) target(%arg11 : memref<128xi32, #tpu.memory_space<vmem>>) target_semaphore(%arg19 : memref<!tpu.dma_semaphore, #tpu.memory_space<semaphore_mem>>)
          %dma_wait3A_109 = arith.constant 0 : i32
          %dma_wait3A_110 = arith.constant 0 : i32
          %dma_wait3A_111 = tpu.memref_slice %arg4[%arg1, %dma_wait3A_109, %dma_wait3A_110] : memref<16x158x128xi32, #tpu.memory_space<hbm>> -> memref<1x1x128xi32, #tpu.memory_space<hbm>>
          %dma_wait3A_112 = tpu.memref_squeeze %dma_wait3A_111 : memref<1x1x128xi32, #tpu.memory_space<hbm>> -> memref<128xi32, #tpu.memory_space<hbm>>
          %dma_wait3A_113 = arith.constant 0 : i32
          %dma_wait3A_114 = tpu.memref_slice %arg4[%arg1, %dma_wait3A_109, %dma_wait3A_113] : memref<16x158x128xi32, #tpu.memory_space<hbm>> -> memref<1x1x128xi32, #tpu.memory_space<hbm>>
          %dma_wait3A_115 = tpu.memref_squeeze %dma_wait3A_114 : memref<1x1x128xi32, #tpu.memory_space<hbm>> -> memref<128xi32, #tpu.memory_space<hbm>>
          tpu.wait_dma2 semaphore(%arg17 : memref<!tpu.dma_semaphore, #tpu.memory_space<semaphore_mem>>) src(%dma_wait3A_115 : memref<128xi32, #tpu.memory_space<hbm>>) dst(%arg9 : memref<128xi32, #tpu.memory_space<vmem>>)
          %dma_start3A_116 = arith.constant 0 : i32
          %dma_start3A_117 = arith.constant 0 : i32
          %dma_start3A_118 = tpu.memref_slice %arg13[%dma_start3A_116, %dma_start3A_117] : memref<128x128xf32, #tpu.memory_space<vmem>> -> memref<64x128xf32, #tpu.memory_space<vmem>>
          %dma_start3A_119 = arith.constant 0 : i32
          %dma_start3A_120 = tpu.memref_slice %arg9[%dma_start3A_119] : memref<128xi32, #tpu.memory_space<vmem>> -> memref<64xi32, #tpu.memory_space<vmem>>
          %dma_start3A_121 = arith.constant 0 : i32
          %dma_start3A_122 = arith.constant 0 : i32
          %dma_start3A_123 = tpu.memref_slice %arg2[%dma_start3A_121, %dma_start3A_122] : memref<10000x128xf32, #tpu.memory_space<hbm>> -> memref<10000x128xf32, #tpu.memory_space<hbm>>
          tpu.enqueue_indirect_dma source(%dma_start3A_123 : memref<10000x128xf32, #tpu.memory_space<hbm>>) target(%dma_start3A_118 : memref<64x128xf32, #tpu.memory_space<vmem>>) offsets(%dma_start3A_120 : memref<64xi32, #tpu.memory_space<vmem>>) semaphore(%arg15 : memref<!tpu.dma_semaphore, #tpu.memory_space<semaphore_mem>>)
          %dma_start3A_124 = arith.constant 64 : i32
          %dma_start3A_125 = arith.constant 0 : i32
          %dma_start3A_126 = tpu.memref_slice %arg13[%dma_start3A_124, %dma_start3A_125] : memref<128x128xf32, #tpu.memory_space<vmem>> -> memref<64x128xf32, #tpu.memory_space<vmem>>
          %dma_start3A_127 = arith.constant 64 : i32
          %dma_start3A_128 = tpu.memref_slice %arg9[%dma_start3A_127] : memref<128xi32, #tpu.memory_space<vmem>> -> memref<64xi32, #tpu.memory_space<vmem>>
          %dma_start3A_129 = arith.constant 0 : i32
          %dma_start3A_130 = arith.constant 0 : i32
          %dma_start3A_131 = tpu.memref_slice %arg2[%dma_start3A_129, %dma_start3A_130] : memref<10000x128xf32, #tpu.memory_space<hbm>> -> memref<10000x128xf32, #tpu.memory_space<hbm>>
          tpu.enqueue_indirect_dma source(%dma_start3A_131 : memref<10000x128xf32, #tpu.memory_space<hbm>>) target(%dma_start3A_126 : memref<64x128xf32, #tpu.memory_space<vmem>>) offsets(%dma_start3A_128 : memref<64xi32, #tpu.memory_space<vmem>>) semaphore(%arg15 : memref<!tpu.dma_semaphore, #tpu.memory_space<semaphore_mem>>)
        } else {
        }
        %mul3A_79 = arith.constant 2 : i32
        %mul3A_80 = arith.muli %mul3A_79, %scan3A_59 : i32
        %add3A_81 = arith.constant 2 : i32
        %add3A_82 = arith.addi %mul3A_80, %add3A_81 : i32
        %add3A_83 = arith.constant 1 : i32
        %add3A_84 = arith.addi %add3A_82, %add3A_83 : i32
        %dma_wait3A_85 = arith.constant 0 : i32
        %dma_wait3A_86 = arith.constant 0 : i32
        %dma_wait3A_87 = tpu.memref_slice %arg2[%dma_wait3A_85, %dma_wait3A_86] : memref<10000x128xf32, #tpu.memory_space<hbm>> -> memref<10000x128xf32, #tpu.memory_space<hbm>>
        tpu.wait_indirect_dma semaphore(%arg16 : memref<!tpu.dma_semaphore, #tpu.memory_space<semaphore_mem>>) src(%dma_wait3A_87 : memref<10000x128xf32, #tpu.memory_space<hbm>>) dst(%arg14 : memref<128x128xf32, #tpu.memory_space<vmem>>)
        %lt3A_88 = arith.constant 158 : i32
        %lt3A_89 = arith.cmpi slt, %add3A_84, %lt3A_88 : i32
        %convert_element_type3A_90 = arith.extui %lt3A_89 : i1 to i32
        %cond3A_91 = arith.constant 0 : i32
        %cond3A_92 = arith.cmpi ne, %convert_element_type3A_90, %cond3A_91 : i32
        scf.if %cond3A_92 {
          %dma_start3A_103 = arith.constant 0 : i32
          %dma_start3A_104 = tpu.memref_slice %arg4[%arg1, %add3A_84, %dma_start3A_103] : memref<16x158x128xi32, #tpu.memory_space<hbm>> -> memref<1x1x128xi32, #tpu.memory_space<hbm>>
          %dma_start3A_105 = tpu.memref_squeeze %dma_start3A_104 : memref<1x1x128xi32, #tpu.memory_space<hbm>> -> memref<128xi32, #tpu.memory_space<hbm>>
          %dma_start3A_106 = arith.constant 0 : i32
          %dma_start3A_107 = tpu.memref_slice %arg4[%arg1, %add3A_84, %dma_start3A_106] : memref<16x158x128xi32, #tpu.memory_space<hbm>> -> memref<1x1x128xi32, #tpu.memory_space<hbm>>
          %dma_start3A_108 = tpu.memref_squeeze %dma_start3A_107 : memref<1x1x128xi32, #tpu.memory_space<hbm>> -> memref<128xi32, #tpu.memory_space<hbm>>
          tpu.enqueue_dma source(%dma_start3A_108 : memref<128xi32, #tpu.memory_space<hbm>>) target(%arg10 : memref<128xi32, #tpu.memory_space<vmem>>) target_semaphore(%arg18 : memref<!tpu.dma_semaphore, #tpu.memory_space<semaphore_mem>>)
        } else {
        }
        %gt3A_93 = arith.constant 0 : i32
        %gt3A_94 = arith.cmpi sgt, %scan3A_59, %gt3A_93 : i32
        %convert_element_type3A_95 = arith.extui %gt3A_94 : i1 to i32
        %cond3A_96 = arith.constant 0 : i32
        %cond3A_97 = arith.cmpi ne, %convert_element_type3A_95, %cond3A_96 : i32
        scf.if %cond3A_97 {
          %dma_wait3A_103 = arith.constant 0 : i32
          %dma_wait3A_104 = arith.constant 0 : i32
          %dma_wait3A_105 = tpu.memref_slice %arg5[%arg1, %dma_wait3A_103, %dma_wait3A_104] : memref<16x158x128xi32, #tpu.memory_space<hbm>> -> memref<1x1x128xi32, #tpu.memory_space<hbm>>
          %dma_wait3A_106 = tpu.memref_squeeze %dma_wait3A_105 : memref<1x1x128xi32, #tpu.memory_space<hbm>> -> memref<128xi32, #tpu.memory_space<hbm>>
          %dma_wait3A_107 = arith.constant 0 : i32
          %dma_wait3A_108 = tpu.memref_slice %arg5[%arg1, %dma_wait3A_103, %dma_wait3A_107] : memref<16x158x128xi32, #tpu.memory_space<hbm>> -> memref<1x1x128xi32, #tpu.memory_space<hbm>>
          %dma_wait3A_109 = tpu.memref_squeeze %dma_wait3A_108 : memref<1x1x128xi32, #tpu.memory_space<hbm>> -> memref<128xi32, #tpu.memory_space<hbm>>
          tpu.wait_dma2 semaphore(%arg20 : memref<!tpu.dma_semaphore, #tpu.memory_space<semaphore_mem>>) src(%dma_wait3A_109 : memref<128xi32, #tpu.memory_space<hbm>>) dst(%arg12 : memref<128xi32, #tpu.memory_space<vmem>>)
        } else {
        }
        "tpu.region"() ({
          %run_scoped3A_103 = tpu.sem_alloc : memref<!tpu.dma_semaphore, #tpu.memory_space<semaphore_mem>>
          %dma_start3A_104 = arith.constant 0 : i32
          %dma_start3A_105 = arith.constant 0 : i32
          %dma_start3A_106 = tpu.memref_slice %arg8[%dma_start3A_104, %dma_start3A_105] : memref<10008x128xf32, #tpu.memory_space<vmem_shared>> -> memref<10008x128xf32, #tpu.memory_space<vmem_shared>>
          tpu.enqueue_indirect_dma source(%arg14 : memref<128x128xf32, #tpu.memory_space<vmem>>) target(%dma_start3A_106 : memref<10008x128xf32, #tpu.memory_space<vmem_shared>>) offsets(%arg12 : memref<128xi32, #tpu.memory_space<vmem>>) semaphore(%run_scoped3A_103 : memref<!tpu.dma_semaphore, #tpu.memory_space<semaphore_mem>>) {add = true}
          %dma_wait3A_107 = arith.constant 0 : i32
          %dma_wait3A_108 = arith.constant 0 : i32
          %dma_wait3A_109 = tpu.memref_slice %arg8[%dma_wait3A_107, %dma_wait3A_108] : memref<10008x128xf32, #tpu.memory_space<vmem_shared>> -> memref<10008x128xf32, #tpu.memory_space<vmem_shared>>
          tpu.wait_indirect_dma semaphore(%run_scoped3A_103 : memref<!tpu.dma_semaphore, #tpu.memory_space<semaphore_mem>>) src(%arg14 : memref<128x128xf32, #tpu.memory_space<vmem>>) dst(%dma_wait3A_109 : memref<10008x128xf32, #tpu.memory_space<vmem_shared>>)
          tpu.yield
        }) : () -> ()
        %lt3A_98 = arith.constant 158 : i32
        %lt3A_99 = arith.cmpi slt, %add3A_84, %lt3A_98 : i32
        %convert_element_type3A_100 = arith.extui %lt3A_99 : i1 to i32
        %cond3A_101 = arith.constant 0 : i32
        %cond3A_102 = arith.cmpi ne, %convert_element_type3A_100, %cond3A_101 : i32
        scf.if %cond3A_102 {
          %dma_start3A_103 = arith.constant 0 : i32
          %dma_start3A_104 = tpu.memref_slice %arg5[%arg1, %add3A_84, %dma_start3A_103] : memref<16x158x128xi32, #tpu.memory_space<hbm>> -> memref<1x1x128xi32, #tpu.memory_space<hbm>>
          %dma_start3A_105 = tpu.memref_squeeze %dma_start3A_104 : memref<1x1x128xi32, #tpu.memory_space<hbm>> -> memref<128xi32, #tpu.memory_space<hbm>>
          %dma_start3A_106 = arith.constant 0 : i32
          %dma_start3A_107 = tpu.memref_slice %arg5[%arg1, %add3A_84, %dma_start3A_106] : memref<16x158x128xi32, #tpu.memory_space<hbm>> -> memref<1x1x128xi32, #tpu.memory_space<hbm>>
          %dma_start3A_108 = tpu.memref_squeeze %dma_start3A_107 : memref<1x1x128xi32, #tpu.memory_space<hbm>> -> memref<128xi32, #tpu.memory_space<hbm>>
          tpu.enqueue_dma source(%dma_start3A_108 : memref<128xi32, #tpu.memory_space<hbm>>) target(%arg12 : memref<128xi32, #tpu.memory_space<vmem>>) target_semaphore(%arg20 : memref<!tpu.dma_semaphore, #tpu.memory_space<semaphore_mem>>)
          %dma_wait3A_109 = arith.constant 0 : i32
          %dma_wait3A_110 = arith.constant 0 : i32
          %dma_wait3A_111 = tpu.memref_slice %arg4[%arg1, %dma_wait3A_109, %dma_wait3A_110] : memref<16x158x128xi32, #tpu.memory_space<hbm>> -> memref<1x1x128xi32, #tpu.memory_space<hbm>>
          %dma_wait3A_112 = tpu.memref_squeeze %dma_wait3A_111 : memref<1x1x128xi32, #tpu.memory_space<hbm>> -> memref<128xi32, #tpu.memory_space<hbm>>
          %dma_wait3A_113 = arith.constant 0 : i32
          %dma_wait3A_114 = tpu.memref_slice %arg4[%arg1, %dma_wait3A_109, %dma_wait3A_113] : memref<16x158x128xi32, #tpu.memory_space<hbm>> -> memref<1x1x128xi32, #tpu.memory_space<hbm>>
          %dma_wait3A_115 = tpu.memref_squeeze %dma_wait3A_114 : memref<1x1x128xi32, #tpu.memory_space<hbm>> -> memref<128xi32, #tpu.memory_space<hbm>>
          tpu.wait_dma2 semaphore(%arg18 : memref<!tpu.dma_semaphore, #tpu.memory_space<semaphore_mem>>) src(%dma_wait3A_115 : memref<128xi32, #tpu.memory_space<hbm>>) dst(%arg10 : memref<128xi32, #tpu.memory_space<vmem>>)
          %dma_start3A_116 = arith.constant 0 : i32
          %dma_start3A_117 = arith.constant 0 : i32
          %dma_start3A_118 = tpu.memref_slice %arg14[%dma_start3A_116, %dma_start3A_117] : memref<128x128xf32, #tpu.memory_space<vmem>> -> memref<64x128xf32, #tpu.memory_space<vmem>>
          %dma_start3A_119 = arith.constant 0 : i32
          %dma_start3A_120 = tpu.memref_slice %arg10[%dma_start3A_119] : memref<128xi32, #tpu.memory_space<vmem>> -> memref<64xi32, #tpu.memory_space<vmem>>
          %dma_start3A_121 = arith.constant 0 : i32
          %dma_start3A_122 = arith.constant 0 : i32
          %dma_start3A_123 = tpu.memref_slice %arg2[%dma_start3A_121, %dma_start3A_122] : memref<10000x128xf32, #tpu.memory_space<hbm>> -> memref<10000x128xf32, #tpu.memory_space<hbm>>
          tpu.enqueue_indirect_dma source(%dma_start3A_123 : memref<10000x128xf32, #tpu.memory_space<hbm>>) target(%dma_start3A_118 : memref<64x128xf32, #tpu.memory_space<vmem>>) offsets(%dma_start3A_120 : memref<64xi32, #tpu.memory_space<vmem>>) semaphore(%arg16 : memref<!tpu.dma_semaphore, #tpu.memory_space<semaphore_mem>>)
          %dma_start3A_124 = arith.constant 64 : i32
          %dma_start3A_125 = arith.constant 0 : i32
          %dma_start3A_126 = tpu.memref_slice %arg14[%dma_start3A_124, %dma_start3A_125] : memref<128x128xf32, #tpu.memory_space<vmem>> -> memref<64x128xf32, #tpu.memory_space<vmem>>
          %dma_start3A_127 = arith.constant 64 : i32
          %dma_start3A_128 = tpu.memref_slice %arg10[%dma_start3A_127] : memref<128xi32, #tpu.memory_space<vmem>> -> memref<64xi32, #tpu.memory_space<vmem>>
          %dma_start3A_129 = arith.constant 0 : i32
          %dma_start3A_130 = arith.constant 0 : i32
          %dma_start3A_131 = tpu.memref_slice %arg2[%dma_start3A_129, %dma_start3A_130] : memref<10000x128xf32, #tpu.memory_space<hbm>> -> memref<10000x128xf32, #tpu.memory_space<hbm>>
          tpu.enqueue_indirect_dma source(%dma_start3A_131 : memref<10000x128xf32, #tpu.memory_space<hbm>>) target(%dma_start3A_126 : memref<64x128xf32, #tpu.memory_space<vmem>>) offsets(%dma_start3A_128 : memref<64xi32, #tpu.memory_space<vmem>>) semaphore(%arg16 : memref<!tpu.dma_semaphore, #tpu.memory_space<semaphore_mem>>)
        } else {
        }
      }
      %scan3A_51 = arith.constant 79 : i32
      %barrier3A_52 = arith.constant 0 : index
      tpu.barrier barrier_id(%barrier3A_52)
      %scan3A_53 = arith.constant 0 : i32
      %scan3A_54 = arith.constant 0 : i32
      %scan3A_55 = arith.constant 8 : i32
      %scan3A_56 = arith.addi %scan3A_54, %scan3A_55 : i32
      %scan3A_57 = arith.constant 1 : i32
      scf.for %scan3A_59 = %scan3A_54 to %scan3A_56 step %scan3A_57  : i32 {
        %mul3A = arith.constant 16 : i32
        %mul3A_60 = arith.muli %scan3A_59, %mul3A : i32
        %add3A = arith.addi %arg1, %mul3A_60 : i32
        %lt3A = arith.constant 125 : i32
        %lt3A_61 = arith.cmpi slt, %add3A, %lt3A : i32
        %convert_element_type3A_62 = arith.extui %lt3A_61 : i1 to i32
        %cond3A_63 = arith.constant 0 : i32
        %cond3A_64 = arith.cmpi ne, %convert_element_type3A_62, %cond3A_63 : i32
        scf.if %cond3A_64 {
          %mul3A_65 = arith.constant 80 : i32
          %mul3A_66 = arith.muli %add3A, %mul3A_65 : i32
          %multiple_of3A = tpu.assume_multiple %mul3A_66, 8 : i32
          "tpu.region"() ({
            %run_scoped3A_67 = tpu.sem_alloc : memref<!tpu.dma_semaphore, #tpu.memory_space<semaphore_mem>>
            %dma_start3A_68 = arith.constant 0 : i32
            %dma_start3A_69 = tpu.memref_slice %arg6[%multiple_of3A, %dma_start3A_68] : memref<10000x128xf32, #tpu.memory_space<hbm>> -> memref<80x128xf32, #tpu.memory_space<hbm>>
            %dma_start3A_70 = arith.constant 0 : i32
            %dma_start3A_71 = tpu.memref_slice %arg8[%multiple_of3A, %dma_start3A_70] : memref<10008x128xf32, #tpu.memory_space<vmem_shared>> -> memref<80x128xf32, #tpu.memory_space<vmem_shared>>
            tpu.enqueue_dma source(%dma_start3A_71 : memref<80x128xf32, #tpu.memory_space<vmem_shared>>) target(%dma_start3A_69 : memref<80x128xf32, #tpu.memory_space<hbm>>) target_semaphore(%run_scoped3A_67 : memref<!tpu.dma_semaphore, #tpu.memory_space<semaphore_mem>>)
            %dma_wait3A = arith.constant 0 : i32
            %dma_wait3A_72 = tpu.memref_slice %arg6[%multiple_of3A, %dma_wait3A] : memref<10000x128xf32, #tpu.memory_space<hbm>> -> memref<80x128xf32, #tpu.memory_space<hbm>>
            %dma_wait3A_73 = arith.constant 0 : i32
            %dma_wait3A_74 = tpu.memref_slice %arg8[%multiple_of3A, %dma_wait3A_73] : memref<10008x128xf32, #tpu.memory_space<vmem_shared>> -> memref<80x128xf32, #tpu.memory_space<vmem_shared>>
            tpu.wait_dma2 semaphore(%run_scoped3A_67 : memref<!tpu.dma_semaphore, #tpu.memory_space<semaphore_mem>>) src(%dma_wait3A_74 : memref<80x128xf32, #tpu.memory_space<vmem_shared>>) dst(%dma_wait3A_72 : memref<80x128xf32, #tpu.memory_space<hbm>>)
            tpu.yield
          }) : () -> ()
        } else {
        }
      }
      %scan3A_58 = arith.constant 8 : i32
    } else {
    }
    %eq3A_2 = arith.constant 1 : i32
    %eq3A_3 = arith.cmpi eq, %arg0, %eq3A_2 : i32
    %convert_element_type3A_4 = arith.extui %eq3A_3 : i1 to i32
    %cond3A_5 = arith.constant 0 : i32
    %cond3A_6 = arith.cmpi ne, %convert_element_type3A_4, %cond3A_5 : i32
    scf.if %cond3A_6 {
      %scan3A = arith.constant 0 : i32
      %scan3A_7 = arith.constant 0 : i32
      %scan3A_8 = arith.constant 8 : i32
      %scan3A_9 = arith.addi %scan3A_7, %scan3A_8 : i32
      %scan3A_10 = arith.constant 1 : i32
      scf.for %scan3A_59 = %scan3A_7 to %scan3A_9 step %scan3A_10  : i32 {
        %mul3A = arith.constant 16 : i32
        %mul3A_60 = arith.muli %scan3A_59, %mul3A : i32
        %add3A = arith.addi %arg1, %mul3A_60 : i32
        %lt3A = arith.constant 125 : i32
        %lt3A_61 = arith.cmpi slt, %add3A, %lt3A : i32
        %convert_element_type3A_62 = arith.extui %lt3A_61 : i1 to i32
        %cond3A_63 = arith.constant 0 : i32
        %cond3A_64 = arith.cmpi ne, %convert_element_type3A_62, %cond3A_63 : i32
        scf.if %cond3A_64 {
          %mul3A_65 = arith.constant 80 : i32
          %mul3A_66 = arith.muli %add3A, %mul3A_65 : i32
          %multiple_of3A = tpu.assume_multiple %mul3A_66, 8 : i32
          "tpu.region"() ({
            %run_scoped3A_67 = tpu.sem_alloc : memref<!tpu.dma_semaphore, #tpu.memory_space<semaphore_mem>>
            %dma_start3A_68 = arith.constant 0 : i32
            %dma_start3A_69 = tpu.memref_slice %arg8[%multiple_of3A, %dma_start3A_68] : memref<10008x128xf32, #tpu.memory_space<vmem_shared>> -> memref<80x128xf32, #tpu.memory_space<vmem_shared>>
            %dma_start3A_70 = arith.constant 0 : i32
            %dma_start3A_71 = tpu.memref_slice %arg3[%multiple_of3A, %dma_start3A_70] : memref<10000x128xf32, #tpu.memory_space<hbm>> -> memref<80x128xf32, #tpu.memory_space<hbm>>
            tpu.enqueue_dma source(%dma_start3A_71 : memref<80x128xf32, #tpu.memory_space<hbm>>) target(%dma_start3A_69 : memref<80x128xf32, #tpu.memory_space<vmem_shared>>) target_semaphore(%run_scoped3A_67 : memref<!tpu.dma_semaphore, #tpu.memory_space<semaphore_mem>>)
            %dma_wait3A = arith.constant 0 : i32
            %dma_wait3A_72 = tpu.memref_slice %arg8[%multiple_of3A, %dma_wait3A] : memref<10008x128xf32, #tpu.memory_space<vmem_shared>> -> memref<80x128xf32, #tpu.memory_space<vmem_shared>>
            %dma_wait3A_73 = arith.constant 0 : i32
            %dma_wait3A_74 = tpu.memref_slice %arg3[%multiple_of3A, %dma_wait3A_73] : memref<10000x128xf32, #tpu.memory_space<hbm>> -> memref<80x128xf32, #tpu.memory_space<hbm>>
            tpu.wait_dma2 semaphore(%run_scoped3A_67 : memref<!tpu.dma_semaphore, #tpu.memory_space<semaphore_mem>>) src(%dma_wait3A_74 : memref<80x128xf32, #tpu.memory_space<hbm>>) dst(%dma_wait3A_72 : memref<80x128xf32, #tpu.memory_space<vmem_shared>>)
            tpu.yield
          }) : () -> ()
        } else {
        }
      }
      %scan3A_11 = arith.constant 8 : i32
      %barrier3A = arith.constant 0 : index
      tpu.barrier barrier_id(%barrier3A)
      %run_scoped3A = arith.constant 0 : i32
      "tpu.region"() ({
        %run_scoped3A_59 = tpu.sem_alloc : memref<!tpu.dma_semaphore, #tpu.memory_space<semaphore_mem>>
        %dma_start3A_60 = arith.constant 0 : i32
        %dma_start3A_61 = tpu.memref_slice %arg4[%arg1, %run_scoped3A, %dma_start3A_60] : memref<16x158x128xi32, #tpu.memory_space<hbm>> -> memref<1x1x128xi32, #tpu.memory_space<hbm>>
        %dma_start3A_62 = tpu.memref_squeeze %dma_start3A_61 : memref<1x1x128xi32, #tpu.memory_space<hbm>> -> memref<128xi32, #tpu.memory_space<hbm>>
        %dma_start3A_63 = arith.constant 0 : i32
        %dma_start3A_64 = tpu.memref_slice %arg4[%arg1, %run_scoped3A, %dma_start3A_63] : memref<16x158x128xi32, #tpu.memory_space<hbm>> -> memref<1x1x128xi32, #tpu.memory_space<hbm>>
        %dma_start3A_65 = tpu.memref_squeeze %dma_start3A_64 : memref<1x1x128xi32, #tpu.memory_space<hbm>> -> memref<128xi32, #tpu.memory_space<hbm>>
        tpu.enqueue_dma source(%dma_start3A_65 : memref<128xi32, #tpu.memory_space<hbm>>) target(%arg9 : memref<128xi32, #tpu.memory_space<vmem>>) target_semaphore(%run_scoped3A_59 : memref<!tpu.dma_semaphore, #tpu.memory_space<semaphore_mem>>)
        %dma_wait3A = arith.constant 0 : i32
        %dma_wait3A_66 = tpu.memref_slice %arg4[%arg1, %run_scoped3A, %dma_wait3A] : memref<16x158x128xi32, #tpu.memory_space<hbm>> -> memref<1x1x128xi32, #tpu.memory_space<hbm>>
        %dma_wait3A_67 = tpu.memref_squeeze %dma_wait3A_66 : memref<1x1x128xi32, #tpu.memory_space<hbm>> -> memref<128xi32, #tpu.memory_space<hbm>>
        %dma_wait3A_68 = arith.constant 0 : i32
        %dma_wait3A_69 = tpu.memref_slice %arg4[%arg1, %run_scoped3A, %dma_wait3A_68] : memref<16x158x128xi32, #tpu.memory_space<hbm>> -> memref<1x1x128xi32, #tpu.memory_space<hbm>>
        %dma_wait3A_70 = tpu.memref_squeeze %dma_wait3A_69 : memref<1x1x128xi32, #tpu.memory_space<hbm>> -> memref<128xi32, #tpu.memory_space<hbm>>
        tpu.wait_dma2 semaphore(%run_scoped3A_59 : memref<!tpu.dma_semaphore, #tpu.memory_space<semaphore_mem>>) src(%dma_wait3A_70 : memref<128xi32, #tpu.memory_space<hbm>>) dst(%arg9 : memref<128xi32, #tpu.memory_space<vmem>>)
        tpu.yield
      }) : () -> ()
      %run_scoped3A_12 = arith.constant 0 : i32
      "tpu.region"() ({
        %run_scoped3A_59 = tpu.sem_alloc : memref<!tpu.dma_semaphore, #tpu.memory_space<semaphore_mem>>
        %dma_start3A_60 = arith.constant 0 : i32
        %dma_start3A_61 = tpu.memref_slice %arg5[%arg1, %run_scoped3A_12, %dma_start3A_60] : memref<16x158x128xi32, #tpu.memory_space<hbm>> -> memref<1x1x128xi32, #tpu.memory_space<hbm>>
        %dma_start3A_62 = tpu.memref_squeeze %dma_start3A_61 : memref<1x1x128xi32, #tpu.memory_space<hbm>> -> memref<128xi32, #tpu.memory_space<hbm>>
        %dma_start3A_63 = arith.constant 0 : i32
        %dma_start3A_64 = tpu.memref_slice %arg5[%arg1, %run_scoped3A_12, %dma_start3A_63] : memref<16x158x128xi32, #tpu.memory_space<hbm>> -> memref<1x1x128xi32, #tpu.memory_space<hbm>>
        %dma_start3A_65 = tpu.memref_squeeze %dma_start3A_64 : memref<1x1x128xi32, #tpu.memory_space<hbm>> -> memref<128xi32, #tpu.memory_space<hbm>>
        tpu.enqueue_dma source(%dma_start3A_65 : memref<128xi32, #tpu.memory_space<hbm>>) target(%arg11 : memref<128xi32, #tpu.memory_space<vmem>>) target_semaphore(%run_scoped3A_59 : memref<!tpu.dma_semaphore, #tpu.memory_space<semaphore_mem>>)
        %dma_wait3A = arith.constant 0 : i32
        %dma_wait3A_66 = tpu.memref_slice %arg5[%arg1, %run_scoped3A_12, %dma_wait3A] : memref<16x158x128xi32, #tpu.memory_space<hbm>> -> memref<1x1x128xi32, #tpu.memory_space<hbm>>
        %dma_wait3A_67 = tpu.memref_squeeze %dma_wait3A_66 : memref<1x1x128xi32, #tpu.memory_space<hbm>> -> memref<128xi32, #tpu.memory_space<hbm>>
        %dma_wait3A_68 = arith.constant 0 : i32
        %dma_wait3A_69 = tpu.memref_slice %arg5[%arg1, %run_scoped3A_12, %dma_wait3A_68] : memref<16x158x128xi32, #tpu.memory_space<hbm>> -> memref<1x1x128xi32, #tpu.memory_space<hbm>>
        %dma_wait3A_70 = tpu.memref_squeeze %dma_wait3A_69 : memref<1x1x128xi32, #tpu.memory_space<hbm>> -> memref<128xi32, #tpu.memory_space<hbm>>
        tpu.wait_dma2 semaphore(%run_scoped3A_59 : memref<!tpu.dma_semaphore, #tpu.memory_space<semaphore_mem>>) src(%dma_wait3A_70 : memref<128xi32, #tpu.memory_space<hbm>>) dst(%arg11 : memref<128xi32, #tpu.memory_space<vmem>>)
        tpu.yield
      }) : () -> ()
      %dma_start3A = arith.constant 0 : i32
      %dma_start3A_13 = arith.constant 0 : i32
      %dma_start3A_14 = tpu.memref_slice %arg13[%dma_start3A, %dma_start3A_13] : memref<128x128xf32, #tpu.memory_space<vmem>> -> memref<64x128xf32, #tpu.memory_space<vmem>>
      %dma_start3A_15 = arith.constant 0 : i32
      %dma_start3A_16 = tpu.memref_slice %arg9[%dma_start3A_15] : memref<128xi32, #tpu.memory_space<vmem>> -> memref<64xi32, #tpu.memory_space<vmem>>
      %dma_start3A_17 = arith.constant 0 : i32
      %dma_start3A_18 = arith.constant 0 : i32
      %dma_start3A_19 = tpu.memref_slice %arg3[%dma_start3A_17, %dma_start3A_18] : memref<10000x128xf32, #tpu.memory_space<hbm>> -> memref<10000x128xf32, #tpu.memory_space<hbm>>
      tpu.enqueue_indirect_dma source(%dma_start3A_19 : memref<10000x128xf32, #tpu.memory_space<hbm>>) target(%dma_start3A_14 : memref<64x128xf32, #tpu.memory_space<vmem>>) offsets(%dma_start3A_16 : memref<64xi32, #tpu.memory_space<vmem>>) semaphore(%arg15 : memref<!tpu.dma_semaphore, #tpu.memory_space<semaphore_mem>>)
      %dma_start3A_20 = arith.constant 64 : i32
      %dma_start3A_21 = arith.constant 0 : i32
      %dma_start3A_22 = tpu.memref_slice %arg13[%dma_start3A_20, %dma_start3A_21] : memref<128x128xf32, #tpu.memory_space<vmem>> -> memref<64x128xf32, #tpu.memory_space<vmem>>
      %dma_start3A_23 = arith.constant 64 : i32
      %dma_start3A_24 = tpu.memref_slice %arg9[%dma_start3A_23] : memref<128xi32, #tpu.memory_space<vmem>> -> memref<64xi32, #tpu.memory_space<vmem>>
      %dma_start3A_25 = arith.constant 0 : i32
      %dma_start3A_26 = arith.constant 0 : i32
      %dma_start3A_27 = tpu.memref_slice %arg3[%dma_start3A_25, %dma_start3A_26] : memref<10000x128xf32, #tpu.memory_space<hbm>> -> memref<10000x128xf32, #tpu.memory_space<hbm>>
      tpu.enqueue_indirect_dma source(%dma_start3A_27 : memref<10000x128xf32, #tpu.memory_space<hbm>>) target(%dma_start3A_22 : memref<64x128xf32, #tpu.memory_space<vmem>>) offsets(%dma_start3A_24 : memref<64xi32, #tpu.memory_space<vmem>>) semaphore(%arg15 : memref<!tpu.dma_semaphore, #tpu.memory_space<semaphore_mem>>)
      %run_scoped3A_28 = arith.constant 1 : i32
      "tpu.region"() ({
        %run_scoped3A_59 = tpu.sem_alloc : memref<!tpu.dma_semaphore, #tpu.memory_space<semaphore_mem>>
        %dma_start3A_60 = arith.constant 0 : i32
        %dma_start3A_61 = tpu.memref_slice %arg4[%arg1, %run_scoped3A_28, %dma_start3A_60] : memref<16x158x128xi32, #tpu.memory_space<hbm>> -> memref<1x1x128xi32, #tpu.memory_space<hbm>>
        %dma_start3A_62 = tpu.memref_squeeze %dma_start3A_61 : memref<1x1x128xi32, #tpu.memory_space<hbm>> -> memref<128xi32, #tpu.memory_space<hbm>>
        %dma_start3A_63 = arith.constant 0 : i32
        %dma_start3A_64 = tpu.memref_slice %arg4[%arg1, %run_scoped3A_28, %dma_start3A_63] : memref<16x158x128xi32, #tpu.memory_space<hbm>> -> memref<1x1x128xi32, #tpu.memory_space<hbm>>
        %dma_start3A_65 = tpu.memref_squeeze %dma_start3A_64 : memref<1x1x128xi32, #tpu.memory_space<hbm>> -> memref<128xi32, #tpu.memory_space<hbm>>
        tpu.enqueue_dma source(%dma_start3A_65 : memref<128xi32, #tpu.memory_space<hbm>>) target(%arg10 : memref<128xi32, #tpu.memory_space<vmem>>) target_semaphore(%run_scoped3A_59 : memref<!tpu.dma_semaphore, #tpu.memory_space<semaphore_mem>>)
        %dma_wait3A = arith.constant 0 : i32
        %dma_wait3A_66 = tpu.memref_slice %arg4[%arg1, %run_scoped3A_28, %dma_wait3A] : memref<16x158x128xi32, #tpu.memory_space<hbm>> -> memref<1x1x128xi32, #tpu.memory_space<hbm>>
        %dma_wait3A_67 = tpu.memref_squeeze %dma_wait3A_66 : memref<1x1x128xi32, #tpu.memory_space<hbm>> -> memref<128xi32, #tpu.memory_space<hbm>>
        %dma_wait3A_68 = arith.constant 0 : i32
        %dma_wait3A_69 = tpu.memref_slice %arg4[%arg1, %run_scoped3A_28, %dma_wait3A_68] : memref<16x158x128xi32, #tpu.memory_space<hbm>> -> memref<1x1x128xi32, #tpu.memory_space<hbm>>
        %dma_wait3A_70 = tpu.memref_squeeze %dma_wait3A_69 : memref<1x1x128xi32, #tpu.memory_space<hbm>> -> memref<128xi32, #tpu.memory_space<hbm>>
        tpu.wait_dma2 semaphore(%run_scoped3A_59 : memref<!tpu.dma_semaphore, #tpu.memory_space<semaphore_mem>>) src(%dma_wait3A_70 : memref<128xi32, #tpu.memory_space<hbm>>) dst(%arg10 : memref<128xi32, #tpu.memory_space<vmem>>)
        tpu.yield
      }) : () -> ()
      %run_scoped3A_29 = arith.constant 1 : i32
      "tpu.region"() ({
        %run_scoped3A_59 = tpu.sem_alloc : memref<!tpu.dma_semaphore, #tpu.memory_space<semaphore_mem>>
        %dma_start3A_60 = arith.constant 0 : i32
        %dma_start3A_61 = tpu.memref_slice %arg5[%arg1, %run_scoped3A_29, %dma_start3A_60] : memref<16x158x128xi32, #tpu.memory_space<hbm>> -> memref<1x1x128xi32, #tpu.memory_space<hbm>>
        %dma_start3A_62 = tpu.memref_squeeze %dma_start3A_61 : memref<1x1x128xi32, #tpu.memory_space<hbm>> -> memref<128xi32, #tpu.memory_space<hbm>>
        %dma_start3A_63 = arith.constant 0 : i32
        %dma_start3A_64 = tpu.memref_slice %arg5[%arg1, %run_scoped3A_29, %dma_start3A_63] : memref<16x158x128xi32, #tpu.memory_space<hbm>> -> memref<1x1x128xi32, #tpu.memory_space<hbm>>
        %dma_start3A_65 = tpu.memref_squeeze %dma_start3A_64 : memref<1x1x128xi32, #tpu.memory_space<hbm>> -> memref<128xi32, #tpu.memory_space<hbm>>
        tpu.enqueue_dma source(%dma_start3A_65 : memref<128xi32, #tpu.memory_space<hbm>>) target(%arg12 : memref<128xi32, #tpu.memory_space<vmem>>) target_semaphore(%run_scoped3A_59 : memref<!tpu.dma_semaphore, #tpu.memory_space<semaphore_mem>>)
        %dma_wait3A = arith.constant 0 : i32
        %dma_wait3A_66 = tpu.memref_slice %arg5[%arg1, %run_scoped3A_29, %dma_wait3A] : memref<16x158x128xi32, #tpu.memory_space<hbm>> -> memref<1x1x128xi32, #tpu.memory_space<hbm>>
        %dma_wait3A_67 = tpu.memref_squeeze %dma_wait3A_66 : memref<1x1x128xi32, #tpu.memory_space<hbm>> -> memref<128xi32, #tpu.memory_space<hbm>>
        %dma_wait3A_68 = arith.constant 0 : i32
        %dma_wait3A_69 = tpu.memref_slice %arg5[%arg1, %run_scoped3A_29, %dma_wait3A_68] : memref<16x158x128xi32, #tpu.memory_space<hbm>> -> memref<1x1x128xi32, #tpu.memory_space<hbm>>
        %dma_wait3A_70 = tpu.memref_squeeze %dma_wait3A_69 : memref<1x1x128xi32, #tpu.memory_space<hbm>> -> memref<128xi32, #tpu.memory_space<hbm>>
        tpu.wait_dma2 semaphore(%run_scoped3A_59 : memref<!tpu.dma_semaphore, #tpu.memory_space<semaphore_mem>>) src(%dma_wait3A_70 : memref<128xi32, #tpu.memory_space<hbm>>) dst(%arg12 : memref<128xi32, #tpu.memory_space<vmem>>)
        tpu.yield
      }) : () -> ()
      %dma_start3A_30 = arith.constant 0 : i32
      %dma_start3A_31 = arith.constant 0 : i32
      %dma_start3A_32 = tpu.memref_slice %arg14[%dma_start3A_30, %dma_start3A_31] : memref<128x128xf32, #tpu.memory_space<vmem>> -> memref<64x128xf32, #tpu.memory_space<vmem>>
      %dma_start3A_33 = arith.constant 0 : i32
      %dma_start3A_34 = tpu.memref_slice %arg10[%dma_start3A_33] : memref<128xi32, #tpu.memory_space<vmem>> -> memref<64xi32, #tpu.memory_space<vmem>>
      %dma_start3A_35 = arith.constant 0 : i32
      %dma_start3A_36 = arith.constant 0 : i32
      %dma_start3A_37 = tpu.memref_slice %arg3[%dma_start3A_35, %dma_start3A_36] : memref<10000x128xf32, #tpu.memory_space<hbm>> -> memref<10000x128xf32, #tpu.memory_space<hbm>>
      tpu.enqueue_indirect_dma source(%dma_start3A_37 : memref<10000x128xf32, #tpu.memory_space<hbm>>) target(%dma_start3A_32 : memref<64x128xf32, #tpu.memory_space<vmem>>) offsets(%dma_start3A_34 : memref<64xi32, #tpu.memory_space<vmem>>) semaphore(%arg16 : memref<!tpu.dma_semaphore, #tpu.memory_space<semaphore_mem>>)
      %dma_start3A_38 = arith.constant 64 : i32
      %dma_start3A_39 = arith.constant 0 : i32
      %dma_start3A_40 = tpu.memref_slice %arg14[%dma_start3A_38, %dma_start3A_39] : memref<128x128xf32, #tpu.memory_space<vmem>> -> memref<64x128xf32, #tpu.memory_space<vmem>>
      %dma_start3A_41 = arith.constant 64 : i32
      %dma_start3A_42 = tpu.memref_slice %arg10[%dma_start3A_41] : memref<128xi32, #tpu.memory_space<vmem>> -> memref<64xi32, #tpu.memory_space<vmem>>
      %dma_start3A_43 = arith.constant 0 : i32
      %dma_start3A_44 = arith.constant 0 : i32
      %dma_start3A_45 = tpu.memref_slice %arg3[%dma_start3A_43, %dma_start3A_44] : memref<10000x128xf32, #tpu.memory_space<hbm>> -> memref<10000x128xf32, #tpu.memory_space<hbm>>
      tpu.enqueue_indirect_dma source(%dma_start3A_45 : memref<10000x128xf32, #tpu.memory_space<hbm>>) target(%dma_start3A_40 : memref<64x128xf32, #tpu.memory_space<vmem>>) offsets(%dma_start3A_42 : memref<64xi32, #tpu.memory_space<vmem>>) semaphore(%arg16 : memref<!tpu.dma_semaphore, #tpu.memory_space<semaphore_mem>>)
      %scan3A_46 = arith.constant 0 : i32
      %scan3A_47 = arith.constant 0 : i32
      %scan3A_48 = arith.constant 79 : i32
      %scan3A_49 = arith.addi %scan3A_47, %scan3A_48 : i32
      %scan3A_50 = arith.constant 1 : i32
      scf.for %scan3A_59 = %scan3A_47 to %scan3A_49 step %scan3A_50  : i32 {
        %mul3A = arith.constant 2 : i32
        %mul3A_60 = arith.muli %mul3A, %scan3A_59 : i32
        %add3A = arith.constant 2 : i32
        %add3A_61 = arith.addi %mul3A_60, %add3A : i32
        %add3A_62 = arith.constant 0 : i32
        %add3A_63 = arith.addi %add3A_61, %add3A_62 : i32
        %dma_wait3A = arith.constant 0 : i32
        %dma_wait3A_64 = arith.constant 0 : i32
        %dma_wait3A_65 = tpu.memref_slice %arg3[%dma_wait3A, %dma_wait3A_64] : memref<10000x128xf32, #tpu.memory_space<hbm>> -> memref<10000x128xf32, #tpu.memory_space<hbm>>
        tpu.wait_indirect_dma semaphore(%arg15 : memref<!tpu.dma_semaphore, #tpu.memory_space<semaphore_mem>>) src(%dma_wait3A_65 : memref<10000x128xf32, #tpu.memory_space<hbm>>) dst(%arg13 : memref<128x128xf32, #tpu.memory_space<vmem>>)
        %lt3A = arith.constant 158 : i32
        %lt3A_66 = arith.cmpi slt, %add3A_63, %lt3A : i32
        %convert_element_type3A_67 = arith.extui %lt3A_66 : i1 to i32
        %cond3A_68 = arith.constant 0 : i32
        %cond3A_69 = arith.cmpi ne, %convert_element_type3A_67, %cond3A_68 : i32
        scf.if %cond3A_69 {
          %dma_start3A_103 = arith.constant 0 : i32
          %dma_start3A_104 = tpu.memref_slice %arg4[%arg1, %add3A_63, %dma_start3A_103] : memref<16x158x128xi32, #tpu.memory_space<hbm>> -> memref<1x1x128xi32, #tpu.memory_space<hbm>>
          %dma_start3A_105 = tpu.memref_squeeze %dma_start3A_104 : memref<1x1x128xi32, #tpu.memory_space<hbm>> -> memref<128xi32, #tpu.memory_space<hbm>>
          %dma_start3A_106 = arith.constant 0 : i32
          %dma_start3A_107 = tpu.memref_slice %arg4[%arg1, %add3A_63, %dma_start3A_106] : memref<16x158x128xi32, #tpu.memory_space<hbm>> -> memref<1x1x128xi32, #tpu.memory_space<hbm>>
          %dma_start3A_108 = tpu.memref_squeeze %dma_start3A_107 : memref<1x1x128xi32, #tpu.memory_space<hbm>> -> memref<128xi32, #tpu.memory_space<hbm>>
          tpu.enqueue_dma source(%dma_start3A_108 : memref<128xi32, #tpu.memory_space<hbm>>) target(%arg9 : memref<128xi32, #tpu.memory_space<vmem>>) target_semaphore(%arg17 : memref<!tpu.dma_semaphore, #tpu.memory_space<semaphore_mem>>)
        } else {
        }
        %gt3A = arith.constant 0 : i32
        %gt3A_70 = arith.cmpi sgt, %scan3A_59, %gt3A : i32
        %convert_element_type3A_71 = arith.extui %gt3A_70 : i1 to i32
        %cond3A_72 = arith.constant 0 : i32
        %cond3A_73 = arith.cmpi ne, %convert_element_type3A_71, %cond3A_72 : i32
        scf.if %cond3A_73 {
          %dma_wait3A_103 = arith.constant 0 : i32
          %dma_wait3A_104 = arith.constant 0 : i32
          %dma_wait3A_105 = tpu.memref_slice %arg5[%arg1, %dma_wait3A_103, %dma_wait3A_104] : memref<16x158x128xi32, #tpu.memory_space<hbm>> -> memref<1x1x128xi32, #tpu.memory_space<hbm>>
          %dma_wait3A_106 = tpu.memref_squeeze %dma_wait3A_105 : memref<1x1x128xi32, #tpu.memory_space<hbm>> -> memref<128xi32, #tpu.memory_space<hbm>>
          %dma_wait3A_107 = arith.constant 0 : i32
          %dma_wait3A_108 = tpu.memref_slice %arg5[%arg1, %dma_wait3A_103, %dma_wait3A_107] : memref<16x158x128xi32, #tpu.memory_space<hbm>> -> memref<1x1x128xi32, #tpu.memory_space<hbm>>
          %dma_wait3A_109 = tpu.memref_squeeze %dma_wait3A_108 : memref<1x1x128xi32, #tpu.memory_space<hbm>> -> memref<128xi32, #tpu.memory_space<hbm>>
          tpu.wait_dma2 semaphore(%arg19 : memref<!tpu.dma_semaphore, #tpu.memory_space<semaphore_mem>>) src(%dma_wait3A_109 : memref<128xi32, #tpu.memory_space<hbm>>) dst(%arg11 : memref<128xi32, #tpu.memory_space<vmem>>)
        } else {
        }
        "tpu.region"() ({
          %run_scoped3A_103 = tpu.sem_alloc : memref<!tpu.dma_semaphore, #tpu.memory_space<semaphore_mem>>
          %dma_start3A_104 = arith.constant 0 : i32
          %dma_start3A_105 = arith.constant 0 : i32
          %dma_start3A_106 = tpu.memref_slice %arg8[%dma_start3A_104, %dma_start3A_105] : memref<10008x128xf32, #tpu.memory_space<vmem_shared>> -> memref<10008x128xf32, #tpu.memory_space<vmem_shared>>
          tpu.enqueue_indirect_dma source(%arg13 : memref<128x128xf32, #tpu.memory_space<vmem>>) target(%dma_start3A_106 : memref<10008x128xf32, #tpu.memory_space<vmem_shared>>) offsets(%arg11 : memref<128xi32, #tpu.memory_space<vmem>>) semaphore(%run_scoped3A_103 : memref<!tpu.dma_semaphore, #tpu.memory_space<semaphore_mem>>) {add = true}
          %dma_wait3A_107 = arith.constant 0 : i32
          %dma_wait3A_108 = arith.constant 0 : i32
          %dma_wait3A_109 = tpu.memref_slice %arg8[%dma_wait3A_107, %dma_wait3A_108] : memref<10008x128xf32, #tpu.memory_space<vmem_shared>> -> memref<10008x128xf32, #tpu.memory_space<vmem_shared>>
          tpu.wait_indirect_dma semaphore(%run_scoped3A_103 : memref<!tpu.dma_semaphore, #tpu.memory_space<semaphore_mem>>) src(%arg13 : memref<128x128xf32, #tpu.memory_space<vmem>>) dst(%dma_wait3A_109 : memref<10008x128xf32, #tpu.memory_space<vmem_shared>>)
          tpu.yield
        }) : () -> ()
        %lt3A_74 = arith.constant 158 : i32
        %lt3A_75 = arith.cmpi slt, %add3A_63, %lt3A_74 : i32
        %convert_element_type3A_76 = arith.extui %lt3A_75 : i1 to i32
        %cond3A_77 = arith.constant 0 : i32
        %cond3A_78 = arith.cmpi ne, %convert_element_type3A_76, %cond3A_77 : i32
        scf.if %cond3A_78 {
          %dma_start3A_103 = arith.constant 0 : i32
          %dma_start3A_104 = tpu.memref_slice %arg5[%arg1, %add3A_63, %dma_start3A_103] : memref<16x158x128xi32, #tpu.memory_space<hbm>> -> memref<1x1x128xi32, #tpu.memory_space<hbm>>
          %dma_start3A_105 = tpu.memref_squeeze %dma_start3A_104 : memref<1x1x128xi32, #tpu.memory_space<hbm>> -> memref<128xi32, #tpu.memory_space<hbm>>
          %dma_start3A_106 = arith.constant 0 : i32
          %dma_start3A_107 = tpu.memref_slice %arg5[%arg1, %add3A_63, %dma_start3A_106] : memref<16x158x128xi32, #tpu.memory_space<hbm>> -> memref<1x1x128xi32, #tpu.memory_space<hbm>>
          %dma_start3A_108 = tpu.memref_squeeze %dma_start3A_107 : memref<1x1x128xi32, #tpu.memory_space<hbm>> -> memref<128xi32, #tpu.memory_space<hbm>>
          tpu.enqueue_dma source(%dma_start3A_108 : memref<128xi32, #tpu.memory_space<hbm>>) target(%arg11 : memref<128xi32, #tpu.memory_space<vmem>>) target_semaphore(%arg19 : memref<!tpu.dma_semaphore, #tpu.memory_space<semaphore_mem>>)
          %dma_wait3A_109 = arith.constant 0 : i32
          %dma_wait3A_110 = arith.constant 0 : i32
          %dma_wait3A_111 = tpu.memref_slice %arg4[%arg1, %dma_wait3A_109, %dma_wait3A_110] : memref<16x158x128xi32, #tpu.memory_space<hbm>> -> memref<1x1x128xi32, #tpu.memory_space<hbm>>
          %dma_wait3A_112 = tpu.memref_squeeze %dma_wait3A_111 : memref<1x1x128xi32, #tpu.memory_space<hbm>> -> memref<128xi32, #tpu.memory_space<hbm>>
          %dma_wait3A_113 = arith.constant 0 : i32
          %dma_wait3A_114 = tpu.memref_slice %arg4[%arg1, %dma_wait3A_109, %dma_wait3A_113] : memref<16x158x128xi32, #tpu.memory_space<hbm>> -> memref<1x1x128xi32, #tpu.memory_space<hbm>>
          %dma_wait3A_115 = tpu.memref_squeeze %dma_wait3A_114 : memref<1x1x128xi32, #tpu.memory_space<hbm>> -> memref<128xi32, #tpu.memory_space<hbm>>
          tpu.wait_dma2 semaphore(%arg17 : memref<!tpu.dma_semaphore, #tpu.memory_space<semaphore_mem>>) src(%dma_wait3A_115 : memref<128xi32, #tpu.memory_space<hbm>>) dst(%arg9 : memref<128xi32, #tpu.memory_space<vmem>>)
          %dma_start3A_116 = arith.constant 0 : i32
          %dma_start3A_117 = arith.constant 0 : i32
          %dma_start3A_118 = tpu.memref_slice %arg13[%dma_start3A_116, %dma_start3A_117] : memref<128x128xf32, #tpu.memory_space<vmem>> -> memref<64x128xf32, #tpu.memory_space<vmem>>
          %dma_start3A_119 = arith.constant 0 : i32
          %dma_start3A_120 = tpu.memref_slice %arg9[%dma_start3A_119] : memref<128xi32, #tpu.memory_space<vmem>> -> memref<64xi32, #tpu.memory_space<vmem>>
          %dma_start3A_121 = arith.constant 0 : i32
          %dma_start3A_122 = arith.constant 0 : i32
          %dma_start3A_123 = tpu.memref_slice %arg3[%dma_start3A_121, %dma_start3A_122] : memref<10000x128xf32, #tpu.memory_space<hbm>> -> memref<10000x128xf32, #tpu.memory_space<hbm>>
          tpu.enqueue_indirect_dma source(%dma_start3A_123 : memref<10000x128xf32, #tpu.memory_space<hbm>>) target(%dma_start3A_118 : memref<64x128xf32, #tpu.memory_space<vmem>>) offsets(%dma_start3A_120 : memref<64xi32, #tpu.memory_space<vmem>>) semaphore(%arg15 : memref<!tpu.dma_semaphore, #tpu.memory_space<semaphore_mem>>)
          %dma_start3A_124 = arith.constant 64 : i32
          %dma_start3A_125 = arith.constant 0 : i32
          %dma_start3A_126 = tpu.memref_slice %arg13[%dma_start3A_124, %dma_start3A_125] : memref<128x128xf32, #tpu.memory_space<vmem>> -> memref<64x128xf32, #tpu.memory_space<vmem>>
          %dma_start3A_127 = arith.constant 64 : i32
          %dma_start3A_128 = tpu.memref_slice %arg9[%dma_start3A_127] : memref<128xi32, #tpu.memory_space<vmem>> -> memref<64xi32, #tpu.memory_space<vmem>>
          %dma_start3A_129 = arith.constant 0 : i32
          %dma_start3A_130 = arith.constant 0 : i32
          %dma_start3A_131 = tpu.memref_slice %arg3[%dma_start3A_129, %dma_start3A_130] : memref<10000x128xf32, #tpu.memory_space<hbm>> -> memref<10000x128xf32, #tpu.memory_space<hbm>>
          tpu.enqueue_indirect_dma source(%dma_start3A_131 : memref<10000x128xf32, #tpu.memory_space<hbm>>) target(%dma_start3A_126 : memref<64x128xf32, #tpu.memory_space<vmem>>) offsets(%dma_start3A_128 : memref<64xi32, #tpu.memory_space<vmem>>) semaphore(%arg15 : memref<!tpu.dma_semaphore, #tpu.memory_space<semaphore_mem>>)
        } else {
        }
        %mul3A_79 = arith.constant 2 : i32
        %mul3A_80 = arith.muli %mul3A_79, %scan3A_59 : i32
        %add3A_81 = arith.constant 2 : i32
        %add3A_82 = arith.addi %mul3A_80, %add3A_81 : i32
        %add3A_83 = arith.constant 1 : i32
        %add3A_84 = arith.addi %add3A_82, %add3A_83 : i32
        %dma_wait3A_85 = arith.constant 0 : i32
        %dma_wait3A_86 = arith.constant 0 : i32
        %dma_wait3A_87 = tpu.memref_slice %arg3[%dma_wait3A_85, %dma_wait3A_86] : memref<10000x128xf32, #tpu.memory_space<hbm>> -> memref<10000x128xf32, #tpu.memory_space<hbm>>
        tpu.wait_indirect_dma semaphore(%arg16 : memref<!tpu.dma_semaphore, #tpu.memory_space<semaphore_mem>>) src(%dma_wait3A_87 : memref<10000x128xf32, #tpu.memory_space<hbm>>) dst(%arg14 : memref<128x128xf32, #tpu.memory_space<vmem>>)
        %lt3A_88 = arith.constant 158 : i32
        %lt3A_89 = arith.cmpi slt, %add3A_84, %lt3A_88 : i32
        %convert_element_type3A_90 = arith.extui %lt3A_89 : i1 to i32
        %cond3A_91 = arith.constant 0 : i32
        %cond3A_92 = arith.cmpi ne, %convert_element_type3A_90, %cond3A_91 : i32
        scf.if %cond3A_92 {
          %dma_start3A_103 = arith.constant 0 : i32
          %dma_start3A_104 = tpu.memref_slice %arg4[%arg1, %add3A_84, %dma_start3A_103] : memref<16x158x128xi32, #tpu.memory_space<hbm>> -> memref<1x1x128xi32, #tpu.memory_space<hbm>>
          %dma_start3A_105 = tpu.memref_squeeze %dma_start3A_104 : memref<1x1x128xi32, #tpu.memory_space<hbm>> -> memref<128xi32, #tpu.memory_space<hbm>>
          %dma_start3A_106 = arith.constant 0 : i32
          %dma_start3A_107 = tpu.memref_slice %arg4[%arg1, %add3A_84, %dma_start3A_106] : memref<16x158x128xi32, #tpu.memory_space<hbm>> -> memref<1x1x128xi32, #tpu.memory_space<hbm>>
          %dma_start3A_108 = tpu.memref_squeeze %dma_start3A_107 : memref<1x1x128xi32, #tpu.memory_space<hbm>> -> memref<128xi32, #tpu.memory_space<hbm>>
          tpu.enqueue_dma source(%dma_start3A_108 : memref<128xi32, #tpu.memory_space<hbm>>) target(%arg10 : memref<128xi32, #tpu.memory_space<vmem>>) target_semaphore(%arg18 : memref<!tpu.dma_semaphore, #tpu.memory_space<semaphore_mem>>)
        } else {
        }
        %gt3A_93 = arith.constant 0 : i32
        %gt3A_94 = arith.cmpi sgt, %scan3A_59, %gt3A_93 : i32
        %convert_element_type3A_95 = arith.extui %gt3A_94 : i1 to i32
        %cond3A_96 = arith.constant 0 : i32
        %cond3A_97 = arith.cmpi ne, %convert_element_type3A_95, %cond3A_96 : i32
        scf.if %cond3A_97 {
          %dma_wait3A_103 = arith.constant 0 : i32
          %dma_wait3A_104 = arith.constant 0 : i32
          %dma_wait3A_105 = tpu.memref_slice %arg5[%arg1, %dma_wait3A_103, %dma_wait3A_104] : memref<16x158x128xi32, #tpu.memory_space<hbm>> -> memref<1x1x128xi32, #tpu.memory_space<hbm>>
          %dma_wait3A_106 = tpu.memref_squeeze %dma_wait3A_105 : memref<1x1x128xi32, #tpu.memory_space<hbm>> -> memref<128xi32, #tpu.memory_space<hbm>>
          %dma_wait3A_107 = arith.constant 0 : i32
          %dma_wait3A_108 = tpu.memref_slice %arg5[%arg1, %dma_wait3A_103, %dma_wait3A_107] : memref<16x158x128xi32, #tpu.memory_space<hbm>> -> memref<1x1x128xi32, #tpu.memory_space<hbm>>
          %dma_wait3A_109 = tpu.memref_squeeze %dma_wait3A_108 : memref<1x1x128xi32, #tpu.memory_space<hbm>> -> memref<128xi32, #tpu.memory_space<hbm>>
          tpu.wait_dma2 semaphore(%arg20 : memref<!tpu.dma_semaphore, #tpu.memory_space<semaphore_mem>>) src(%dma_wait3A_109 : memref<128xi32, #tpu.memory_space<hbm>>) dst(%arg12 : memref<128xi32, #tpu.memory_space<vmem>>)
        } else {
        }
        "tpu.region"() ({
          %run_scoped3A_103 = tpu.sem_alloc : memref<!tpu.dma_semaphore, #tpu.memory_space<semaphore_mem>>
          %dma_start3A_104 = arith.constant 0 : i32
          %dma_start3A_105 = arith.constant 0 : i32
          %dma_start3A_106 = tpu.memref_slice %arg8[%dma_start3A_104, %dma_start3A_105] : memref<10008x128xf32, #tpu.memory_space<vmem_shared>> -> memref<10008x128xf32, #tpu.memory_space<vmem_shared>>
          tpu.enqueue_indirect_dma source(%arg14 : memref<128x128xf32, #tpu.memory_space<vmem>>) target(%dma_start3A_106 : memref<10008x128xf32, #tpu.memory_space<vmem_shared>>) offsets(%arg12 : memref<128xi32, #tpu.memory_space<vmem>>) semaphore(%run_scoped3A_103 : memref<!tpu.dma_semaphore, #tpu.memory_space<semaphore_mem>>) {add = true}
          %dma_wait3A_107 = arith.constant 0 : i32
          %dma_wait3A_108 = arith.constant 0 : i32
          %dma_wait3A_109 = tpu.memref_slice %arg8[%dma_wait3A_107, %dma_wait3A_108] : memref<10008x128xf32, #tpu.memory_space<vmem_shared>> -> memref<10008x128xf32, #tpu.memory_space<vmem_shared>>
          tpu.wait_indirect_dma semaphore(%run_scoped3A_103 : memref<!tpu.dma_semaphore, #tpu.memory_space<semaphore_mem>>) src(%arg14 : memref<128x128xf32, #tpu.memory_space<vmem>>) dst(%dma_wait3A_109 : memref<10008x128xf32, #tpu.memory_space<vmem_shared>>)
          tpu.yield
        }) : () -> ()
        %lt3A_98 = arith.constant 158 : i32
        %lt3A_99 = arith.cmpi slt, %add3A_84, %lt3A_98 : i32
        %convert_element_type3A_100 = arith.extui %lt3A_99 : i1 to i32
        %cond3A_101 = arith.constant 0 : i32
        %cond3A_102 = arith.cmpi ne, %convert_element_type3A_100, %cond3A_101 : i32
        scf.if %cond3A_102 {
          %dma_start3A_103 = arith.constant 0 : i32
          %dma_start3A_104 = tpu.memref_slice %arg5[%arg1, %add3A_84, %dma_start3A_103] : memref<16x158x128xi32, #tpu.memory_space<hbm>> -> memref<1x1x128xi32, #tpu.memory_space<hbm>>
          %dma_start3A_105 = tpu.memref_squeeze %dma_start3A_104 : memref<1x1x128xi32, #tpu.memory_space<hbm>> -> memref<128xi32, #tpu.memory_space<hbm>>
          %dma_start3A_106 = arith.constant 0 : i32
          %dma_start3A_107 = tpu.memref_slice %arg5[%arg1, %add3A_84, %dma_start3A_106] : memref<16x158x128xi32, #tpu.memory_space<hbm>> -> memref<1x1x128xi32, #tpu.memory_space<hbm>>
          %dma_start3A_108 = tpu.memref_squeeze %dma_start3A_107 : memref<1x1x128xi32, #tpu.memory_space<hbm>> -> memref<128xi32, #tpu.memory_space<hbm>>
          tpu.enqueue_dma source(%dma_start3A_108 : memref<128xi32, #tpu.memory_space<hbm>>) target(%arg12 : memref<128xi32, #tpu.memory_space<vmem>>) target_semaphore(%arg20 : memref<!tpu.dma_semaphore, #tpu.memory_space<semaphore_mem>>)
          %dma_wait3A_109 = arith.constant 0 : i32
          %dma_wait3A_110 = arith.constant 0 : i32
          %dma_wait3A_111 = tpu.memref_slice %arg4[%arg1, %dma_wait3A_109, %dma_wait3A_110] : memref<16x158x128xi32, #tpu.memory_space<hbm>> -> memref<1x1x128xi32, #tpu.memory_space<hbm>>
          %dma_wait3A_112 = tpu.memref_squeeze %dma_wait3A_111 : memref<1x1x128xi32, #tpu.memory_space<hbm>> -> memref<128xi32, #tpu.memory_space<hbm>>
          %dma_wait3A_113 = arith.constant 0 : i32
          %dma_wait3A_114 = tpu.memref_slice %arg4[%arg1, %dma_wait3A_109, %dma_wait3A_113] : memref<16x158x128xi32, #tpu.memory_space<hbm>> -> memref<1x1x128xi32, #tpu.memory_space<hbm>>
          %dma_wait3A_115 = tpu.memref_squeeze %dma_wait3A_114 : memref<1x1x128xi32, #tpu.memory_space<hbm>> -> memref<128xi32, #tpu.memory_space<hbm>>
          tpu.wait_dma2 semaphore(%arg18 : memref<!tpu.dma_semaphore, #tpu.memory_space<semaphore_mem>>) src(%dma_wait3A_115 : memref<128xi32, #tpu.memory_space<hbm>>) dst(%arg10 : memref<128xi32, #tpu.memory_space<vmem>>)
          %dma_start3A_116 = arith.constant 0 : i32
          %dma_start3A_117 = arith.constant 0 : i32
          %dma_start3A_118 = tpu.memref_slice %arg14[%dma_start3A_116, %dma_start3A_117] : memref<128x128xf32, #tpu.memory_space<vmem>> -> memref<64x128xf32, #tpu.memory_space<vmem>>
          %dma_start3A_119 = arith.constant 0 : i32
          %dma_start3A_120 = tpu.memref_slice %arg10[%dma_start3A_119] : memref<128xi32, #tpu.memory_space<vmem>> -> memref<64xi32, #tpu.memory_space<vmem>>
          %dma_start3A_121 = arith.constant 0 : i32
          %dma_start3A_122 = arith.constant 0 : i32
          %dma_start3A_123 = tpu.memref_slice %arg3[%dma_start3A_121, %dma_start3A_122] : memref<10000x128xf32, #tpu.memory_space<hbm>> -> memref<10000x128xf32, #tpu.memory_space<hbm>>
          tpu.enqueue_indirect_dma source(%dma_start3A_123 : memref<10000x128xf32, #tpu.memory_space<hbm>>) target(%dma_start3A_118 : memref<64x128xf32, #tpu.memory_space<vmem>>) offsets(%dma_start3A_120 : memref<64xi32, #tpu.memory_space<vmem>>) semaphore(%arg16 : memref<!tpu.dma_semaphore, #tpu.memory_space<semaphore_mem>>)
          %dma_start3A_124 = arith.constant 64 : i32
          %dma_start3A_125 = arith.constant 0 : i32
          %dma_start3A_126 = tpu.memref_slice %arg14[%dma_start3A_124, %dma_start3A_125] : memref<128x128xf32, #tpu.memory_space<vmem>> -> memref<64x128xf32, #tpu.memory_space<vmem>>
          %dma_start3A_127 = arith.constant 64 : i32
          %dma_start3A_128 = tpu.memref_slice %arg10[%dma_start3A_127] : memref<128xi32, #tpu.memory_space<vmem>> -> memref<64xi32, #tpu.memory_space<vmem>>
          %dma_start3A_129 = arith.constant 0 : i32
          %dma_start3A_130 = arith.constant 0 : i32
          %dma_start3A_131 = tpu.memref_slice %arg3[%dma_start3A_129, %dma_start3A_130] : memref<10000x128xf32, #tpu.memory_space<hbm>> -> memref<10000x128xf32, #tpu.memory_space<hbm>>
          tpu.enqueue_indirect_dma source(%dma_start3A_131 : memref<10000x128xf32, #tpu.memory_space<hbm>>) target(%dma_start3A_126 : memref<64x128xf32, #tpu.memory_space<vmem>>) offsets(%dma_start3A_128 : memref<64xi32, #tpu.memory_space<vmem>>) semaphore(%arg16 : memref<!tpu.dma_semaphore, #tpu.memory_space<semaphore_mem>>)
        } else {
        }
      }
      %scan3A_51 = arith.constant 79 : i32
      %barrier3A_52 = arith.constant 0 : index
      tpu.barrier barrier_id(%barrier3A_52)
      %scan3A_53 = arith.constant 0 : i32
      %scan3A_54 = arith.constant 0 : i32
      %scan3A_55 = arith.constant 8 : i32
      %scan3A_56 = arith.addi %scan3A_54, %scan3A_55 : i32
      %scan3A_57 = arith.constant 1 : i32
      scf.for %scan3A_59 = %scan3A_54 to %scan3A_56 step %scan3A_57  : i32 {
        %mul3A = arith.constant 16 : i32
        %mul3A_60 = arith.muli %scan3A_59, %mul3A : i32
        %add3A = arith.addi %arg1, %mul3A_60 : i32
        %lt3A = arith.constant 125 : i32
        %lt3A_61 = arith.cmpi slt, %add3A, %lt3A : i32
        %convert_element_type3A_62 = arith.extui %lt3A_61 : i1 to i32
        %cond3A_63 = arith.constant 0 : i32
        %cond3A_64 = arith.cmpi ne, %convert_element_type3A_62, %cond3A_63 : i32
        scf.if %cond3A_64 {
          %mul3A_65 = arith.constant 80 : i32
          %mul3A_66 = arith.muli %add3A, %mul3A_65 : i32
          %multiple_of3A = tpu.assume_multiple %mul3A_66, 8 : i32
          "tpu.region"() ({
            %run_scoped3A_67 = tpu.sem_alloc : memref<!tpu.dma_semaphore, #tpu.memory_space<semaphore_mem>>
            %dma_start3A_68 = arith.constant 0 : i32
            %dma_start3A_69 = tpu.memref_slice %arg7[%multiple_of3A, %dma_start3A_68] : memref<10000x128xf32, #tpu.memory_space<hbm>> -> memref<80x128xf32, #tpu.memory_space<hbm>>
            %dma_start3A_70 = arith.constant 0 : i32
            %dma_start3A_71 = tpu.memref_slice %arg8[%multiple_of3A, %dma_start3A_70] : memref<10008x128xf32, #tpu.memory_space<vmem_shared>> -> memref<80x128xf32, #tpu.memory_space<vmem_shared>>
            tpu.enqueue_dma source(%dma_start3A_71 : memref<80x128xf32, #tpu.memory_space<vmem_shared>>) target(%dma_start3A_69 : memref<80x128xf32, #tpu.memory_space<hbm>>) target_semaphore(%run_scoped3A_67 : memref<!tpu.dma_semaphore, #tpu.memory_space<semaphore_mem>>)
            %dma_wait3A = arith.constant 0 : i32
            %dma_wait3A_72 = tpu.memref_slice %arg7[%multiple_of3A, %dma_wait3A] : memref<10000x128xf32, #tpu.memory_space<hbm>> -> memref<80x128xf32, #tpu.memory_space<hbm>>
            %dma_wait3A_73 = arith.constant 0 : i32
            %dma_wait3A_74 = tpu.memref_slice %arg8[%multiple_of3A, %dma_wait3A_73] : memref<10008x128xf32, #tpu.memory_space<vmem_shared>> -> memref<80x128xf32, #tpu.memory_space<vmem_shared>>
            tpu.wait_dma2 semaphore(%run_scoped3A_67 : memref<!tpu.dma_semaphore, #tpu.memory_space<semaphore_mem>>) src(%dma_wait3A_74 : memref<80x128xf32, #tpu.memory_space<vmem_shared>>) dst(%dma_wait3A_72 : memref<80x128xf32, #tpu.memory_space<hbm>>)
            tpu.yield
          }) : () -> ()
        } else {
        }
      }
      %scan3A_58 = arith.constant 8 : i32
    } else {
    }
    return
  }
}

module attributes {stable_mosaic.version = 14 : i64} {
  func.func @_tc_layer1_body(%arg0: i32, %arg1: memref<32x1x1x1000xf32, #tpu.memory_space<vmem>>, %arg2: memref<1000x128xf32, #tpu.memory_space<vmem>>, %arg3: memref<128x256xf32, #tpu.memory_space<vmem>>, %arg4: memref<1000x128xf32, #tpu.memory_space<vmem>>, %arg5: memref<1000x128xf32, #tpu.memory_space<vmem>>, %arg6: memref<1x1x1000xf32, #tpu.memory_space<vmem>>) attributes {dimension_semantics = [#tpu.dimension_semantics<arbitrary>], iteration_bounds = array<i64: 10>, scalar_prefetch = 0 : i64, scratch_operands = 0 : i64, tpu.core_type = #tpu.core_type<tc>, window_params = [{transform_indices = @transform_0, window_bounds = array<i64: 32, 1, 1, 1000>}, {transform_indices = @transform_1, window_bounds = array<i64: 1000, 128>}, {pipeline_mode = #tpu.pipeline_mode<synchronous>, transform_indices = @transform_2, window_bounds = array<i64: 128, 256>}, {transform_indices = @transform_3, window_bounds = array<i64: 1000, 128>}, {transform_indices = @transform_4, window_bounds = array<i64: 1000, 128>}, {transform_indices = @transform_5, window_bounds = array<i64: 1, 1, 1000>}]} {
    %get3A = arith.constant 0 : index
    %get3A_0 = arith.constant 0 : index
    %get3A_1 = arith.constant 0 : index
    %get3A_2 = arith.constant 0 : index
    %get3A_3 = vector.load %arg1[%get3A, %get3A_0, %get3A_1, %get3A_2] : memref<32x1x1x1000xf32, #tpu.memory_space<vmem>>, vector<32x1x1x1000xf32>
    %reshape3A = vector.shape_cast %get3A_3 : vector<32x1x1x1000xf32> to vector<32x1000xf32>
    %reduce_sum3A = arith.constant dense<0.000000e+00> : vector<1000xf32>
    %reduce_sum3A_4 = vector.multi_reduction <add>, %reshape3A, %reduce_sum3A [0] : vector<32x1000xf32> to vector<1000xf32>
    %add3A = arith.constant 1.000000e+00 : f32
    %add3A_5 = vector.broadcast %add3A : f32 to vector<1000xf32>
    %add3A_6 = arith.addf %add3A_5, %reduce_sum3A_4 : vector<1000xf32>
    %rsqrt3A = math.rsqrt %add3A_6 : vector<1000xf32>
    %get3A_7 = arith.constant 0 : index
    %get3A_8 = arith.constant 0 : index
    %get3A_9 = vector.load %arg2[%get3A_7, %get3A_8] : memref<1000x128xf32, #tpu.memory_space<vmem>>, vector<1000x128xf32>
    %get3A_10 = arith.constant 0 : index
    %get3A_11 = arith.constant 0 : index
    %get3A_12 = vector.load %arg3[%get3A_10, %get3A_11] : memref<128x256xf32, #tpu.memory_space<vmem>>, vector<128x256xf32>
    %dot_general3A = arith.constant dense<0.000000e+00> : vector<1000x256xf32>
    %dot_general3A_13 = tpu.matmul %get3A_9, %get3A_12, %dot_general3A {dimension_numbers = #tpu.dot_dimension_numbers<[1], [0], [0], [1], [0, 0, 1, 1], [], []>, transpose_lhs_hint = false} : vector<1000x128xf32>, vector<128x256xf32>, vector<1000x256xf32> -> vector<1000x256xf32>
    %broadcast_in_dim3A = vector.shape_cast %rsqrt3A : vector<1000xf32> to vector<1000x1xf32>
    %mul3A = vector.broadcast %broadcast_in_dim3A : vector<1000x1xf32> to vector<1000x256xf32>
    %mul3A_14 = arith.mulf %dot_general3A_13, %mul3A : vector<1000x256xf32>
    %slice3A = vector.extract_strided_slice %mul3A_14 {offsets = [0, 0], sizes = [1000, 128], strides = [1, 1]} : vector<1000x256xf32> to vector<1000x128xf32>
    %swap3A = arith.constant 0 : index
    %swap3A_15 = arith.constant 0 : index
    %swap3A_16 = vector.load %arg4[%swap3A, %swap3A_15] : memref<1000x128xf32, #tpu.memory_space<vmem>>, vector<1000x128xf32>
    tpu.vector_store %arg4[%swap3A, %swap3A_15], %slice3A {strides = array<i32>} : memref<1000x128xf32, #tpu.memory_space<vmem>>, vector<1000x128xf32>,
    %slice3A_17 = vector.extract_strided_slice %mul3A_14 {offsets = [0, 128], sizes = [1000, 128], strides = [1, 1]} : vector<1000x256xf32> to vector<1000x128xf32>
    %swap3A_18 = arith.constant 0 : index
    %swap3A_19 = arith.constant 0 : index
    %swap3A_20 = vector.load %arg5[%swap3A_18, %swap3A_19] : memref<1000x128xf32, #tpu.memory_space<vmem>>, vector<1000x128xf32>
    tpu.vector_store %arg5[%swap3A_18, %swap3A_19], %slice3A_17 {strides = array<i32>} : memref<1000x128xf32, #tpu.memory_space<vmem>>, vector<1000x128xf32>,
    %broadcast_in_dim3A_21 = vector.shape_cast %rsqrt3A : vector<1000xf32> to vector<1x1x1000xf32>
    %swap3A_22 = arith.constant 0 : index
    %swap3A_23 = arith.constant 0 : index
    %swap3A_24 = arith.constant 0 : index
    %swap3A_25 = vector.load %arg6[%swap3A_22, %swap3A_23, %swap3A_24] : memref<1x1x1000xf32, #tpu.memory_space<vmem>>, vector<1x1x1000xf32>
    tpu.vector_store %arg6[%swap3A_22, %swap3A_23, %swap3A_24], %broadcast_in_dim3A_21 {strides = array<i32>} : memref<1x1x1000xf32, #tpu.memory_space<vmem>>, vector<1x1x1000xf32>,
    return
  }
  func.func @transform_0(%arg0: i32) -> (i32, i32, i32, i32) {
    %c0_i32 = arith.constant 0 : i32
    %c0_i32_0 = arith.constant 0 : i32
    %c0_i32_1 = arith.constant 0 : i32
    %c0_i32_2 = arith.constant 0 : i32
    return %c0_i32, %arg0, %c0_i32_0, %c0_i32_1 : i32, i32, i32, i32
  }
  func.func @transform_1(%arg0: i32) -> (i32, i32) {
    %c0_i32 = arith.constant 0 : i32
    %c0_i32_0 = arith.constant 0 : i32
    return %arg0, %c0_i32 : i32, i32
  }
  func.func @transform_2(%arg0: i32) -> (i32, i32) {
    %c0_i32 = arith.constant 0 : i32
    %c0_i32_0 = arith.constant 0 : i32
    %c0_i32_1 = arith.constant 0 : i32
    return %c0_i32, %c0_i32_0 : i32, i32
  }
  func.func @transform_3(%arg0: i32) -> (i32, i32) {
    %c0_i32 = arith.constant 0 : i32
    %c0_i32_0 = arith.constant 0 : i32
    return %arg0, %c0_i32 : i32, i32
  }
  func.func @transform_4(%arg0: i32) -> (i32, i32) {
    %c0_i32 = arith.constant 0 : i32
    %c0_i32_0 = arith.constant 0 : i32
    return %arg0, %c0_i32 : i32, i32
  }
  func.func @transform_5(%arg0: i32) -> (i32, i32, i32) {
    %c0_i32 = arith.constant 0 : i32
    %c0_i32_0 = arith.constant 0 : i32
    %c0_i32_1 = arith.constant 0 : i32
    return %arg0, %c0_i32, %c0_i32_0 : i32, i32, i32
  }
}

module attributes {stable_mosaic.version = 14 : i64} {
  func.func @_tc_layer2_body(%arg0: i32, %arg1: memref<1000x128xf32, #tpu.memory_space<vmem>>, %arg2: memref<1000x128xf32, #tpu.memory_space<vmem>>, %arg3: memref<1x1x1000xf32, #tpu.memory_space<vmem>>, %arg4: memref<1x256xf32, #tpu.memory_space<vmem>>, %arg5: memref<256x256xf32, #tpu.memory_space<vmem>>, %arg6: memref<1000x128xf32, #tpu.memory_space<vmem>>, %arg7: memref<1000x128xf32, #tpu.memory_space<vmem>>) attributes {dimension_semantics = [#tpu.dimension_semantics<arbitrary>], iteration_bounds = array<i64: 10>, scalar_prefetch = 0 : i64, scratch_operands = 0 : i64, tpu.core_type = #tpu.core_type<tc>, window_params = [{transform_indices = @transform_0, window_bounds = array<i64: 1000, 128>}, {transform_indices = @transform_1, window_bounds = array<i64: 1000, 128>}, {transform_indices = @transform_2, window_bounds = array<i64: 1, 1, 1000>}, {pipeline_mode = #tpu.pipeline_mode<synchronous>, transform_indices = @transform_3, window_bounds = array<i64: 1, 256>}, {pipeline_mode = #tpu.pipeline_mode<synchronous>, transform_indices = @transform_4, window_bounds = array<i64: 256, 256>}, {transform_indices = @transform_5, window_bounds = array<i64: 1000, 128>}, {transform_indices = @transform_6, window_bounds = array<i64: 1000, 128>}]} {
    %get3A = arith.constant 0 : index
    %get3A_0 = arith.constant 0 : index
    %get3A_1 = vector.load %arg1[%get3A, %get3A_0] : memref<1000x128xf32, #tpu.memory_space<vmem>>, vector<1000x128xf32>
    %get3A_2 = arith.constant 0 : index
    %get3A_3 = arith.constant 0 : index
    %get3A_4 = vector.load %arg2[%get3A_2, %get3A_3] : memref<1000x128xf32, #tpu.memory_space<vmem>>, vector<1000x128xf32>
    %concatenate3A = tpu.concatenate %get3A_1, %get3A_4 in 1 : vector<1000x128xf32>, vector<1000x128xf32> -> vector<1000x256xf32>
    %get3A_5 = arith.constant 0 : index
    %get3A_6 = arith.constant 0 : index
    %get3A_7 = arith.constant 0 : index
    %get3A_8 = vector.load %arg3[%get3A_5, %get3A_6, %get3A_7] : memref<1x1x1000xf32, #tpu.memory_space<vmem>>, vector<1x1x1000xf32>
    %get3A_9 = vector.shape_cast %get3A_8 : vector<1x1x1000xf32> to vector<1000xf32>
    %broadcast_in_dim3A = vector.shape_cast %get3A_9 : vector<1000xf32> to vector<1000x1xf32>
    %mul3A = vector.broadcast %broadcast_in_dim3A : vector<1000x1xf32> to vector<1000x256xf32>
    %mul3A_10 = arith.mulf %concatenate3A, %mul3A : vector<1000x256xf32>
    %get3A_11 = arith.constant 0 : index
    %get3A_12 = arith.constant 0 : index
    %get3A_13 = vector.load %arg4[%get3A_11, %get3A_12] : memref<1x256xf32, #tpu.memory_space<vmem>>, vector<1x256xf32>
    %get3A_14 = vector.shape_cast %get3A_13 : vector<1x256xf32> to vector<256xf32>
    %broadcast_in_dim3A_15 = vector.shape_cast %get3A_14 : vector<256xf32> to vector<1x256xf32>
    %add3A = vector.broadcast %broadcast_in_dim3A_15 : vector<1x256xf32> to vector<1000x256xf32>
    %add3A_16 = arith.addf %mul3A_10, %add3A : vector<1000x256xf32>
    %max3A = arith.constant 0.000000e+00 : f32
    %max3A_17 = vector.broadcast %max3A : f32 to vector<1000x256xf32>
    %max3A_18 = arith.maximumf %add3A_16, %max3A_17 : vector<1000x256xf32>
    %get3A_19 = arith.constant 0 : index
    %get3A_20 = arith.constant 0 : index
    %get3A_21 = vector.load %arg5[%get3A_19, %get3A_20] : memref<256x256xf32, #tpu.memory_space<vmem>>, vector<256x256xf32>
    %dot_general3A = arith.constant dense<0.000000e+00> : vector<1000x256xf32>
    %dot_general3A_22 = tpu.matmul %max3A_18, %get3A_21, %dot_general3A {dimension_numbers = #tpu.dot_dimension_numbers<[1], [0], [0], [1], [0, 0, 1, 1], [], []>, transpose_lhs_hint = false} : vector<1000x256xf32>, vector<256x256xf32>, vector<1000x256xf32> -> vector<1000x256xf32>
    %broadcast_in_dim3A_23 = vector.shape_cast %get3A_9 : vector<1000xf32> to vector<1000x1xf32>
    %mul3A_24 = vector.broadcast %broadcast_in_dim3A_23 : vector<1000x1xf32> to vector<1000x256xf32>
    %mul3A_25 = arith.mulf %dot_general3A_22, %mul3A_24 : vector<1000x256xf32>
    %slice3A = vector.extract_strided_slice %mul3A_25 {offsets = [0, 0], sizes = [1000, 128], strides = [1, 1]} : vector<1000x256xf32> to vector<1000x128xf32>
    %swap3A = arith.constant 0 : index
    %swap3A_26 = arith.constant 0 : index
    %swap3A_27 = vector.load %arg6[%swap3A, %swap3A_26] : memref<1000x128xf32, #tpu.memory_space<vmem>>, vector<1000x128xf32>
    tpu.vector_store %arg6[%swap3A, %swap3A_26], %slice3A {strides = array<i32>} : memref<1000x128xf32, #tpu.memory_space<vmem>>, vector<1000x128xf32>,
    %slice3A_28 = vector.extract_strided_slice %mul3A_25 {offsets = [0, 128], sizes = [1000, 128], strides = [1, 1]} : vector<1000x256xf32> to vector<1000x128xf32>
    %swap3A_29 = arith.constant 0 : index
    %swap3A_30 = arith.constant 0 : index
    %swap3A_31 = vector.load %arg7[%swap3A_29, %swap3A_30] : memref<1000x128xf32, #tpu.memory_space<vmem>>, vector<1000x128xf32>
    tpu.vector_store %arg7[%swap3A_29, %swap3A_30], %slice3A_28 {strides = array<i32>} : memref<1000x128xf32, #tpu.memory_space<vmem>>, vector<1000x128xf32>,
    return
  }
  func.func @transform_0(%arg0: i32) -> (i32, i32) {
    %c0_i32 = arith.constant 0 : i32
    %c0_i32_0 = arith.constant 0 : i32
    return %arg0, %c0_i32 : i32, i32
  }
  func.func @transform_1(%arg0: i32) -> (i32, i32) {
    %c0_i32 = arith.constant 0 : i32
    %c0_i32_0 = arith.constant 0 : i32
    return %arg0, %c0_i32 : i32, i32
  }
  func.func @transform_2(%arg0: i32) -> (i32, i32, i32) {
    %c0_i32 = arith.constant 0 : i32
    %c0_i32_0 = arith.constant 0 : i32
    %c0_i32_1 = arith.constant 0 : i32
    return %arg0, %c0_i32, %c0_i32_0 : i32, i32, i32
  }
  func.func @transform_3(%arg0: i32) -> (i32, i32) {
    %c0_i32 = arith.constant 0 : i32
    %c0_i32_0 = arith.constant 0 : i32
    %c0_i32_1 = arith.constant 0 : i32
    return %c0_i32, %c0_i32_0 : i32, i32
  }
  func.func @transform_4(%arg0: i32) -> (i32, i32) {
    %c0_i32 = arith.constant 0 : i32
    %c0_i32_0 = arith.constant 0 : i32
    %c0_i32_1 = arith.constant 0 : i32
    return %c0_i32, %c0_i32_0 : i32, i32
  }
  func.func @transform_5(%arg0: i32) -> (i32, i32) {
    %c0_i32 = arith.constant 0 : i32
    %c0_i32_0 = arith.constant 0 : i32
    return %arg0, %c0_i32 : i32, i32
  }
  func.func @transform_6(%arg0: i32) -> (i32, i32) {
    %c0_i32 = arith.constant 0 : i32
    %c0_i32_0 = arith.constant 0 : i32
    return %arg0, %c0_i32 : i32, i32
  }
}

module attributes {stable_mosaic.version = 14 : i64} {
  func.func @_tc_pool_head_body(%arg0: i32, %arg1: memref<1000x128xf32, #tpu.memory_space<vmem>>, %arg2: memref<1000x128xf32, #tpu.memory_space<vmem>>, %arg3: memref<1x1x1000xf32, #tpu.memory_space<vmem>>, %arg4: memref<1x256xf32, #tpu.memory_space<vmem>>, %arg5: memref<1x1x1000xi32, #tpu.memory_space<vmem>>, %arg6: memref<256x256xf32, #tpu.memory_space<vmem>>, %arg7: memref<1x256xf32, #tpu.memory_space<vmem>>, %arg8: memref<256x128xf32, #tpu.memory_space<vmem>>, %arg9: memref<1x128xf32, #tpu.memory_space<vmem>>, %arg10: memref<64x128xf32, #tpu.memory_space<vmem>>, %arg11: memref<64x256xf32, #tpu.memory_space<vmem>>, %arg12: memref<64x8xf32, #tpu.memory_space<vmem>>) attributes {dimension_semantics = [#tpu.dimension_semantics<arbitrary>], iteration_bounds = array<i64: 10>, scalar_prefetch = 0 : i64, scratch_operands = 2 : i64, tpu.core_type = #tpu.core_type<tc>, window_params = [{transform_indices = @transform_0, window_bounds = array<i64: 1000, 128>}, {transform_indices = @transform_1, window_bounds = array<i64: 1000, 128>}, {transform_indices = @transform_2, window_bounds = array<i64: 1, 1, 1000>}, {pipeline_mode = #tpu.pipeline_mode<synchronous>, transform_indices = @transform_3, window_bounds = array<i64: 1, 256>}, {transform_indices = @transform_4, window_bounds = array<i64: 1, 1, 1000>}, {pipeline_mode = #tpu.pipeline_mode<synchronous>, transform_indices = @transform_5, window_bounds = array<i64: 256, 256>}, {pipeline_mode = #tpu.pipeline_mode<synchronous>, transform_indices = @transform_6, window_bounds = array<i64: 1, 256>}, {pipeline_mode = #tpu.pipeline_mode<synchronous>, transform_indices = @transform_7, window_bounds = array<i64: 256, 128>}, {pipeline_mode = #tpu.pipeline_mode<synchronous>, transform_indices = @transform_8, window_bounds = array<i64: 1, 128>}, {pipeline_mode = #tpu.pipeline_mode<synchronous>, transform_indices = @transform_9, window_bounds = array<i64: 64, 128>}]} {
    %eq3A = arith.constant 0 : i32
    %eq3A_0 = arith.cmpi eq, %arg0, %eq3A : i32
    %convert_element_type3A = arith.extui %eq3A_0 : i1 to i32
    %cond3A = arith.constant 0 : i32
    %cond3A_1 = arith.cmpi ne, %convert_element_type3A, %cond3A : i32
    scf.if %cond3A_1 {
      %broadcast_in_dim3A_54 = arith.constant 0.000000e+00 : f32
      %broadcast_in_dim3A_55 = vector.broadcast %broadcast_in_dim3A_54 : f32 to vector<64x256xf32>
      %swap3A_56 = arith.constant 0 : index
      %swap3A_57 = arith.constant 0 : index
      %swap3A_58 = vector.load %arg11[%swap3A_56, %swap3A_57] : memref<64x256xf32, #tpu.memory_space<vmem>>, vector<64x256xf32>
      tpu.vector_store %arg11[%swap3A_56, %swap3A_57], %broadcast_in_dim3A_55 {strides = array<i32>} : memref<64x256xf32, #tpu.memory_space<vmem>>, vector<64x256xf32>,
      %broadcast_in_dim3A_59 = arith.constant 0.000000e+00 : f32
      %broadcast_in_dim3A_60 = vector.broadcast %broadcast_in_dim3A_59 : f32 to vector<64x8xf32>
      %swap3A_61 = arith.constant 0 : index
      %swap3A_62 = arith.constant 0 : index
      %swap3A_63 = vector.load %arg12[%swap3A_61, %swap3A_62] : memref<64x8xf32, #tpu.memory_space<vmem>>, vector<64x8xf32>
      tpu.vector_store %arg12[%swap3A_61, %swap3A_62], %broadcast_in_dim3A_60 {strides = array<i32>} : memref<64x8xf32, #tpu.memory_space<vmem>>, vector<64x8xf32>,
    } else {
    }
    %get3A = arith.constant 0 : index
    %get3A_2 = arith.constant 0 : index
    %get3A_3 = vector.load %arg1[%get3A, %get3A_2] : memref<1000x128xf32, #tpu.memory_space<vmem>>, vector<1000x128xf32>
    %get3A_4 = arith.constant 0 : index
    %get3A_5 = arith.constant 0 : index
    %get3A_6 = vector.load %arg2[%get3A_4, %get3A_5] : memref<1000x128xf32, #tpu.memory_space<vmem>>, vector<1000x128xf32>
    %concatenate3A = tpu.concatenate %get3A_3, %get3A_6 in 1 : vector<1000x128xf32>, vector<1000x128xf32> -> vector<1000x256xf32>
    %get3A_7 = arith.constant 0 : index
    %get3A_8 = arith.constant 0 : index
    %get3A_9 = arith.constant 0 : index
    %get3A_10 = vector.load %arg3[%get3A_7, %get3A_8, %get3A_9] : memref<1x1x1000xf32, #tpu.memory_space<vmem>>, vector<1x1x1000xf32>
    %get3A_11 = vector.shape_cast %get3A_10 : vector<1x1x1000xf32> to vector<1000xf32>
    %broadcast_in_dim3A = vector.shape_cast %get3A_11 : vector<1000xf32> to vector<1000x1xf32>
    %mul3A = vector.broadcast %broadcast_in_dim3A : vector<1000x1xf32> to vector<1000x256xf32>
    %mul3A_12 = arith.mulf %concatenate3A, %mul3A : vector<1000x256xf32>
    %get3A_13 = arith.constant 0 : index
    %get3A_14 = arith.constant 0 : index
    %get3A_15 = vector.load %arg4[%get3A_13, %get3A_14] : memref<1x256xf32, #tpu.memory_space<vmem>>, vector<1x256xf32>
    %get3A_16 = vector.shape_cast %get3A_15 : vector<1x256xf32> to vector<256xf32>
    %broadcast_in_dim3A_17 = vector.shape_cast %get3A_16 : vector<256xf32> to vector<1x256xf32>
    %add3A = vector.broadcast %broadcast_in_dim3A_17 : vector<1x256xf32> to vector<1000x256xf32>
    %add3A_18 = arith.addf %mul3A_12, %add3A : vector<1000x256xf32>
    %max3A = arith.constant 0.000000e+00 : f32
    %max3A_19 = vector.broadcast %max3A : f32 to vector<1000x256xf32>
    %max3A_20 = arith.maximumf %add3A_18, %max3A_19 : vector<1000x256xf32>
    %get3A_21 = arith.constant 0 : index
    %get3A_22 = arith.constant 0 : index
    %get3A_23 = arith.constant 0 : index
    %get3A_24 = vector.load %arg5[%get3A_21, %get3A_22, %get3A_23] : memref<1x1x1000xi32, #tpu.memory_space<vmem>>, vector<1x1x1000xi32>
    %get3A_25 = vector.shape_cast %get3A_24 : vector<1x1x1000xi32> to vector<1000xi32>
    %iota3A = tpu.iota {dimensions = array<i32: 0>} : vector<64x1000xi32>
    %broadcast_in_dim3A_26 = vector.shape_cast %get3A_25 : vector<1000xi32> to vector<1x1000xi32>
    %eq3A_27 = vector.broadcast %broadcast_in_dim3A_26 : vector<1x1000xi32> to vector<64x1000xi32>
    %eq3A_28 = arith.cmpi eq, %iota3A, %eq3A_27 : vector<64x1000xi32>
    %convert_element_type3A_29 = arith.extui %eq3A_28 : vector<64x1000xi1> to vector<64x1000xi32>
    %convert_element_type3A_30 = arith.sitofp %convert_element_type3A_29 : vector<64x1000xi32> to vector<64x1000xf32>
    %get3A_31 = arith.constant 0 : index
    %get3A_32 = arith.constant 0 : index
    %get3A_33 = vector.load %arg11[%get3A_31, %get3A_32] : memref<64x256xf32, #tpu.memory_space<vmem>>, vector<64x256xf32>
    %dot_general3A = arith.constant dense<0.000000e+00> : vector<64x256xf32>
    %dot_general3A_34 = tpu.matmul %convert_element_type3A_30, %max3A_20, %dot_general3A {dimension_numbers = #tpu.dot_dimension_numbers<[1], [0], [0], [1], [0, 0, 1, 1], [], []>, transpose_lhs_hint = false} : vector<64x1000xf32>, vector<1000x256xf32>, vector<64x256xf32> -> vector<64x256xf32>
    %add3A_35 = arith.addf %get3A_33, %dot_general3A_34 : vector<64x256xf32>
    %swap3A = arith.constant 0 : index
    %swap3A_36 = arith.constant 0 : index
    %swap3A_37 = vector.load %arg11[%swap3A, %swap3A_36] : memref<64x256xf32, #tpu.memory_space<vmem>>, vector<64x256xf32>
    tpu.vector_store %arg11[%swap3A, %swap3A_36], %add3A_35 {strides = array<i32>} : memref<64x256xf32, #tpu.memory_space<vmem>>, vector<64x256xf32>,
    %get3A_38 = arith.constant 0 : index
    %get3A_39 = arith.constant 0 : index
    %get3A_40 = vector.load %arg12[%get3A_38, %get3A_39] : memref<64x8xf32, #tpu.memory_space<vmem>>, vector<64x8xf32>
    %broadcast_in_dim3A_41 = arith.constant 1.000000e+00 : f32
    %broadcast_in_dim3A_42 = vector.broadcast %broadcast_in_dim3A_41 : f32 to vector<1000x8xf32>
    %dot_general3A_43 = arith.constant dense<0.000000e+00> : vector<64x8xf32>
    %dot_general3A_44 = tpu.matmul %convert_element_type3A_30, %broadcast_in_dim3A_42, %dot_general3A_43 {dimension_numbers = #tpu.dot_dimension_numbers<[1], [0], [0], [1], [0, 0, 1, 1], [], []>, transpose_lhs_hint = false} : vector<64x1000xf32>, vector<1000x8xf32>, vector<64x8xf32> -> vector<64x8xf32>
    %add3A_45 = arith.addf %get3A_40, %dot_general3A_44 : vector<64x8xf32>
    %swap3A_46 = arith.constant 0 : index
    %swap3A_47 = arith.constant 0 : index
    %swap3A_48 = vector.load %arg12[%swap3A_46, %swap3A_47] : memref<64x8xf32, #tpu.memory_space<vmem>>, vector<64x8xf32>
    tpu.vector_store %arg12[%swap3A_46, %swap3A_47], %add3A_45 {strides = array<i32>} : memref<64x8xf32, #tpu.memory_space<vmem>>, vector<64x8xf32>,
    %eq3A_49 = arith.constant 9 : i32
    %eq3A_50 = arith.cmpi eq, %arg0, %eq3A_49 : i32
    %convert_element_type3A_51 = arith.extui %eq3A_50 : i1 to i32
    %cond3A_52 = arith.constant 0 : i32
    %cond3A_53 = arith.cmpi ne, %convert_element_type3A_51, %cond3A_52 : i32
    scf.if %cond3A_53 {
      %get3A_54 = arith.constant 0 : index
      %get3A_55 = arith.constant 0 : index
      %get3A_56 = vector.load %arg12[%get3A_54, %get3A_55] : memref<64x8xf32, #tpu.memory_space<vmem>>, vector<64x1xf32>
      %get3A_57 = arith.constant 0 : index
      %get3A_58 = arith.constant 0 : index
      %get3A_59 = vector.load %arg11[%get3A_57, %get3A_58] : memref<64x256xf32, #tpu.memory_space<vmem>>, vector<64x256xf32>
      %max3A_60 = arith.constant 1.000000e+00 : f32
      %max3A_61 = vector.broadcast %max3A_60 : f32 to vector<64x1xf32>
      %max3A_62 = arith.maximumf %get3A_56, %max3A_61 : vector<64x1xf32>
      %div3A = vector.broadcast %max3A_62 : vector<64x1xf32> to vector<64x256xf32>
      %div3A_63 = arith.divf %get3A_59, %div3A : vector<64x256xf32>
      %get3A_64 = arith.constant 0 : index
      %get3A_65 = arith.constant 0 : index
      %get3A_66 = vector.load %arg6[%get3A_64, %get3A_65] : memref<256x256xf32, #tpu.memory_space<vmem>>, vector<256x256xf32>
      %dot_general3A_67 = arith.constant dense<0.000000e+00> : vector<64x256xf32>
      %dot_general3A_68 = tpu.matmul %div3A_63, %get3A_66, %dot_general3A_67 {dimension_numbers = #tpu.dot_dimension_numbers<[1], [0], [0], [1], [0, 0, 1, 1], [], []>, transpose_lhs_hint = false} : vector<64x256xf32>, vector<256x256xf32>, vector<64x256xf32> -> vector<64x256xf32>
      %get3A_69 = arith.constant 0 : index
      %get3A_70 = arith.constant 0 : index
      %get3A_71 = vector.load %arg7[%get3A_69, %get3A_70] : memref<1x256xf32, #tpu.memory_space<vmem>>, vector<1x256xf32>
      %get3A_72 = vector.shape_cast %get3A_71 : vector<1x256xf32> to vector<256xf32>
      %broadcast_in_dim3A_73 = vector.shape_cast %get3A_72 : vector<256xf32> to vector<1x256xf32>
      %add3A_74 = vector.broadcast %broadcast_in_dim3A_73 : vector<1x256xf32> to vector<64x256xf32>
      %add3A_75 = arith.addf %dot_general3A_68, %add3A_74 : vector<64x256xf32>
      %max3A_76 = arith.constant 0.000000e+00 : f32
      %max3A_77 = vector.broadcast %max3A_76 : f32 to vector<64x256xf32>
      %max3A_78 = arith.maximumf %add3A_75, %max3A_77 : vector<64x256xf32>
      %get3A_79 = arith.constant 0 : index
      %get3A_80 = arith.constant 0 : index
      %get3A_81 = vector.load %arg8[%get3A_79, %get3A_80] : memref<256x128xf32, #tpu.memory_space<vmem>>, vector<256x128xf32>
      %dot_general3A_82 = arith.constant dense<0.000000e+00> : vector<64x128xf32>
      %dot_general3A_83 = tpu.matmul %max3A_78, %get3A_81, %dot_general3A_82 {dimension_numbers = #tpu.dot_dimension_numbers<[1], [0], [0], [1], [0, 0, 1, 1], [], []>, transpose_lhs_hint = false} : vector<64x256xf32>, vector<256x128xf32>, vector<64x128xf32> -> vector<64x128xf32>
      %get3A_84 = arith.constant 0 : index
      %get3A_85 = arith.constant 0 : index
      %get3A_86 = vector.load %arg9[%get3A_84, %get3A_85] : memref<1x128xf32, #tpu.memory_space<vmem>>, vector<1x128xf32>
      %get3A_87 = vector.shape_cast %get3A_86 : vector<1x128xf32> to vector<128xf32>
      %broadcast_in_dim3A_88 = vector.shape_cast %get3A_87 : vector<128xf32> to vector<1x128xf32>
      %add3A_89 = vector.broadcast %broadcast_in_dim3A_88 : vector<1x128xf32> to vector<64x128xf32>
      %add3A_90 = arith.addf %dot_general3A_83, %add3A_89 : vector<64x128xf32>
      %swap3A_91 = arith.constant 0 : index
      %swap3A_92 = arith.constant 0 : index
      %swap3A_93 = vector.load %arg10[%swap3A_91, %swap3A_92] : memref<64x128xf32, #tpu.memory_space<vmem>>, vector<64x128xf32>
      tpu.vector_store %arg10[%swap3A_91, %swap3A_92], %add3A_90 {strides = array<i32>} : memref<64x128xf32, #tpu.memory_space<vmem>>, vector<64x128xf32>,
    } else {
    }
    return
  }
  func.func @transform_0(%arg0: i32) -> (i32, i32) {
    %c0_i32 = arith.constant 0 : i32
    %c0_i32_0 = arith.constant 0 : i32
    return %arg0, %c0_i32 : i32, i32
  }
  func.func @transform_1(%arg0: i32) -> (i32, i32) {
    %c0_i32 = arith.constant 0 : i32
    %c0_i32_0 = arith.constant 0 : i32
    return %arg0, %c0_i32 : i32, i32
  }
  func.func @transform_2(%arg0: i32) -> (i32, i32, i32) {
    %c0_i32 = arith.constant 0 : i32
    %c0_i32_0 = arith.constant 0 : i32
    %c0_i32_1 = arith.constant 0 : i32
    return %arg0, %c0_i32, %c0_i32_0 : i32, i32, i32
  }
  func.func @transform_3(%arg0: i32) -> (i32, i32) {
    %c0_i32 = arith.constant 0 : i32
    %c0_i32_0 = arith.constant 0 : i32
    %c0_i32_1 = arith.constant 0 : i32
    return %c0_i32, %c0_i32_0 : i32, i32
  }
  func.func @transform_4(%arg0: i32) -> (i32, i32, i32) {
    %c0_i32 = arith.constant 0 : i32
    %c0_i32_0 = arith.constant 0 : i32
    %c0_i32_1 = arith.constant 0 : i32
    return %arg0, %c0_i32, %c0_i32_0 : i32, i32, i32
  }
  func.func @transform_5(%arg0: i32) -> (i32, i32) {
    %c0_i32 = arith.constant 0 : i32
    %c0_i32_0 = arith.constant 0 : i32
    %c0_i32_1 = arith.constant 0 : i32
    return %c0_i32, %c0_i32_0 : i32, i32
  }
  func.func @transform_6(%arg0: i32) -> (i32, i32) {
    %c0_i32 = arith.constant 0 : i32
    %c0_i32_0 = arith.constant 0 : i32
    %c0_i32_1 = arith.constant 0 : i32
    return %c0_i32, %c0_i32_0 : i32, i32
  }
  func.func @transform_7(%arg0: i32) -> (i32, i32) {
    %c0_i32 = arith.constant 0 : i32
    %c0_i32_0 = arith.constant 0 : i32
    %c0_i32_1 = arith.constant 0 : i32
    return %c0_i32, %c0_i32_0 : i32, i32
  }
  func.func @transform_8(%arg0: i32) -> (i32, i32) {
    %c0_i32 = arith.constant 0 : i32
    %c0_i32_0 = arith.constant 0 : i32
    %c0_i32_1 = arith.constant 0 : i32
    return %c0_i32, %c0_i32_0 : i32, i32
  }
  func.func @transform_9(%arg0: i32) -> (i32, i32) {
    %c0_i32 = arith.constant 0 : i32
    %c0_i32_0 = arith.constant 0 : i32
    %c0_i32_1 = arith.constant 0 : i32
    return %c0_i32, %c0_i32_0 : i32, i32
  }
}

</mosaic_0001>

<sc_bundles>
// kernel: kernel.11.cloned.1.call-start
scs
__scs_entry_jumppad:
0x0: {  	(pc) =	sbr.rel $0x88, $3  }
0x1: {  	(tag) =	ssettag $0x0;
	lr =	simm.s32 $0x1  }
0x2: {  	[smem:$0x3F96] =	sst lr;
	_ =	strace $0xD0000000  }
0x3: {  	_ = 	snop  }
0x4: {  	_ = 	snop  }
0x5: {  	_ = 	snop  }
0x6: {  	_ = 	snop  }
0x7: {  	_ = 	snop  }
__scs_overlays_trampoline_lowered:
0x8: {  	[smem:$0x3FA5] =	sst s0  }
0x9: {  	[smem:$0x3FA6] =	sst s1  }
0xa: {  	[smem:$0x3FA7] =	sst s2  }
0xb: {  	[smem:$0x3FA8] =	sst s3  }
0xc: {  	[smem:$0x3FA9] =	sst s4  }
0xd: {  	[smem:$0x3FAA] =	sst s5  }
0xe: {  	[smem:$0x3FAB] =	sst s6  }
0xf: {  	[smem:$0x3FAC] =	sst s7  }
0x10: {  	[smem:$0x3FAD] =	sst s8  }
0x11: {  	[smem:$0x3FAE] =	sst s9;
	s0 =	simm.s32 @!p0 $0x0  }
0x12: {  	s1 =	sld [smem:$0x3F94];
	s0 =	simm.s32 @p0 $0x1  }
0x13: {  	[smem:$0x3FAF] =	sst s0;
	s0 =	simm.s32 @!p1 $0x0  }
0x14: {  	s2 =	sld [smem:$0x3F93];
	s0 =	simm.s32 @p1 $0x1  }
0x15: {  	[smem:$0x3FB0] =	sst s0;
	s0 =	simm.s32 @!p2 $0x0  }
0x16: {  	s3 =	sld [smem:$0x3FDB];
	s0 =	simm.s32 @p2 $0x1  }
0x17: {  	s4 =	simm.s32 $0x1BF5;
	[smem:$0x3FB2] =	sst s0  }
0x18: {  	s0 =	sld [smem:$0x3F95];
	_ =	swait.ge [sflag:s4], $0x0  }
0x19: {  	s7 =	sld [smem:$0x3F96]  }
0x1a: {  	s8 =	sadd.s32 $0xFFFFE003, lr  }
0x1b: {  	s9 =	sadd.s32 $0xFFFFFEF7, lr;
	s5 =	simm.s32 $0xFFFFFFFF;
	p2 =	slt.u32 s8, $0xFFFFF086  }
0x1c: {  	p1 =	slt.u32 s9, $0xF7A;
	s5 =	simm.s32 @!p2 $0x0  }
0x1d: {  	s5 =	simm.s32 @p1 $0x1;
	p0 =	seq.s32 s7, s2  }
0x1e: {  	s7 =	smul.u32 @!p0 $0xF7A, s2;
	p2 =	seq.s32 @!p0 s5, $0x0  }
0x1f: {  	s9 =	smul.u32 $0xF7A, s1;
	s8 =	simm.s32 @!p0 $0x1BF5;
	p2 =	por !p2, p0  }
0x20: {  	[sflag:s8] =	ssyncset.s32 @!p0 $0xFFFFF086;
	s6 =	sadd.s32 @!p0 s3, s7;
	s7 =	simm.s32 @!p0 $0x108  }
0x21: {  	s3 =	sadd.s32 s3, s9;
	s6 =	sadd.s32 @!p0 $0x88, s6;
	s7 =	simm.s32 @p2 $0x1082  }
0x22: {  	[simem:s7], [sflag:s8] =	dma.local @!p0 [hbm:s6], $0xF7A  }
0x23: {  	s9 =	sor.u32 $0xD0000000, s2;
	s6 =	simm.s32 $0x108;
	_ =	swait.ge @!p0 [sflag:s8], $0x0  }
0x24: {  	s3 =	sadd.s32 $0x88, s3;
	s6 =	simm.s32 @!p1 $0x1082;
	[sflag:s4] =	ssyncset.s32 $0xFFFFF086  }
0x25: {  	[simem:s6], [sflag:s4] =	dma.local [hbm:s3], $0xF7A  }
0x26: {  	[smem:$0x3F96] =	sst s1;
	(tag) =	ssettag s2;
	_ =	strace s9  }
0x27: {  	s1 =	sld [smem:$0x3FA6]  }
0x28: {  	s2 =	sld [smem:$0x3FA7]  }
0x29: {  	s4 =	sld [smem:$0x3FA9]  }
0x2a: {  	p0 =	seq.s32 s5, $0x0;
	s5 =	sld [smem:$0x3FAA]  }
0x2b: {  	s6 =	sld [smem:$0x3FAB]  }
0x2c: {  	s7 =	sld [smem:$0x3FAC]  }
0x2d: {  	s3 =	simm.s32 $0x108;
	s8 =	sld [smem:$0x3FAD]  }
0x2e: {  	s3 =	simm.s32 @!p0 $0x1082;
	s9 =	sld [smem:$0x3FAE]  }
0x2f: {  	lr =	sadd.s32 s0, s3;
	s0 =	sld [smem:$0x3FA5]  }
0x30: {  	s3 =	sld [smem:$0x3FA8]  }
0x31: {  	[smem:$0x3FB1] =	sst s10  }
0x32: {  	s10 =	sld [smem:$0x3FAF];
	_ =	sdelay $0x3  }
0x33: {  	p0 =	seq.s32 s10, $0x1;
	s10 =	sld [smem:$0x3FB1];
	_ =	sdelay $0x3  }
0x34: {  	[smem:$0x3FB1] =	sst s10  }
0x35: {  	s10 =	sld [smem:$0x3FB0];
	_ =	sdelay $0x3  }
0x36: {  	p1 =	seq.s32 s10, $0x1;
	s10 =	sld [smem:$0x3FB1];
	_ =	sdelay $0x3  }
0x37: {  	[smem:$0x3FB1] =	sst s10  }
0x38: {  	s10 =	sld [smem:$0x3FB2]  }
0x39: {  	_ = 	snop;
	(pc) =	sbr.ind lr, $3  }
0x3a: {  	_ = 	snop  }
0x3b: {  	_ = 	snop  }
0x3c: {  	p2 =	seq.s32 s10, $0x1;
	s10 =	sld [smem:$0x3FB1]  }
0x3d: {  	_ =	shalt  }
0x3e: {  	_ =	shalt  }
0x3f: {  	_ =	shalt  }
0x40: {  	_ =	shalt  }
0x41: {  	_ =	shalt  }
0x42: {  	_ =	shalt  }
0x43: {  	_ =	shalt  }
0x44: {  	_ =	shalt  }
0x45: {  	_ =	shalt  }
0x46: {  	_ =	shalt  }
0x47: {  	_ =	shalt  }
0x48: {  	_ =	shalt  }
0x49: {  	_ =	shalt  }
0x4a: {  	_ =	shalt  }
0x4b: {  	_ =	shalt  }
0x4c: {  	_ =	shalt  }
0x4d: {  	_ =	shalt  }
0x4e: {  	_ =	shalt  }
0x4f: {  	_ =	shalt  }
0x50: {  	_ =	shalt  }
0x51: {  	_ =	shalt  }
0x52: {  	_ =	shalt  }
0x53: {  	_ =	shalt  }
0x54: {  	_ =	shalt  }
0x55: {  	_ =	shalt  }
0x56: {  	_ =	shalt  }
0x57: {  	_ =	shalt  }
0x58: {  	_ =	shalt  }
0x59: {  	_ =	shalt  }
0x5a: {  	_ =	shalt  }
0x5b: {  	_ =	shalt  }
0x5c: {  	_ =	shalt  }
0x5d: {  	_ =	shalt  }
0x5e: {  	_ =	shalt  }
0x5f: {  	_ =	shalt  }
0x60: {  	_ =	shalt  }
0x61: {  	_ =	shalt  }
0x62: {  	_ =	shalt  }
0x63: {  	_ =	shalt  }
0x64: {  	_ =	shalt  }
0x65: {  	_ =	shalt  }
0x66: {  	_ =	shalt  }
0x67: {  	_ =	shalt  }
0x68: {  	_ =	shalt  }
0x69: {  	_ =	shalt  }
0x6a: {  	_ =	shalt  }
0x6b: {  	_ =	shalt  }
0x6c: {  	_ =	shalt  }
0x6d: {  	_ =	shalt  }
0x6e: {  	_ =	shalt  }
0x6f: {  	_ =	shalt  }
0x70: {  	_ =	shalt  }
0x71: {  	_ =	shalt  }
0x72: {  	_ =	shalt  }
0x73: {  	_ =	shalt  }
0x74: {  	_ =	shalt  }
0x75: {  	_ =	shalt  }
0x76: {  	_ =	shalt  }
0x77: {  	_ =	shalt  }
0x78: {  	_ =	shalt  }
0x79: {  	_ =	shalt  }
0x7a: {  	_ =	shalt  }
0x7b: {  	_ =	shalt  }
0x7c: {  	_ =	shalt  }
0x7d: {  	_ =	shalt  }
0x7e: {  	_ =	shalt  }
0x7f: {  	_ =	shalt  }
0x80: {  	_ =	shalt  }
0x81: {  	_ =	shalt  }
0x82: {  	_ =	shalt  }
0x83: {  	_ =	shalt  }
0x84: {  	_ =	shalt  }
0x85: {  	_ =	shalt  }
0x86: {  	_ =	shalt  }
0x87: {  	_ =	shalt  }
.Lfunc_end0:
.L_simem_size_0:
called_computation.1_lowered:
.L_overlay_start_0:
0x88: {  	s2 =	sld [smem:$0x3FD9]  }
0x89: {  	s3 =	sld [smem:$0x3FFE];
	_ =	sdelay $0x1  }
0x8a: {  	s1 =	srdreg.scid  }
0x8b: {  	s0 =	sand.u32 $0x1, s1  }
0x8c: {  	s16 =	sshll.u32 s0, $0xA;
	s2 =	sadd.s32 s3, s2  }
0x8d: {  	s2 =	sadd.s32 s2, s16  }
0x8e: {  	[smem:$0x3FBD] =	sst s2  }
0x8f: {  	_ = 	snop  }
0x90: {  	(tm) =	ssettm $0x1  }
0x91: {  	s17 =	sld [smem:$0x3FFB];
	_ =	sdelay $0x3  }
0x92: {  	_ =	strace s17  }
0x93: {  	s2 =	sld [smem:$0x3FFC];
	_ =	sdelay $0x3  }
0x94: {  	_ =	strace s2  }
0x95: {  	s2 =	sld [smem:$0x3FFD];
	_ =	sdelay $0x3  }
0x96: {  	_ =	strace s2  }
0x97: {  	_ =	strace $0x8FFFFFFF  }
0x98: {  	s18 =	sld [smem:$0x3FDB];
	_ =	sdelay $0x1  }
0x99: {  	s19 =	simm.s32 $_scs_section_size  }
0x9a: {  	s4 =	simm.s32 $_size__tile_overlayer_lowered;
	s5 =	simm.s32 $_tile_overlayer_lowered  }
0x9b: {  	s22 =	simm.s32 $0x1BFF;
	s21 =	sshll.u32 s5, $0x1;
	s2 =	sadd.s32 s19, s18  }
0x9c: {  	s6 =	simm.s32 $0x0;
	s20 =	sshll.u32 s4, $0x1;
	s4 =	sadd.s32 s21, s2  }
0x9d: {  	[timem:s6], [sflag:s22] =	dma.local [hbm:s4], s20  }
0x9e: {  	_ =	swait.ge [sflag:s22], s20  }
0x9f: {  	s3 =	ssub.s32 $0x0, s20;
	[sflag:s22] =	ssyncset.done $0x0  }
0xa0: {  	[sflag:s22] =	ssyncadd.s32 s3;
	_ =	sdelay $0x1  }
0xa1: {  	s23 =	simm.s32 $0x1B8B  }
0xa2: {  	_ =	swait.ge [sflag:s23], $0x1  }
0xa3: {  	[sflag:s23] =	ssyncset.done $0x0  }
0xa4: {  	s25 =	simm.s32 $0x1B8E;
	s24 =	sld [smem:$0x3FFE];
	[sflag:s23] =	ssyncadd.s32 $0xFFFFFFFF  }
0xa5: {  	s26 =	simm.s32 $execute0_lowered;
	[smem:$0x3FD2] =	sst s25  }
0xa6: {  	s4 =	sshll.u32 s26, $0x1;
	_ =	strace $0x80000049;
	[dreg:$0x1] =	wrdreg $0xFFFFFFFF  }
0xa7: {  	s28 =	simm.s32 $_size_execute0_lowered;
	s2 =	sadd.s32 s2, s4;
	[dreg:$0x0] =	wrdreg $0x0  }
0xa8: {  	s4 =	sshll.u32 s28, $0x1;
	[dreg:$0x2] =	wrdreg s2  }
0xa9: {  	[dreg:$0x3] =	wrdreg s4  }
0xaa: {  	[dreg:$0x4] =	wrdreg $0xC0  }
0xab: {  	_ =	task [dreg:s6], $0x5FFFF  }
0xac: {  	[dreg:$0x1] =	wrdreg $0xFFFFFFFF  }
0xad: {  	[dreg:$0x0] =	wrdreg $0x60  }
0xae: {  	[dreg:$0x2] =	wrdreg s24  }
0xaf: {  	[dreg:$0x3] =	wrdreg $0x0  }
0xb0: {  	[dreg:$0x4] =	wrdreg $0x9  }
0xb1: {  	_ =	task.clear_ibuf [dreg:s6], $0x5FFFF;
	_ =	strace $0x90000049  }
0xb2: {  	s29 =	simm.s32 $0x9;
	_ =	strace $0x8000004B  }
0xb3: {  	_ =	swait.ge [sflag:s29], $0x1  }
0xb4: {  	[sflag:s29] =	ssyncadd.s32 $0xFFFFFFFF  }
0xb5: {  	_ =	strace $0x9000004B  }
0xb6: {  	_ =	sfence  }
0xb7: {  	s30 =	sld [smem:$0x0];
	_ =	sdelay $0x2  }
0xb8: {  	s31 =	sshll.u32 s1, $0xD;
	s1 =	sshrl.u32 s1, $0x2  }
0xb9: {  	s3 =	sand.u32 $0x4000, s31;
	s1 =	sadd.s32 s1, s30  }
0xba: {  	s0 =	sor.u32 s3, s0;
	s1 =	sshll.u32 s1, $0x11  }
0xbb: {  	s0 =	sor.u32 s1, s0  }
0xbc: {  	s0 =	sadd.s32 $0x8F2B, s0  }
0xbd: {  	[sflag:s0] =	ssyncadd.remote.s32 $0x1  }
0xbe: {  	_ =	sfence.sel $0xFFFF  }
0xbf: {  	[dreg:$0x0] =	wrdreg $0xFFFFFFFF;
	(pc) =	sbr.abs _section_cstart, $3  }
0xc0: {  	[dreg:$0x1] =	wrdreg $0xFFFFFFFF  }
0xc1: {  	_ =	task.clear_ibuf [dreg:s6], $0x2FFFF;
	_ =	strace $0x9FFFFFFF  }
0xc2: {  	(tm) =	ssettm $0x7FFFFFFF  }
0xc3: {  	_ =	shalt  }
tec
execute0_lowered:
.L_overlay_start_1:
0x0: {  	(tag) =	ssettag $0x1  }
0x1: {  	s0 =	rddreg [dreg:$0x0]  }
0x2: {  	s1 =	rddreg [dreg:$0x1];
	s2 =	simm.s32 $0x0;
	s4 =	srdreg.scid  }
0x3: {  	s18 =	stileid.u32;
	[smem:$0x7FF] =	sst s2;
	s3 =	sadd.s32 $0x2B600, s0  }
0x4: {  	s5 =	sadd.s32 $0x52800, s0;
	s6 =	sadd.s32 $0x21600, s0;
	s4 =	sand.u32 $0x1, s4  }
0x5: {  	s7 =	sadd.s32 $0x17600, s0;
	s19 =	sadd.s32 $0x79A00, s0;
	s9 =	smul.u32 $0x5000, s18  }
0x6: {  	s20 =	sadd.s32 $0xA0C00, s0;
	s29 =	smul.u32 $0xA000, s18;
	s13 =	sor.u32 $0x10, s18  }
0x7: {  	s12 =	sor.u32 $0x20, s18;
	s17 =	sor.u32 $0x30, s18;
	s15 =	smul.u32 $0xA000, s13  }
0x8: {  	s24 =	sor.u32 $0x40, s18;
	_ =	strace $0x8000004A;
	s16 =	smul.u32 $0xA000, s12  }
0x9: {  	s8 =	ssub.s32 $0x2, s4;
	p0 =	seq.s32 s4, $0x1;
	s12 =	smul.u32 $0x500, s12  }
0xa: {  	s22 =	smul.u32 $0xA000, s17;
	[dreg:$0x3] =	wrdreg s19;
	s10 =	sshrl.u32 s8, $0x1  }
0xb: {  	[dreg:$0x4] =	wrdreg s20;
	s26 =	sshrl.u32 s9, $0x3;
	s25 =	ssub.s32 s8, s10  }
0xc: {  	s11 =	sadd.s32 s6, s26;
	s14 =	sadd.s32 s7, s26;
	s4 =	sor.u32 $0x10, s26  }
0xd: {  	s10 =	smul.u32 $0x500, s13;
	s8 =	sshrl.u32 s29, $0x2;
	[dreg:$0x5] =	wrdreg s11  }
0xe: {  	s23 =	sshrl.u32 s15, $0x2;
	[dreg:$0x6] =	wrdreg s14;
	s13 =	sadd.s32 s6, s4  }
0xf: {  	s15 =	sor.u32 $0x60, s18;
	s4 =	sadd.s32 s7, s4;
	[dreg:$0x7] =	wrdreg s13  }
0x10: {  	s0 =	smax.u32 s25, $0x1;
	s11 =	smul.u32 $0x500, s17;
	[dreg:$0x8] =	wrdreg s4  }
0x11: {  	s21 =	sadd.s32 s8, s1;
	s25 =	smul.u32 $0xA000, s24;
	[dreg:$0x9] =	wrdreg s0  }
0x12: {  	s8 =	sadd.s32 s23, s1;
	s29 =	smul.u32 $0xA000, s15;
	[dreg:$0xa] =	wrdreg s21  }
0x13: {  	s26 =	sor.u32 $0x50, s18;
	s23 =	smul.u32 $0x500, s18;
	[dreg:$0xb] =	wrdreg s8  }
0x14: {  	s4 =	sshrl.u32 s16, $0x2;
	s13 =	smul.u32 $0x500, s15;
	s15 =	sadd.s32 s19, s10  }
0x15: {  	s16 =	sor.u32 $0x70, s18;
	s18 =	sadd.s32 s3, s12;
	[dreg:$0x18] =	wrdreg s15  }
0x16: {  	s0 =	sshrl.u32 s22, $0x2;
	s4 =	sadd.s32 s4, s1;
	[dreg:$0x1b] =	wrdreg s18  }
0x17: {  	s14 =	smul.u32 $0xA000, s26;
	s0 =	sadd.s32 s0, s1;
	[dreg:$0xc] =	wrdreg s4  }
0x18: {  	s8 =	sshrl.u32 s25, $0x2;
	s25 =	sadd.s32 s19, s23;
	[dreg:$0xd] =	wrdreg s0  }
0x19: {  	s14 =	sshrl.u32 s14, $0x2;
	s8 =	sadd.s32 s8, s1;
	[dreg:$0x14] =	wrdreg s25  }
0x1a: {  	s17 =	smul.u32 $0xA000, s16;
	s14 =	sadd.s32 s14, s1;
	[dreg:$0xe] =	wrdreg s8  }
0x1b: {  	s4 =	smul.u32 $0x500, s24;
	s24 =	sadd.s32 s3, s23;
	[dreg:$0xf] =	wrdreg s14  }
0x1c: {  	s0 =	sshrl.u32 s29, $0x2;
	s29 =	sadd.s32 s3, s10;
	[dreg:$0x13] =	wrdreg s24  }
0x1d: {  	p1 =	sgt.u32 s16, $0x7C;
	s25 =	sadd.s32 s19, s11;
	[dreg:$0x17] =	wrdreg s29  }
0x1e: {  	p2 =	slt.u32 s16, $0x7D;
	s0 =	sadd.s32 s0, s1;
	[smem:$0x7ED] =	sst s25  }
0x1f: {  	s8 =	smul.u32 $0x500, s26;
	s26 =	sadd.s32 s5, s23;
	[dreg:$0x10] =	wrdreg s0  }
0x20: {  	s14 =	smul.u32 $0x500, s16;
	s16 =	sadd.s32 s5, s10;
	[dreg:$0x15] =	wrdreg s26  }
0x21: {  	s21 =	sshrl.u32 s17, $0x2;
	s17 =	sadd.s32 s20, s10;
	[dreg:$0x19] =	wrdreg s16  }
0x22: {  	s24 =	sadd.s32 s3, s11;
	[dreg:$0x1a] =	wrdreg s17  }
0x23: {  	s29 =	sadd.s32 s20, s11;
	[dreg:$0x1f] =	wrdreg s24  }
0x24: {  	s25 =	sadd.s32 s20, s13;
	[smem:$0x7EF] =	sst s29  }
0x25: {  	s22 =	sadd.s32 s21, s1;
	[smem:$0x7FB] =	sst s25  }
0x26: {  	s0 =	sadd.s32 s20, s23;
	[dreg:$0x11] =	wrdreg s22  }
0x27: {  	s21 =	sadd.s32 s19, s12;
	[dreg:$0x16] =	wrdreg s0  }
0x28: {  	s23 =	sadd.s32 s20, s12;
	[dreg:$0x1c] =	wrdreg s21  }
0x29: {  	s26 =	sadd.s32 s5, s11;
	[dreg:$0x1e] =	wrdreg s23  }
0x2a: {  	s10 =	sadd.s32 s3, s4;
	[smem:$0x7EE] =	sst s26  }
0x2b: {  	s11 =	sadd.s32 s19, s4;
	[smem:$0x7F0] =	sst s10  }
0x2c: {  	s28 =	simm.s32 $0x7;
	s15 =	sadd.s32 s20, s4;
	[smem:$0x7F1] =	sst s11  }
0x2d: {  	s30 =	simm.s32 $0x139C0;
	s24 =	sadd.s32 s5, s13;
	[smem:$0x7F3] =	sst s15  }
0x2e: {  	s31 =	simm.s32 $0x40;
	s25 =	simm.s32 $0x13940;
	[smem:$0x7FA] =	sst s24  }
0x2f: {  	s22 =	sadd.s32 s5, s12;
	s12 =	sadd.s32 s5, s4;
	[dreg:$0x12] =	wrdreg s14  }
0x30: {  	s16 =	sadd.s32 s3, s8;
	s17 =	sadd.s32 s19, s8;
	[dreg:$0x1d] =	wrdreg s22  }
0x31: {  	s18 =	sadd.s32 s5, s8;
	s21 =	sadd.s32 s20, s8;
	[smem:$0x7F2] =	sst s12  }
0x32: {  	s23 =	sadd.s32 s19, s13;
	s26 =	sadd.s32 s3, s14;
	[smem:$0x7F4] =	sst s16  }
0x33: {  	s29 =	sadd.s32 s5, s14;
	s0 =	simm.s32 $0x13AC0;
	[smem:$0x7F5] =	sst s17  }
0x34: {  	s24 =	simm.s32 $0x17AC0;
	s4 =	simm.s32 $0x13980;
	[smem:$0x7F6] =	sst s18  }
.Ltmp0:
0x35: {  	s8 =	simm.s32 $0x19AC0;
	[smem:$0x7F7] =	sst s21;
	(pc) =	sbr.rel .LBB2_1-.Ltmp0, $4  }
0x36: {  	s10 =	simm.s32 $0x1;
	s11 =	simm.s32 $0x80;
	[smem:$0x7F9] =	sst s23  }
0x37: {  	s14 =	simm.s32 $0x5;
	s15 =	simm.s32 $0x0;
	[smem:$0x7FC] =	sst s26  }
0x38: {  	s22 =	sadd.s32 s3, s13;
	[smem:$0x7FD] =	sst s29;
	s26 =	simm.s32 $0x13A40  }
0x39: {  	s12 =	simm.s32 $0x2;
	s13 =	simm.s32 $0x4;
	[smem:$0x7F8] =	sst s22  }
.LBB2_10:
0x3a: {  	s18 =	rddreg [dreg:$0x12]  }
0x3b: {  	s29 =	rddreg [dreg:$0x11]  }
0x3c: {  	s17 =	sadd.s32 s17, s18;
	s18 =	sshrl.u32 s29, $0x3  }
0x3d: {  	[hbm:s17], [sflag:s16] =	dma.local [spmem:s18], $0x500  }
0x3e: {  	_ =	swait.ge [sflag:s28], $0x500  }
0x3f: {  	[sflag:s28] =	ssyncset.done $0x0  }
0x40: {  	[sflag:s28] =	ssyncadd.s32 $0xFFFFFB00  }
.LBB2_11:
0x41: {  	s15 =	sadd.s32 $0x1, s15;
	s16 =	rddreg [dreg:$0x9]  }
0x42: {  	p3 =	sne.s32 s15, s16  }
.Ltmp1:
0x43: {  	_ = 	snop;
	(pc) =	sbr.rel @!p3 .LBB2_12-.Ltmp1, $1  }
0x44: {  	_ =	sdelay $0x3  }
.LBB2_1:
.Ltmp2:
0x45: {  	(pc) =	sbr.rel @!p0 .LBB2_2-.Ltmp2, $4  }
0x46: {  	_ = 	snop  }
0x47: {  	s16 =	stileid.u32;
	s17 =	rddreg [dreg:$0xa]  }
0x48: {  	s18 =	rddreg [dreg:$0x11];
	s16 =	sshll.u32 s16, $0x6  }
0x49: {  	s17 =	sshrl.u32 s17, $0x3;
	s23 =	sshrl.u32 @!p1 s18, $0x3;
	s16 =	sor.u32 $0x1C07, s16  }
0x4a: {  	s18 =	rddreg [dreg:$0x15]  }
0x4b: {  	[spmem:s17], [sflag:s16] =	dma.local [hbm:s18], $0x500  }
0x4c: {  	_ =	swait.ge [sflag:s28], $0x500  }
0x4d: {  	s21 =	rddreg [dreg:$0xb]  }
0x4e: {  	[sflag:s28] =	ssyncset.done $0x0;
	s22 =	rddreg [dreg:$0x19];
	s19 =	sshrl.u32 s21, $0x3  }
0x4f: {  	[sflag:s28] =	ssyncadd.s32 $0xFFFFFB00;
	[smem:$0x7E5] =	sst s19  }
0x50: {  	[spmem:s19], [sflag:s16] =	dma.local [hbm:s22], $0x500  }
0x51: {  	_ =	swait.ge [sflag:s28], $0x500  }
0x52: {  	s20 =	rddreg [dreg:$0xc]  }
0x53: {  	[sflag:s28] =	ssyncset.done $0x0;
	s22 =	rddreg [dreg:$0x1d];
	s21 =	sshrl.u32 s20, $0x3  }
0x54: {  	[sflag:s28] =	ssyncadd.s32 $0xFFFFFB00;
	[smem:$0x7E6] =	sst s21  }
0x55: {  	[spmem:s21], [sflag:s16] =	dma.local [hbm:s22], $0x500  }
0x56: {  	_ =	swait.ge [sflag:s28], $0x500  }
0x57: {  	s20 =	rddreg [dreg:$0xd]  }
0x58: {  	s22 =	sld [smem:$0x7EE]  }
0x59: {  	[sflag:s28] =	ssyncset.done $0x0;
	s21 =	sshrl.u32 s20, $0x3  }
0x5a: {  	[sflag:s28] =	ssyncadd.s32 $0xFFFFFB00;
	[smem:$0x7E7] =	sst s21  }
0x5b: {  	[spmem:s21], [sflag:s16] =	dma.local [hbm:s22], $0x500  }
0x5c: {  	_ =	swait.ge [sflag:s28], $0x500  }
0x5d: {  	s20 =	rddreg [dreg:$0xe]  }
0x5e: {  	s22 =	sld [smem:$0x7F2]  }
0x5f: {  	[sflag:s28] =	ssyncset.done $0x0;
	s21 =	sshrl.u32 s20, $0x3  }
0x60: {  	[sflag:s28] =	ssyncadd.s32 $0xFFFFFB00;
	[smem:$0x7E8] =	sst s21  }
0x61: {  	[spmem:s21], [sflag:s16] =	dma.local [hbm:s22], $0x500  }
0x62: {  	_ =	swait.ge [sflag:s28], $0x500  }
0x63: {  	s20 =	sld [smem:$0x7F6]  }
0x64: {  	[sflag:s28] =	ssyncset.done $0x0;
	s19 =	rddreg [dreg:$0xf]  }
0x65: {  	[sflag:s28] =	ssyncadd.s32 $0xFFFFFB00;
	s22 =	sshrl.u32 s19, $0x3  }
0x66: {  	[spmem:s22], [sflag:s16] =	dma.local [hbm:s20], $0x500  }
0x67: {  	_ =	swait.ge [sflag:s28], $0x500  }
0x68: {  	s19 =	sld [smem:$0x7FA]  }
0x69: {  	[sflag:s28] =	ssyncset.done $0x0;
	s21 =	rddreg [dreg:$0x10]  }
0x6a: {  	[sflag:s28] =	ssyncadd.s32 $0xFFFFFB00;
	s29 =	sshrl.u32 s21, $0x3  }
0x6b: {  	[spmem:s29], [sflag:s16] =	dma.local [hbm:s19], $0x500  }
0x6c: {  	_ =	swait.ge [sflag:s28], $0x500  }
0x6d: {  	s18 =	sld [smem:$0x7FD]  }
0x6e: {  	[sflag:s28] =	ssyncset.done $0x0  }
0x6f: {  	[sflag:s28] =	ssyncadd.s32 $0xFFFFFB00  }
0x70: {  	[spmem:s23], [sflag:s16] =	dma.local @!p1 [hbm:s18], $0x500  }
0x71: {  	s18 =	simm.s32 @!p1 $0x7  }
0x72: {  	_ =	swait.ge @!p1 [sflag:s18], $0x500  }
0x73: {  	[sflag:s18] =	ssyncset.done @!p1 $0x0  }
0x74: {  	[sflag:s18] =	ssyncadd.s32 @!p1 $0xFFFFFB00  }
0x75: {  	[bflag:$0x0] =	sbarrier.arrive $0xFFFF  }
0x76: {  	s21 =	simm.s32 $0x138C0;
	s20 =	rddreg [dreg:$0x5]  }
0x77: {  	[tilespmem:s21], [sflag:$0x7] =	stream.linear.gather [hbm4b:s20+s2], $0x80, $0x38;
	[tilespmem:$0x1BAC0] =	vst v63  }
0x78: {  	_ =	swait.ge [sflag:s28], $0x80  }
0x79: {  	[sflag:s28] =	ssyncset.done $0x0  }
0x7a: {  	s23 =	rddreg [dreg:$0x6];
	[sflag:s28] =	ssyncadd.s32 $0xFFFFFF80  }
0x7b: {  	[tilespmem:s30], [sflag:$0x7] =	stream.linear.gather [hbm4b:s23+s2], $0x80, $0x38;
	[tilespmem:$0x1BAC0] =	vst v63  }
0x7c: {  	_ =	swait.ge [sflag:s28], $0x80  }
0x7d: {  	[sflag:s28] =	ssyncset.done $0x0  }
0x7e: {  	[sflag:s28] =	ssyncadd.s32 $0xFFFFFF80  }
0x7f: {  	[tilespmem:s0], [sflag:$0x1] =	stream.indirect.gather [hbm4b:s5+s31], $0x80, s21, s31, $0xb8;
	[tilespmem:$0x1BAC0] =	vst v63  }
0x80: {  	s19 =	simm.s32 $0x13900;
	s20 =	simm.s32 $0x15AC0  }
0x81: {  	[tilespmem:s20], [sflag:$0x1] =	stream.indirect.gather [hbm4b:s5+s31], $0x80, s19, s31, $0xb8;
	[tilespmem:$0x1BAC0] =	vst v63  }
0x82: {  	s21 =	rddreg [dreg:$0x7]  }
0x83: {  	[tilespmem:s25], [sflag:$0x7] =	stream.linear.gather [hbm4b:s21+s2], $0x80, $0x38;
	[tilespmem:$0x1BAC0] =	vst v63  }
0x84: {  	_ =	swait.ge [sflag:s28], $0x80  }
0x85: {  	[sflag:s28] =	ssyncset.done $0x0  }
0x86: {  	s23 =	rddreg [dreg:$0x8];
	[sflag:s28] =	ssyncadd.s32 $0xFFFFFF80  }
0x87: {  	[tilespmem:s26], [sflag:$0x7] =	stream.linear.gather [hbm4b:s23+s2], $0x80, $0x38;
	[tilespmem:$0x1BAC0] =	vst v63  }
0x88: {  	_ =	swait.ge [sflag:s28], $0x80  }
0x89: {  	[sflag:s28] =	ssyncset.done $0x0  }
0x8a: {  	[sflag:s28] =	ssyncadd.s32 $0xFFFFFF80  }
0x8b: {  	[tilespmem:s24], [sflag:$0x2] =	stream.indirect.gather [hbm4b:s5+s31], $0x80, s25, s31, $0xb8;
	[tilespmem:$0x1BAC0] =	vst v63  }
0x8c: {  	s23 =	simm.s32 $0x180  }
0x8d: {  	[tilespmem:s8], [sflag:$0x2] =	stream.indirect.gather [hbm4b:s5+s31], $0x80, s4, s31, $0xb8;
	[tilespmem:$0x1BAC0] =	vst v63  }
.LBB2_7:
0x8e: {  	p3 =	seq.s32 s23, $0x4F80  }
0x8f: {  	s18 =	sadd.s32 @!p3 $0xFFFFFF80, s23  }
0x90: {  	s19 =	sand.u32 @!p3 $0xFC00, s18  }
0x91: {  	_ =	swait.ge [sflag:s10], $0x4000;
	s18 =	sand.u32 @!p3 $0x300, s18;
	s19 =	sadd.s32 @!p3 s9, s19  }
0x92: {  	[sflag:s10] =	ssyncset.done $0x0;
	p4 =	seq.s32 @!p3 s23, $0x180;
	s18 =	sor.u32 @!p3 s18, s19  }
0x93: {  	[sflag:s10] =	ssyncadd.s32 $0xFFFFC000;
	p5 =	por p3, !p4;
	s20 =	sshrl.u32 @!p3 s18, $0x3  }
0x94: {  	s19 =	simm.s32 @!p3 $0x138C0;
	s18 =	simm.s32 @!p3 $0x0;
	s21 =	sadd.s32 @!p3 s6, s20  }
0x95: {  	[tilespmem:s19], [sflag:$0x3] =	stream.linear.gather @!p3 [hbm4b:s21+s18], $0x80, $0x38;
	[tilespmem:$0x1BAC0] =	vst v63  }
0x96: {  	_ =	swait.ge @p5 [sflag:s14], $0x80  }
0x97: {  	[sflag:s14] =	ssyncset.done @p5 $0x0  }
0x98: {  	[sflag:s14] =	ssyncadd.s32 @p5 $0xFFFFFF80  }
0x99: {  	[spmem:s1] =	stream.indirect.scatter.add.f32 [tilespmem:s0], [sflag:$0x7], $0x80, s30, s11, $0xb8;
	[tilespmem:$0x1BAC0] =	vst v63  }
0x9a: {  	_ =	swait.ge [sflag:s28], $0x4000  }
0x9b: {  	[sflag:s28] =	ssyncset.done $0x0  }
0x9c: {  	s20 =	sadd.s32 @!p3 s7, s20;
	s21 =	simm.s32 @!p3 $0x139C0;
	[sflag:s28] =	ssyncadd.s32 $0xFFFFC000  }
0x9d: {  	[tilespmem:s21], [sflag:$0x5] =	stream.linear.gather @!p3 [hbm4b:s20+s18], $0x80, $0x38;
	[tilespmem:$0x1BAC0] =	vst v63  }
0x9e: {  	s20 =	simm.s32 @!p3 $0x3  }
0x9f: {  	_ =	swait.ge @!p3 [sflag:s20], $0x80  }
0xa0: {  	[sflag:s20] =	ssyncset.done @!p3 $0x0  }
0xa1: {  	s21 =	simm.s32 @!p3 $0x13AC0;
	[sflag:s20] =	ssyncadd.s32 @!p3 $0xFFFFFF80;
	s20 =	simm.s32 @!p3 $0x40  }
0xa2: {  	[tilespmem:s21], [sflag:$0x1] =	stream.indirect.gather @!p3 [hbm4b:s5+s20], $0x80, s19, s20, $0xb8;
	[tilespmem:$0x1BAC0] =	vst v63  }
0xa3: {  	s19 =	simm.s32 @!p3 $0x13900;
	s21 =	simm.s32 @!p3 $0x15AC0  }
0xa4: {  	[tilespmem:s21], [sflag:$0x1] =	stream.indirect.gather @!p3 [hbm4b:s5+s20], $0x80, s19, s20, $0xb8;
	[tilespmem:$0x1BAC0] =	vst v63  }
0xa5: {  	s19 =	sand.u32 @!p3 $0xFC00, s23  }
0xa6: {  	s20 =	sand.u32 @!p3 $0x380, s23;
	s19 =	sadd.s32 @!p3 s9, s19  }
0xa7: {  	p4 =	por @!p3 $0x1, $0x1;
	_ =	swait.ge [sflag:s12], $0x4000;
	s19 =	sor.u32 @!p3 s20, s19  }
0xa8: {  	p4 =	por @p5 $0x0, $0x0;
	[sflag:s12] =	ssyncset.done $0x0;
	s19 =	sshrl.u32 @!p3 s19, $0x3  }
0xa9: {  	s20 =	simm.s32 @!p3 $0x13940;
	[sflag:s12] =	ssyncadd.s32 $0xFFFFC000;
	s19 =	sadd.s32 @!p3 s6, s19  }
0xaa: {  	[tilespmem:s20], [sflag:$0x4] =	stream.linear.gather @!p3 [hbm4b:s19+s18], $0x80, $0x38;
	[tilespmem:$0x1BAC0] =	vst v63  }
0xab: {  	s18 =	simm.s32 @!p4 $0x6  }
0xac: {  	_ =	swait.ge @!p4 [sflag:s18], $0x80  }
0xad: {  	[sflag:s18] =	ssyncset.done @!p4 $0x0  }
.Ltmp3:
0xae: {  	[sflag:s18] =	ssyncadd.s32 @!p4 $0xFFFFFF80;
	(pc) =	sbr.rel @p3 .LBB2_9-.Ltmp3, $4  }
0xaf: {  	[spmem:s1] =	stream.indirect.scatter.add.f32 [tilespmem:s24], [sflag:$0x7], $0x80, s26, s11, $0xb8;
	[tilespmem:$0x1BAC0] =	vst v63  }
0xb0: {  	_ =	swait.ge [sflag:s28], $0x4000  }
0xb1: {  	[sflag:s28] =	ssyncset.done $0x0  }
0xb2: {  	[sflag:s28] =	ssyncadd.s32 $0xFFFFC000  }
0xb3: {  	s18 =	sand.u32 $0xFC00, s23  }
0xb4: {  	s19 =	sand.u32 $0x380, s23;
	s18 =	sadd.s32 s9, s18  }
0xb5: {  	s18 =	sor.u32 s19, s18  }
0xb6: {  	s18 =	sshrl.u32 s18, $0x3  }
0xb7: {  	s18 =	sadd.s32 s7, s18  }
0xb8: {  	[tilespmem:s26], [sflag:$0x6] =	stream.linear.gather [hbm4b:s18+s2], $0x80, $0x38;
	[tilespmem:$0x1BAC0] =	vst v63  }
0xb9: {  	_ =	swait.ge [sflag:s13], $0x80  }
.Ltmp4:
0xba: {  	[sflag:s13] =	ssyncset.done $0x0;
	(pc) =	sbr.rel .LBB2_7-.Ltmp4, $4  }
0xbb: {  	[sflag:s13] =	ssyncadd.s32 $0xFFFFFF80  }
0xbc: {  	[tilespmem:s24], [sflag:$0x2] =	stream.indirect.gather [hbm4b:s5+s31], $0x80, s25, s31, $0xb8;
	[tilespmem:$0x1BAC0] =	vst v63  }
0xbd: {  	s23 =	sadd.s32 $0x100, s23  }
0xbe: {  	[tilespmem:s8], [sflag:$0x2] =	stream.indirect.gather [hbm4b:s5+s31], $0x80, s4, s31, $0xb8;
	[tilespmem:$0x1BAC0] =	vst v63  }
.LBB2_2:
0xbf: {  	s18 =	rddreg [dreg:$0x13]  }
0xc0: {  	[spmem:s17], [sflag:s16] =	dma.local [hbm:s18], $0x500  }
0xc1: {  	_ =	swait.ge [sflag:s28], $0x500  }
0xc2: {  	s21 =	rddreg [dreg:$0xb]  }
0xc3: {  	[sflag:s28] =	ssyncset.done $0x0;
	s22 =	rddreg [dreg:$0x17];
	s19 =	sshrl.u32 s21, $0x3  }
0xc4: {  	[sflag:s28] =	ssyncadd.s32 $0xFFFFFB00;
	[smem:$0x7E9] =	sst s19  }
0xc5: {  	[spmem:s19], [sflag:s16] =	dma.local [hbm:s22], $0x500  }
0xc6: {  	_ =	swait.ge [sflag:s28], $0x500  }
0xc7: {  	s20 =	rddreg [dreg:$0xc]  }
0xc8: {  	[sflag:s28] =	ssyncset.done $0x0;
	s22 =	rddreg [dreg:$0x1b];
	s21 =	sshrl.u32 s20, $0x3  }
0xc9: {  	[sflag:s28] =	ssyncadd.s32 $0xFFFFFB00;
	[smem:$0x7EA] =	sst s21  }
0xca: {  	[spmem:s21], [sflag:s16] =	dma.local [hbm:s22], $0x500  }
0xcb: {  	_ =	swait.ge [sflag:s28], $0x500  }
0xcc: {  	s20 =	rddreg [dreg:$0xd]  }
0xcd: {  	[sflag:s28] =	ssyncset.done $0x0;
	s22 =	rddreg [dreg:$0x1f];
	s21 =	sshrl.u32 s20, $0x3  }
0xce: {  	[sflag:s28] =	ssyncadd.s32 $0xFFFFFB00;
	[smem:$0x7EB] =	sst s21  }
0xcf: {  	[spmem:s21], [sflag:s16] =	dma.local [hbm:s22], $0x500  }
0xd0: {  	_ =	swait.ge [sflag:s28], $0x500  }
0xd1: {  	s20 =	rddreg [dreg:$0xe]  }
0xd2: {  	s22 =	sld [smem:$0x7F0]  }
0xd3: {  	[sflag:s28] =	ssyncset.done $0x0;
	s21 =	sshrl.u32 s20, $0x3  }
0xd4: {  	[sflag:s28] =	ssyncadd.s32 $0xFFFFFB00;
	[smem:$0x7EC] =	sst s21  }
0xd5: {  	[spmem:s21], [sflag:s16] =	dma.local [hbm:s22], $0x500  }
0xd6: {  	_ =	swait.ge [sflag:s28], $0x500  }
0xd7: {  	s20 =	sld [smem:$0x7F4]  }
0xd8: {  	[sflag:s28] =	ssyncset.done $0x0;
	s19 =	rddreg [dreg:$0xf]  }
0xd9: {  	[sflag:s28] =	ssyncadd.s32 $0xFFFFFB00;
	s22 =	sshrl.u32 s19, $0x3  }
0xda: {  	[spmem:s22], [sflag:s16] =	dma.local [hbm:s20], $0x500  }
0xdb: {  	_ =	swait.ge [sflag:s28], $0x500  }
0xdc: {  	s19 =	sld [smem:$0x7F8]  }
0xdd: {  	[sflag:s28] =	ssyncset.done $0x0;
	s21 =	rddreg [dreg:$0x10]  }
0xde: {  	[sflag:s28] =	ssyncadd.s32 $0xFFFFFB00;
	s29 =	sshrl.u32 s21, $0x3  }
0xdf: {  	[spmem:s29], [sflag:s16] =	dma.local [hbm:s19], $0x500  }
0xe0: {  	_ =	swait.ge [sflag:s28], $0x500  }
0xe1: {  	s18 =	sld [smem:$0x7FC]  }
0xe2: {  	[sflag:s28] =	ssyncset.done $0x0  }
0xe3: {  	[sflag:s28] =	ssyncadd.s32 $0xFFFFFB00  }
0xe4: {  	[spmem:s23], [sflag:s16] =	dma.local @!p1 [hbm:s18], $0x500  }
0xe5: {  	s18 =	simm.s32 @!p1 $0x7  }
0xe6: {  	_ =	swait.ge @!p1 [sflag:s18], $0x500  }
0xe7: {  	[sflag:s18] =	ssyncset.done @!p1 $0x0  }
0xe8: {  	[sflag:s18] =	ssyncadd.s32 @!p1 $0xFFFFFB00  }
0xe9: {  	[bflag:$0x0] =	sbarrier.arrive $0xFFFF  }
0xea: {  	s21 =	simm.s32 $0x138C0;
	s20 =	rddreg [dreg:$0x5]  }
0xeb: {  	[tilespmem:s21], [sflag:$0x7] =	stream.linear.gather [hbm4b:s20+s2], $0x80, $0x38;
	[tilespmem:$0x1BAC0] =	vst v63  }
0xec: {  	_ =	swait.ge [sflag:s28], $0x80  }
0xed: {  	[sflag:s28] =	ssyncset.done $0x0  }
0xee: {  	s23 =	rddreg [dreg:$0x6];
	[sflag:s28] =	ssyncadd.s32 $0xFFFFFF80  }
0xef: {  	[tilespmem:s30], [sflag:$0x7] =	stream.linear.gather [hbm4b:s23+s2], $0x80, $0x38;
	[tilespmem:$0x1BAC0] =	vst v63  }
0xf0: {  	_ =	swait.ge [sflag:s28], $0x80  }
0xf1: {  	[sflag:s28] =	ssyncset.done $0x0  }
0xf2: {  	[sflag:s28] =	ssyncadd.s32 $0xFFFFFF80  }
0xf3: {  	[tilespmem:s0], [sflag:$0x1] =	stream.indirect.gather [hbm4b:s3+s31], $0x80, s21, s31, $0xb8;
	[tilespmem:$0x1BAC0] =	vst v63  }
0xf4: {  	s19 =	simm.s32 $0x13900;
	s20 =	simm.s32 $0x15AC0  }
0xf5: {  	[tilespmem:s20], [sflag:$0x1] =	stream.indirect.gather [hbm4b:s3+s31], $0x80, s19, s31, $0xb8;
	[tilespmem:$0x1BAC0] =	vst v63  }
0xf6: {  	s21 =	rddreg [dreg:$0x7]  }
0xf7: {  	[tilespmem:s25], [sflag:$0x7] =	stream.linear.gather [hbm4b:s21+s2], $0x80, $0x38;
	[tilespmem:$0x1BAC0] =	vst v63  }
0xf8: {  	_ =	swait.ge [sflag:s28], $0x80  }
0xf9: {  	[sflag:s28] =	ssyncset.done $0x0  }
0xfa: {  	s23 =	rddreg [dreg:$0x8];
	[sflag:s28] =	ssyncadd.s32 $0xFFFFFF80  }
0xfb: {  	[tilespmem:s26], [sflag:$0x7] =	stream.linear.gather [hbm4b:s23+s2], $0x80, $0x38;
	[tilespmem:$0x1BAC0] =	vst v63  }
0xfc: {  	_ =	swait.ge [sflag:s28], $0x80  }
0xfd: {  	[sflag:s28] =	ssyncset.done $0x0  }
0xfe: {  	[sflag:s28] =	ssyncadd.s32 $0xFFFFFF80  }
0xff: {  	[tilespmem:s24], [sflag:$0x2] =	stream.indirect.gather [hbm4b:s3+s31], $0x80, s25, s31, $0xb8;
	[tilespmem:$0x1BAC0] =	vst v63  }
0x100: {  	s23 =	simm.s32 $0x180  }
0x101: {  	[tilespmem:s8], [sflag:$0x2] =	stream.indirect.gather [hbm4b:s3+s31], $0x80, s4, s31, $0xb8;
	[tilespmem:$0x1BAC0] =	vst v63  }
.LBB2_3:
0x102: {  	p3 =	seq.s32 s23, $0x4F80  }
0x103: {  	s18 =	sadd.s32 @!p3 $0xFFFFFF80, s23  }
0x104: {  	s19 =	sand.u32 @!p3 $0xFC00, s18  }
0x105: {  	_ =	swait.ge [sflag:s10], $0x4000;
	s18 =	sand.u32 @!p3 $0x300, s18;
	s19 =	sadd.s32 @!p3 s9, s19  }
0x106: {  	[sflag:s10] =	ssyncset.done $0x0;
	p4 =	seq.s32 @!p3 s23, $0x180;
	s18 =	sor.u32 @!p3 s18, s19  }
0x107: {  	[sflag:s10] =	ssyncadd.s32 $0xFFFFC000;
	p5 =	por p3, !p4;
	s20 =	sshrl.u32 @!p3 s18, $0x3  }
0x108: {  	s19 =	simm.s32 @!p3 $0x138C0;
	s18 =	simm.s32 @!p3 $0x0;
	s21 =	sadd.s32 @!p3 s6, s20  }
0x109: {  	[tilespmem:s19], [sflag:$0x3] =	stream.linear.gather @!p3 [hbm4b:s21+s18], $0x80, $0x38;
	[tilespmem:$0x1BAC0] =	vst v63  }
0x10a: {  	_ =	swait.ge @p5 [sflag:s14], $0x80  }
0x10b: {  	[sflag:s14] =	ssyncset.done @p5 $0x0  }
0x10c: {  	[sflag:s14] =	ssyncadd.s32 @p5 $0xFFFFFF80  }
0x10d: {  	[spmem:s1] =	stream.indirect.scatter.add.f32 [tilespmem:s0], [sflag:$0x7], $0x80, s30, s11, $0xb8;
	[tilespmem:$0x1BAC0] =	vst v63  }
0x10e: {  	_ =	swait.ge [sflag:s28], $0x4000  }
0x10f: {  	[sflag:s28] =	ssyncset.done $0x0  }
0x110: {  	s20 =	sadd.s32 @!p3 s7, s20;
	s21 =	simm.s32 @!p3 $0x139C0;
	[sflag:s28] =	ssyncadd.s32 $0xFFFFC000  }
0x111: {  	[tilespmem:s21], [sflag:$0x5] =	stream.linear.gather @!p3 [hbm4b:s20+s18], $0x80, $0x38;
	[tilespmem:$0x1BAC0] =	vst v63  }
0x112: {  	s20 =	simm.s32 @!p3 $0x3  }
0x113: {  	_ =	swait.ge @!p3 [sflag:s20], $0x80  }
0x114: {  	[sflag:s20] =	ssyncset.done @!p3 $0x0  }
0x115: {  	s21 =	simm.s32 @!p3 $0x13AC0;
	[sflag:s20] =	ssyncadd.s32 @!p3 $0xFFFFFF80;
	s20 =	simm.s32 @!p3 $0x40  }
0x116: {  	[tilespmem:s21], [sflag:$0x1] =	stream.indirect.gather @!p3 [hbm4b:s3+s20], $0x80, s19, s20, $0xb8;
	[tilespmem:$0x1BAC0] =	vst v63  }
0x117: {  	s19 =	simm.s32 @!p3 $0x13900;
	s21 =	simm.s32 @!p3 $0x15AC0  }
0x118: {  	[tilespmem:s21], [sflag:$0x1] =	stream.indirect.gather @!p3 [hbm4b:s3+s20], $0x80, s19, s20, $0xb8;
	[tilespmem:$0x1BAC0] =	vst v63  }
0x119: {  	s19 =	sand.u32 @!p3 $0xFC00, s23  }
0x11a: {  	s20 =	sand.u32 @!p3 $0x380, s23;
	s19 =	sadd.s32 @!p3 s9, s19  }
0x11b: {  	p4 =	por @!p3 $0x1, $0x1;
	_ =	swait.ge [sflag:s12], $0x4000;
	s19 =	sor.u32 @!p3 s20, s19  }
0x11c: {  	p4 =	por @p5 $0x0, $0x0;
	[sflag:s12] =	ssyncset.done $0x0;
	s19 =	sshrl.u32 @!p3 s19, $0x3  }
0x11d: {  	s20 =	simm.s32 @!p3 $0x13940;
	[sflag:s12] =	ssyncadd.s32 $0xFFFFC000;
	s19 =	sadd.s32 @!p3 s6, s19  }
0x11e: {  	[tilespmem:s20], [sflag:$0x4] =	stream.linear.gather @!p3 [hbm4b:s19+s18], $0x80, $0x38;
	[tilespmem:$0x1BAC0] =	vst v63  }
0x11f: {  	s18 =	simm.s32 @!p4 $0x6  }
0x120: {  	_ =	swait.ge @!p4 [sflag:s18], $0x80  }
0x121: {  	[sflag:s18] =	ssyncset.done @!p4 $0x0  }
.Ltmp5:
0x122: {  	[sflag:s18] =	ssyncadd.s32 @!p4 $0xFFFFFF80;
	(pc) =	sbr.rel @p3 .LBB2_5-.Ltmp5, $4  }
0x123: {  	[spmem:s1] =	stream.indirect.scatter.add.f32 [tilespmem:s24], [sflag:$0x7], $0x80, s26, s11, $0xb8;
	[tilespmem:$0x1BAC0] =	vst v63  }
0x124: {  	_ =	swait.ge [sflag:s28], $0x4000  }
0x125: {  	[sflag:s28] =	ssyncset.done $0x0  }
0x126: {  	[sflag:s28] =	ssyncadd.s32 $0xFFFFC000  }
0x127: {  	s18 =	sand.u32 $0xFC00, s23  }
0x128: {  	s19 =	sand.u32 $0x380, s23;
	s18 =	sadd.s32 s9, s18  }
0x129: {  	s18 =	sor.u32 s19, s18  }
0x12a: {  	s18 =	sshrl.u32 s18, $0x3  }
0x12b: {  	s18 =	sadd.s32 s7, s18  }
0x12c: {  	[tilespmem:s26], [sflag:$0x6] =	stream.linear.gather [hbm4b:s18+s2], $0x80, $0x38;
	[tilespmem:$0x1BAC0] =	vst v63  }
0x12d: {  	_ =	swait.ge [sflag:s13], $0x80  }
.Ltmp6:
0x12e: {  	[sflag:s13] =	ssyncset.done $0x0;
	(pc) =	sbr.rel .LBB2_3-.Ltmp6, $4  }
0x12f: {  	[sflag:s13] =	ssyncadd.s32 $0xFFFFFF80  }
0x130: {  	[tilespmem:s24], [sflag:$0x2] =	stream.indirect.gather [hbm4b:s3+s31], $0x80, s25, s31, $0xb8;
	[tilespmem:$0x1BAC0] =	vst v63  }
0x131: {  	s23 =	sadd.s32 $0x100, s23  }
0x132: {  	[tilespmem:s8], [sflag:$0x2] =	stream.indirect.gather [hbm4b:s3+s31], $0x80, s4, s31, $0xb8;
	[tilespmem:$0x1BAC0] =	vst v63  }
.LBB2_9:
0x133: {  	[bflag:$0x0] =	sbarrier.arrive $0xFFFF  }
0x134: {  	s18 =	rddreg [dreg:$0x16]  }
0x135: {  	[hbm:s18], [sflag:s16] =	dma.local [spmem:s17], $0x500  }
0x136: {  	_ =	swait.ge [sflag:s28], $0x500  }
0x137: {  	s23 =	sld [smem:$0x7E5]  }
0x138: {  	[sflag:s28] =	ssyncset.done $0x0  }
0x139: {  	s21 =	rddreg [dreg:$0x1a];
	[sflag:s28] =	ssyncadd.s32 $0xFFFFFB00  }
0x13a: {  	[hbm:s21], [sflag:s16] =	dma.local [spmem:s23], $0x500  }
0x13b: {  	_ =	swait.ge [sflag:s28], $0x500  }
0x13c: {  	s20 =	sld [smem:$0x7E6]  }
0x13d: {  	[sflag:s28] =	ssyncset.done $0x0  }
0x13e: {  	s19 =	rddreg [dreg:$0x1e];
	[sflag:s28] =	ssyncadd.s32 $0xFFFFFB00  }
0x13f: {  	[hbm:s19], [sflag:s16] =	dma.local [spmem:s20], $0x500  }
0x140: {  	_ =	swait.ge [sflag:s28], $0x500  }
0x141: {  	s21 =	sld [smem:$0x7EF]  }
0x142: {  	s23 =	sld [smem:$0x7E7]  }
0x143: {  	[sflag:s28] =	ssyncset.done $0x0  }
0x144: {  	[sflag:s28] =	ssyncadd.s32 $0xFFFFFB00  }
0x145: {  	[hbm:s21], [sflag:s16] =	dma.local [spmem:s23], $0x500  }
0x146: {  	_ =	swait.ge [sflag:s28], $0x500  }
0x147: {  	s19 =	sld [smem:$0x7F3]  }
0x148: {  	s20 =	sld [smem:$0x7E8]  }
0x149: {  	[sflag:s28] =	ssyncset.done $0x0  }
0x14a: {  	[sflag:s28] =	ssyncadd.s32 $0xFFFFFB00  }
0x14b: {  	[hbm:s19], [sflag:s16] =	dma.local [spmem:s20], $0x500  }
0x14c: {  	_ =	swait.ge [sflag:s28], $0x500  }
0x14d: {  	s21 =	sld [smem:$0x7F7]  }
0x14e: {  	[sflag:s28] =	ssyncset.done $0x0  }
0x14f: {  	[sflag:s28] =	ssyncadd.s32 $0xFFFFFB00  }
0x150: {  	[hbm:s21], [sflag:s16] =	dma.local [spmem:s22], $0x500  }
0x151: {  	_ =	swait.ge [sflag:s28], $0x500  }
0x152: {  	s23 =	sld [smem:$0x7FB]  }
0x153: {  	[sflag:s28] =	ssyncset.done $0x0  }
0x154: {  	[sflag:s28] =	ssyncadd.s32 $0xFFFFFB00  }
0x155: {  	[hbm:s23], [sflag:s16] =	dma.local [spmem:s29], $0x500  }
.Ltmp7:
0x156: {  	_ = 	snop;
	(pc) =	sbr.rel @p1 .LBB2_11-.Ltmp7, $4  }
.Ltmp8:
0x157: {  	_ = 	snop;
	(pc) =	sbr.rel @!p1 .LBB2_10-.Ltmp8, $4  }
0x158: {  	_ =	swait.ge [sflag:s28], $0x500  }
0x159: {  	[sflag:s28] =	ssyncset.done $0x0  }
0x15a: {  	s17 =	rddreg [dreg:$0x4];
	[sflag:s28] =	ssyncadd.s32 $0xFFFFFB00  }
0x15b: {  	_ = 	snop  }
.LBB2_5:
0x15c: {  	[bflag:$0x0] =	sbarrier.arrive $0xFFFF  }
0x15d: {  	s18 =	rddreg [dreg:$0x14]  }
0x15e: {  	[hbm:s18], [sflag:s16] =	dma.local [spmem:s17], $0x500  }
0x15f: {  	_ =	swait.ge [sflag:s28], $0x500  }
0x160: {  	s23 =	sld [smem:$0x7E9]  }
0x161: {  	[sflag:s28] =	ssyncset.done $0x0  }
0x162: {  	s21 =	rddreg [dreg:$0x18];
	[sflag:s28] =	ssyncadd.s32 $0xFFFFFB00  }
0x163: {  	[hbm:s21], [sflag:s16] =	dma.local [spmem:s23], $0x500  }
0x164: {  	_ =	swait.ge [sflag:s28], $0x500  }
0x165: {  	s20 =	sld [smem:$0x7EA]  }
0x166: {  	[sflag:s28] =	ssyncset.done $0x0  }
0x167: {  	s19 =	rddreg [dreg:$0x1c];
	[sflag:s28] =	ssyncadd.s32 $0xFFFFFB00  }
0x168: {  	[hbm:s19], [sflag:s16] =	dma.local [spmem:s20], $0x500  }
0x169: {  	_ =	swait.ge [sflag:s28], $0x500  }
0x16a: {  	s21 =	sld [smem:$0x7ED]  }
0x16b: {  	s23 =	sld [smem:$0x7EB]  }
0x16c: {  	[sflag:s28] =	ssyncset.done $0x0  }
0x16d: {  	[sflag:s28] =	ssyncadd.s32 $0xFFFFFB00  }
0x16e: {  	[hbm:s21], [sflag:s16] =	dma.local [spmem:s23], $0x500  }
0x16f: {  	_ =	swait.ge [sflag:s28], $0x500  }
0x170: {  	s19 =	sld [smem:$0x7F1]  }
0x171: {  	s20 =	sld [smem:$0x7EC]  }
0x172: {  	[sflag:s28] =	ssyncset.done $0x0  }
0x173: {  	[sflag:s28] =	ssyncadd.s32 $0xFFFFFB00  }
0x174: {  	[hbm:s19], [sflag:s16] =	dma.local [spmem:s20], $0x500  }
0x175: {  	_ =	swait.ge [sflag:s28], $0x500  }
0x176: {  	s21 =	sld [smem:$0x7F5]  }
0x177: {  	[sflag:s28] =	ssyncset.done $0x0  }
0x178: {  	[sflag:s28] =	ssyncadd.s32 $0xFFFFFB00  }
0x179: {  	[hbm:s21], [sflag:s16] =	dma.local [spmem:s22], $0x500  }
0x17a: {  	_ =	swait.ge [sflag:s28], $0x500  }
0x17b: {  	s23 =	sld [smem:$0x7F9]  }
0x17c: {  	[sflag:s28] =	ssyncset.done $0x0  }
0x17d: {  	[sflag:s28] =	ssyncadd.s32 $0xFFFFFB00  }
0x17e: {  	[hbm:s23], [sflag:s16] =	dma.local [spmem:s29], $0x500  }
.Ltmp9:
0x17f: {  	_ = 	snop;
	(pc) =	sbr.rel @p2 .LBB2_10-.Ltmp9, $4  }
.Ltmp10:
0x180: {  	_ = 	snop;
	(pc) =	sbr.rel @!p2 .LBB2_11-.Ltmp10, $4  }
0x181: {  	_ =	swait.ge [sflag:s28], $0x500  }
0x182: {  	[sflag:s28] =	ssyncset.done $0x0  }
0x183: {  	s17 =	rddreg [dreg:$0x3];
	[sflag:s28] =	ssyncadd.s32 $0xFFFFFB00  }
0x184: {  	_ = 	snop  }
.LBB2_12:
0x185: {  	_ =	sfence.sel $0x180000  }
0x186: {  	[bflag:$0x0] =	sbarrier.arrive $0xFFFF  }
0x187: {  	_ =	strace $0x9000004A  }
0x188: {  	s0 =	stileid.u32;
	[bflag:$0x2] =	sbarrier.arrive $0xFFFF  }
0x189: {  	p0 =	sne.s32 s0, $0x0;
	s0 =	rddreg [dreg:$0x2]  }
0x18a: {  	s0 =	sadd.s32 @!p0 $0x100000, s0  }
0x18b: {  	[sflag:s0] =	ssyncadd.tile.s32 @!p0 $0x1;
	_ =	shalt  }
.Lfunc_end2:
_tile_overlayer_lowered:
.L_overlay_start_2:
0x18c: {  	(tag) =	ssettag $0x2  }
0x18d: {  	s0 =	rddreg [dreg:$0x0];
	s2 =	stileid.u32  }
0x18e: {  	s1 =	rddreg [dreg:$0x1];
	p0 =	sne.s32 s2, $0x0  }
0x18f: {  	s3 =	rddreg [dreg:$0x2];
	[bflag:$0x3] =	sbarrier.arrive $0xFFFF;
	s2 =	simm.s32 @!p0 $0x1C07  }
0x190: {  	[timem:s3], [sflag:s2] =	dma.local @!p0 [hbm:s0], s1  }
0x191: {  	s0 =	simm.s32 @!p0 $0x7  }
0x192: {  	_ =	swait.ge @!p0 [sflag:s0], s1  }
0x193: {  	s1 =	ssub.s32 @!p0 $0x0, s1;
	[sflag:s0] =	ssyncset.done @!p0 $0x0  }
0x194: {  	[sflag:s0] =	ssyncadd.s32 @!p0 s1  }
0x195: {  	[bflag:$0x3] =	sbarrier.arrive $0xFFFF  }
0x196: {  	_ =	shalt  }

// kernel: kernel.14.cloned.1.call-start
scs
__scs_entry_jumppad:
0x0: {  	(pc) =	sbr.rel $0x88, $3  }
0x1: {  	(tag) =	ssettag $0x0;
	lr =	simm.s32 $0x1  }
0x2: {  	[smem:$0x3F96] =	sst lr;
	_ =	strace $0xD0000000  }
0x3: {  	_ = 	snop  }
0x4: {  	_ = 	snop  }
0x5: {  	_ = 	snop  }
0x6: {  	_ = 	snop  }
0x7: {  	_ = 	snop  }
__scs_overlays_trampoline_lowered:
0x8: {  	[smem:$0x3FA5] =	sst s0  }
0x9: {  	[smem:$0x3FA6] =	sst s1  }
0xa: {  	[smem:$0x3FA7] =	sst s2  }
0xb: {  	[smem:$0x3FA8] =	sst s3  }
0xc: {  	[smem:$0x3FA9] =	sst s4  }
0xd: {  	[smem:$0x3FAA] =	sst s5  }
0xe: {  	[smem:$0x3FAB] =	sst s6  }
0xf: {  	[smem:$0x3FAC] =	sst s7  }
0x10: {  	[smem:$0x3FAD] =	sst s8  }
0x11: {  	[smem:$0x3FAE] =	sst s9;
	s0 =	simm.s32 @!p0 $0x0  }
0x12: {  	s1 =	sld [smem:$0x3F94];
	s0 =	simm.s32 @p0 $0x1  }
0x13: {  	[smem:$0x3FAF] =	sst s0;
	s0 =	simm.s32 @!p1 $0x0  }
0x14: {  	s2 =	sld [smem:$0x3F93];
	s0 =	simm.s32 @p1 $0x1  }
0x15: {  	[smem:$0x3FB0] =	sst s0;
	s0 =	simm.s32 @!p2 $0x0  }
0x16: {  	s3 =	sld [smem:$0x3FDB];
	s0 =	simm.s32 @p2 $0x1  }
0x17: {  	s4 =	simm.s32 $0x1BF5;
	[smem:$0x3FB2] =	sst s0  }
0x18: {  	s0 =	sld [smem:$0x3F95];
	_ =	swait.ge [sflag:s4], $0x0  }
0x19: {  	s7 =	sld [smem:$0x3F96]  }
0x1a: {  	s8 =	sadd.s32 $0xFFFFE003, lr  }
0x1b: {  	s9 =	sadd.s32 $0xFFFFFEF7, lr;
	s5 =	simm.s32 $0xFFFFFFFF;
	p2 =	slt.u32 s8, $0xFFFFF086  }
0x1c: {  	p1 =	slt.u32 s9, $0xF7A;
	s5 =	simm.s32 @!p2 $0x0  }
0x1d: {  	s5 =	simm.s32 @p1 $0x1;
	p0 =	seq.s32 s7, s2  }
0x1e: {  	s7 =	smul.u32 @!p0 $0xF7A, s2;
	p2 =	seq.s32 @!p0 s5, $0x0  }
0x1f: {  	s9 =	smul.u32 $0xF7A, s1;
	s8 =	simm.s32 @!p0 $0x1BF5;
	p2 =	por !p2, p0  }
0x20: {  	[sflag:s8] =	ssyncset.s32 @!p0 $0xFFFFF086;
	s6 =	sadd.s32 @!p0 s3, s7;
	s7 =	simm.s32 @!p0 $0x108  }
0x21: {  	s3 =	sadd.s32 s3, s9;
	s6 =	sadd.s32 @!p0 $0x88, s6;
	s7 =	simm.s32 @p2 $0x1082  }
0x22: {  	[simem:s7], [sflag:s8] =	dma.local @!p0 [hbm:s6], $0xF7A  }
0x23: {  	s9 =	sor.u32 $0xD0000000, s2;
	s6 =	simm.s32 $0x108;
	_ =	swait.ge @!p0 [sflag:s8], $0x0  }
0x24: {  	s3 =	sadd.s32 $0x88, s3;
	s6 =	simm.s32 @!p1 $0x1082;
	[sflag:s4] =	ssyncset.s32 $0xFFFFF086  }
0x25: {  	[simem:s6], [sflag:s4] =	dma.local [hbm:s3], $0xF7A  }
0x26: {  	[smem:$0x3F96] =	sst s1;
	(tag) =	ssettag s2;
	_ =	strace s9  }
0x27: {  	s1 =	sld [smem:$0x3FA6]  }
0x28: {  	s2 =	sld [smem:$0x3FA7]  }
0x29: {  	s4 =	sld [smem:$0x3FA9]  }
0x2a: {  	p0 =	seq.s32 s5, $0x0;
	s5 =	sld [smem:$0x3FAA]  }
0x2b: {  	s6 =	sld [smem:$0x3FAB]  }
0x2c: {  	s7 =	sld [smem:$0x3FAC]  }
0x2d: {  	s3 =	simm.s32 $0x108;
	s8 =	sld [smem:$0x3FAD]  }
0x2e: {  	s3 =	simm.s32 @!p0 $0x1082;
	s9 =	sld [smem:$0x3FAE]  }
0x2f: {  	lr =	sadd.s32 s0, s3;
	s0 =	sld [smem:$0x3FA5]  }
0x30: {  	s3 =	sld [smem:$0x3FA8]  }
0x31: {  	[smem:$0x3FB1] =	sst s10  }
0x32: {  	s10 =	sld [smem:$0x3FAF];
	_ =	sdelay $0x3  }
0x33: {  	p0 =	seq.s32 s10, $0x1;
	s10 =	sld [smem:$0x3FB1];
	_ =	sdelay $0x3  }
0x34: {  	[smem:$0x3FB1] =	sst s10  }
0x35: {  	s10 =	sld [smem:$0x3FB0];
	_ =	sdelay $0x3  }
0x36: {  	p1 =	seq.s32 s10, $0x1;
	s10 =	sld [smem:$0x3FB1];
	_ =	sdelay $0x3  }
0x37: {  	[smem:$0x3FB1] =	sst s10  }
0x38: {  	s10 =	sld [smem:$0x3FB2]  }
0x39: {  	_ = 	snop;
	(pc) =	sbr.ind lr, $3  }
0x3a: {  	_ = 	snop  }
0x3b: {  	_ = 	snop  }
0x3c: {  	p2 =	seq.s32 s10, $0x1;
	s10 =	sld [smem:$0x3FB1]  }
0x3d: {  	_ =	shalt  }
0x3e: {  	_ =	shalt  }
0x3f: {  	_ =	shalt  }
0x40: {  	_ =	shalt  }
0x41: {  	_ =	shalt  }
0x42: {  	_ =	shalt  }
0x43: {  	_ =	shalt  }
0x44: {  	_ =	shalt  }
0x45: {  	_ =	shalt  }
0x46: {  	_ =	shalt  }
0x47: {  	_ =	shalt  }
0x48: {  	_ =	shalt  }
0x49: {  	_ =	shalt  }
0x4a: {  	_ =	shalt  }
0x4b: {  	_ =	shalt  }
0x4c: {  	_ =	shalt  }
0x4d: {  	_ =	shalt  }
0x4e: {  	_ =	shalt  }
0x4f: {  	_ =	shalt  }
0x50: {  	_ =	shalt  }
0x51: {  	_ =	shalt  }
0x52: {  	_ =	shalt  }
0x53: {  	_ =	shalt  }
0x54: {  	_ =	shalt  }
0x55: {  	_ =	shalt  }
0x56: {  	_ =	shalt  }
0x57: {  	_ =	shalt  }
0x58: {  	_ =	shalt  }
0x59: {  	_ =	shalt  }
0x5a: {  	_ =	shalt  }
0x5b: {  	_ =	shalt  }
0x5c: {  	_ =	shalt  }
0x5d: {  	_ =	shalt  }
0x5e: {  	_ =	shalt  }
0x5f: {  	_ =	shalt  }
0x60: {  	_ =	shalt  }
0x61: {  	_ =	shalt  }
0x62: {  	_ =	shalt  }
0x63: {  	_ =	shalt  }
0x64: {  	_ =	shalt  }
0x65: {  	_ =	shalt  }
0x66: {  	_ =	shalt  }
0x67: {  	_ =	shalt  }
0x68: {  	_ =	shalt  }
0x69: {  	_ =	shalt  }
0x6a: {  	_ =	shalt  }
0x6b: {  	_ =	shalt  }
0x6c: {  	_ =	shalt  }
0x6d: {  	_ =	shalt  }
0x6e: {  	_ =	shalt  }
0x6f: {  	_ =	shalt  }
0x70: {  	_ =	shalt  }
0x71: {  	_ =	shalt  }
0x72: {  	_ =	shalt  }
0x73: {  	_ =	shalt  }
0x74: {  	_ =	shalt  }
0x75: {  	_ =	shalt  }
0x76: {  	_ =	shalt  }
0x77: {  	_ =	shalt  }
0x78: {  	_ =	shalt  }
0x79: {  	_ =	shalt  }
0x7a: {  	_ =	shalt  }
0x7b: {  	_ =	shalt  }
0x7c: {  	_ =	shalt  }
0x7d: {  	_ =	shalt  }
0x7e: {  	_ =	shalt  }
0x7f: {  	_ =	shalt  }
0x80: {  	_ =	shalt  }
0x81: {  	_ =	shalt  }
0x82: {  	_ =	shalt  }
0x83: {  	_ =	shalt  }
0x84: {  	_ =	shalt  }
0x85: {  	_ =	shalt  }
0x86: {  	_ =	shalt  }
0x87: {  	_ =	shalt  }
.Lfunc_end0:
.L_simem_size_0:
called_computation.2_lowered:
.L_overlay_start_0:
0x88: {  	s2 =	sld [smem:$0x3FD9]  }
0x89: {  	s3 =	sld [smem:$0x3FFE];
	_ =	sdelay $0x1  }
0x8a: {  	s1 =	srdreg.scid  }
0x8b: {  	s0 =	sand.u32 $0x1, s1  }
0x8c: {  	s16 =	sshll.u32 s0, $0xA;
	s2 =	sadd.s32 s3, s2  }
0x8d: {  	s2 =	sadd.s32 s2, s16  }
0x8e: {  	[smem:$0x3FBD] =	sst s2  }
0x8f: {  	_ = 	snop  }
0x90: {  	(tm) =	ssettm $0x1  }
0x91: {  	s17 =	sld [smem:$0x3FFB];
	_ =	sdelay $0x3  }
0x92: {  	_ =	strace s17  }
0x93: {  	s2 =	sld [smem:$0x3FFC];
	_ =	sdelay $0x3  }
0x94: {  	_ =	strace s2  }
0x95: {  	s2 =	sld [smem:$0x3FFD];
	_ =	sdelay $0x3  }
0x96: {  	_ =	strace s2  }
0x97: {  	_ =	strace $0x8FFFFFFF  }
0x98: {  	s18 =	sld [smem:$0x3FDB];
	_ =	sdelay $0x1  }
0x99: {  	s19 =	simm.s32 $_scs_section_size  }
0x9a: {  	s4 =	simm.s32 $_size__tile_overlayer_lowered;
	s5 =	simm.s32 $_tile_overlayer_lowered  }
0x9b: {  	s22 =	simm.s32 $0x1BFF;
	s21 =	sshll.u32 s5, $0x1;
	s2 =	sadd.s32 s19, s18  }
0x9c: {  	s6 =	simm.s32 $0x0;
	s20 =	sshll.u32 s4, $0x1;
	s4 =	sadd.s32 s21, s2  }
0x9d: {  	[timem:s6], [sflag:s22] =	dma.local [hbm:s4], s20  }
0x9e: {  	_ =	swait.ge [sflag:s22], s20  }
0x9f: {  	s3 =	ssub.s32 $0x0, s20;
	[sflag:s22] =	ssyncset.done $0x0  }
0xa0: {  	[sflag:s22] =	ssyncadd.s32 s3;
	_ =	sdelay $0x1  }
0xa1: {  	s23 =	simm.s32 $0x1B8B  }
0xa2: {  	_ =	swait.ge [sflag:s23], $0x1  }
0xa3: {  	[sflag:s23] =	ssyncset.done $0x0  }
0xa4: {  	s25 =	simm.s32 $0x1B8E;
	s24 =	sld [smem:$0x3FFE];
	[sflag:s23] =	ssyncadd.s32 $0xFFFFFFFF  }
0xa5: {  	s26 =	simm.s32 $execute0_lowered;
	[smem:$0x3FD2] =	sst s25  }
0xa6: {  	s4 =	sshll.u32 s26, $0x1;
	_ =	strace $0x8000004C;
	[dreg:$0x1] =	wrdreg $0xFFFFFFFF  }
0xa7: {  	s28 =	simm.s32 $_size_execute0_lowered;
	s2 =	sadd.s32 s2, s4;
	[dreg:$0x0] =	wrdreg $0x0  }
0xa8: {  	s4 =	sshll.u32 s28, $0x1;
	[dreg:$0x2] =	wrdreg s2  }
0xa9: {  	[dreg:$0x3] =	wrdreg s4  }
0xaa: {  	[dreg:$0x4] =	wrdreg $0xC0  }
0xab: {  	_ =	task [dreg:s6], $0x5FFFF  }
0xac: {  	[dreg:$0x1] =	wrdreg $0xFFFFFFFF  }
0xad: {  	[dreg:$0x0] =	wrdreg $0x60  }
0xae: {  	[dreg:$0x2] =	wrdreg s24  }
0xaf: {  	[dreg:$0x3] =	wrdreg $0x0  }
0xb0: {  	[dreg:$0x4] =	wrdreg $0x9  }
0xb1: {  	_ =	task.clear_ibuf [dreg:s6], $0x5FFFF;
	_ =	strace $0x9000004C  }
0xb2: {  	s29 =	simm.s32 $0x9;
	_ =	strace $0x8000004E  }
0xb3: {  	_ =	swait.ge [sflag:s29], $0x1  }
0xb4: {  	[sflag:s29] =	ssyncadd.s32 $0xFFFFFFFF  }
0xb5: {  	_ =	strace $0x9000004E  }
0xb6: {  	_ =	sfence  }
0xb7: {  	s30 =	sld [smem:$0x0];
	_ =	sdelay $0x2  }
0xb8: {  	s31 =	sshll.u32 s1, $0xD;
	s1 =	sshrl.u32 s1, $0x2  }
0xb9: {  	s3 =	sand.u32 $0x4000, s31;
	s1 =	sadd.s32 s1, s30  }
0xba: {  	s0 =	sor.u32 s3, s0;
	s1 =	sshll.u32 s1, $0x11  }
0xbb: {  	s0 =	sor.u32 s1, s0  }
0xbc: {  	s0 =	sadd.s32 $0x8F2B, s0  }
0xbd: {  	[sflag:s0] =	ssyncadd.remote.s32 $0x1  }
0xbe: {  	_ =	sfence.sel $0xFFFF  }
0xbf: {  	[dreg:$0x0] =	wrdreg $0xFFFFFFFF;
	(pc) =	sbr.abs _section_cstart, $3  }
0xc0: {  	[dreg:$0x1] =	wrdreg $0xFFFFFFFF  }
0xc1: {  	_ =	task.clear_ibuf [dreg:s6], $0x2FFFF;
	_ =	strace $0x9FFFFFFF  }
0xc2: {  	(tm) =	ssettm $0x7FFFFFFF  }
0xc3: {  	_ =	shalt  }
tec
execute0_lowered:
.L_overlay_start_1:
0x0: {  	(tag) =	ssettag $0x1  }
0x1: {  	s0 =	rddreg [dreg:$0x0]  }
0x2: {  	s1 =	rddreg [dreg:$0x1];
	s2 =	simm.s32 $0x0;
	s4 =	srdreg.scid  }
0x3: {  	s18 =	stileid.u32;
	[smem:$0x7FF] =	sst s2;
	s3 =	sadd.s32 $0x2B600, s0  }
0x4: {  	s5 =	sadd.s32 $0x52800, s0;
	s6 =	sadd.s32 $0x21600, s0;
	s4 =	sand.u32 $0x1, s4  }
0x5: {  	s7 =	sadd.s32 $0x17600, s0;
	s19 =	sadd.s32 $0x79A00, s0;
	s9 =	smul.u32 $0x5000, s18  }
0x6: {  	s20 =	sadd.s32 $0xA0C00, s0;
	s29 =	smul.u32 $0xA000, s18;
	s13 =	sor.u32 $0x10, s18  }
0x7: {  	s12 =	sor.u32 $0x20, s18;
	s17 =	sor.u32 $0x30, s18;
	s15 =	smul.u32 $0xA000, s13  }
0x8: {  	s24 =	sor.u32 $0x40, s18;
	_ =	strace $0x8000004D;
	s16 =	smul.u32 $0xA000, s12  }
0x9: {  	s8 =	ssub.s32 $0x2, s4;
	p0 =	seq.s32 s4, $0x1;
	s12 =	smul.u32 $0x500, s12  }
0xa: {  	s22 =	smul.u32 $0xA000, s17;
	[dreg:$0x3] =	wrdreg s19;
	s10 =	sshrl.u32 s8, $0x1  }
0xb: {  	[dreg:$0x4] =	wrdreg s20;
	s26 =	sshrl.u32 s9, $0x3;
	s25 =	ssub.s32 s8, s10  }
0xc: {  	s11 =	sadd.s32 s6, s26;
	s14 =	sadd.s32 s7, s26;
	s4 =	sor.u32 $0x10, s26  }
0xd: {  	s10 =	smul.u32 $0x500, s13;
	s8 =	sshrl.u32 s29, $0x2;
	[dreg:$0x5] =	wrdreg s11  }
0xe: {  	s23 =	sshrl.u32 s15, $0x2;
	[dreg:$0x6] =	wrdreg s14;
	s13 =	sadd.s32 s6, s4  }
0xf: {  	s15 =	sor.u32 $0x60, s18;
	s4 =	sadd.s32 s7, s4;
	[dreg:$0x7] =	wrdreg s13  }
0x10: {  	s0 =	smax.u32 s25, $0x1;
	s11 =	smul.u32 $0x500, s17;
	[dreg:$0x8] =	wrdreg s4  }
0x11: {  	s21 =	sadd.s32 s8, s1;
	s25 =	smul.u32 $0xA000, s24;
	[dreg:$0x9] =	wrdreg s0  }
0x12: {  	s8 =	sadd.s32 s23, s1;
	s29 =	smul.u32 $0xA000, s15;
	[dreg:$0xa] =	wrdreg s21  }
0x13: {  	s26 =	sor.u32 $0x50, s18;
	s23 =	smul.u32 $0x500, s18;
	[dreg:$0xb] =	wrdreg s8  }
0x14: {  	s4 =	sshrl.u32 s16, $0x2;
	s13 =	smul.u32 $0x500, s15;
	s15 =	sadd.s32 s19, s10  }
0x15: {  	s16 =	sor.u32 $0x70, s18;
	s18 =	sadd.s32 s3, s12;
	[dreg:$0x18] =	wrdreg s15  }
0x16: {  	s0 =	sshrl.u32 s22, $0x2;
	s4 =	sadd.s32 s4, s1;
	[dreg:$0x1b] =	wrdreg s18  }
0x17: {  	s14 =	smul.u32 $0xA000, s26;
	s0 =	sadd.s32 s0, s1;
	[dreg:$0xc] =	wrdreg s4  }
0x18: {  	s8 =	sshrl.u32 s25, $0x2;
	s25 =	sadd.s32 s19, s23;
	[dreg:$0xd] =	wrdreg s0  }
0x19: {  	s14 =	sshrl.u32 s14, $0x2;
	s8 =	sadd.s32 s8, s1;
	[dreg:$0x14] =	wrdreg s25  }
0x1a: {  	s17 =	smul.u32 $0xA000, s16;
	s14 =	sadd.s32 s14, s1;
	[dreg:$0xe] =	wrdreg s8  }
0x1b: {  	s4 =	smul.u32 $0x500, s24;
	s24 =	sadd.s32 s3, s23;
	[dreg:$0xf] =	wrdreg s14  }
0x1c: {  	s0 =	sshrl.u32 s29, $0x2;
	s29 =	sadd.s32 s3, s10;
	[dreg:$0x13] =	wrdreg s24  }
0x1d: {  	p1 =	sgt.u32 s16, $0x7C;
	s25 =	sadd.s32 s19, s11;
	[dreg:$0x17] =	wrdreg s29  }
0x1e: {  	p2 =	slt.u32 s16, $0x7D;
	s0 =	sadd.s32 s0, s1;
	[smem:$0x7ED] =	sst s25  }
0x1f: {  	s8 =	smul.u32 $0x500, s26;
	s26 =	sadd.s32 s5, s23;
	[dreg:$0x10] =	wrdreg s0  }
0x20: {  	s14 =	smul.u32 $0x500, s16;
	s16 =	sadd.s32 s5, s10;
	[dreg:$0x15] =	wrdreg s26  }
0x21: {  	s21 =	sshrl.u32 s17, $0x2;
	s17 =	sadd.s32 s20, s10;
	[dreg:$0x19] =	wrdreg s16  }
0x22: {  	s24 =	sadd.s32 s3, s11;
	[dreg:$0x1a] =	wrdreg s17  }
0x23: {  	s29 =	sadd.s32 s20, s11;
	[dreg:$0x1f] =	wrdreg s24  }
0x24: {  	s25 =	sadd.s32 s20, s13;
	[smem:$0x7EF] =	sst s29  }
0x25: {  	s22 =	sadd.s32 s21, s1;
	[smem:$0x7FB] =	sst s25  }
0x26: {  	s0 =	sadd.s32 s20, s23;
	[dreg:$0x11] =	wrdreg s22  }
0x27: {  	s21 =	sadd.s32 s19, s12;
	[dreg:$0x16] =	wrdreg s0  }
0x28: {  	s23 =	sadd.s32 s20, s12;
	[dreg:$0x1c] =	wrdreg s21  }
0x29: {  	s26 =	sadd.s32 s5, s11;
	[dreg:$0x1e] =	wrdreg s23  }
0x2a: {  	s10 =	sadd.s32 s3, s4;
	[smem:$0x7EE] =	sst s26  }
0x2b: {  	s11 =	sadd.s32 s19, s4;
	[smem:$0x7F0] =	sst s10  }
0x2c: {  	s28 =	simm.s32 $0x7;
	s15 =	sadd.s32 s20, s4;
	[smem:$0x7F1] =	sst s11  }
0x2d: {  	s30 =	simm.s32 $0x139C0;
	s24 =	sadd.s32 s5, s13;
	[smem:$0x7F3] =	sst s15  }
0x2e: {  	s31 =	simm.s32 $0x40;
	s25 =	simm.s32 $0x13940;
	[smem:$0x7FA] =	sst s24  }
0x2f: {  	s22 =	sadd.s32 s5, s12;
	s12 =	sadd.s32 s5, s4;
	[dreg:$0x12] =	wrdreg s14  }
0x30: {  	s16 =	sadd.s32 s3, s8;
	s17 =	sadd.s32 s19, s8;
	[dreg:$0x1d] =	wrdreg s22  }
0x31: {  	s18 =	sadd.s32 s5, s8;
	s21 =	sadd.s32 s20, s8;
	[smem:$0x7F2] =	sst s12  }
0x32: {  	s23 =	sadd.s32 s19, s13;
	s26 =	sadd.s32 s3, s14;
	[smem:$0x7F4] =	sst s16  }
0x33: {  	s29 =	sadd.s32 s5, s14;
	s0 =	simm.s32 $0x13AC0;
	[smem:$0x7F5] =	sst s17  }
0x34: {  	s24 =	simm.s32 $0x17AC0;
	s4 =	simm.s32 $0x13980;
	[smem:$0x7F6] =	sst s18  }
.Ltmp0:
0x35: {  	s8 =	simm.s32 $0x19AC0;
	[smem:$0x7F7] =	sst s21;
	(pc) =	sbr.rel .LBB2_1-.Ltmp0, $4  }
0x36: {  	s10 =	simm.s32 $0x1;
	s11 =	simm.s32 $0x80;
	[smem:$0x7F9] =	sst s23  }
0x37: {  	s14 =	simm.s32 $0x5;
	s15 =	simm.s32 $0x0;
	[smem:$0x7FC] =	sst s26  }
0x38: {  	s22 =	sadd.s32 s3, s13;
	[smem:$0x7FD] =	sst s29;
	s26 =	simm.s32 $0x13A40  }
0x39: {  	s12 =	simm.s32 $0x2;
	s13 =	simm.s32 $0x4;
	[smem:$0x7F8] =	sst s22  }
.LBB2_10:
0x3a: {  	s18 =	rddreg [dreg:$0x12]  }
0x3b: {  	s29 =	rddreg [dreg:$0x11]  }
0x3c: {  	s17 =	sadd.s32 s17, s18;
	s18 =	sshrl.u32 s29, $0x3  }
0x3d: {  	[hbm:s17], [sflag:s16] =	dma.local [spmem:s18], $0x500  }
0x3e: {  	_ =	swait.ge [sflag:s28], $0x500  }
0x3f: {  	[sflag:s28] =	ssyncset.done $0x0  }
0x40: {  	[sflag:s28] =	ssyncadd.s32 $0xFFFFFB00  }
.LBB2_11:
0x41: {  	s15 =	sadd.s32 $0x1, s15;
	s16 =	rddreg [dreg:$0x9]  }
0x42: {  	p3 =	sne.s32 s15, s16  }
.Ltmp1:
0x43: {  	_ = 	snop;
	(pc) =	sbr.rel @!p3 .LBB2_12-.Ltmp1, $1  }
0x44: {  	_ =	sdelay $0x3  }
.LBB2_1:
.Ltmp2:
0x45: {  	(pc) =	sbr.rel @!p0 .LBB2_2-.Ltmp2, $4  }
0x46: {  	_ = 	snop  }
0x47: {  	s16 =	stileid.u32;
	s17 =	rddreg [dreg:$0xa]  }
0x48: {  	s18 =	rddreg [dreg:$0x11];
	s16 =	sshll.u32 s16, $0x6  }
0x49: {  	s17 =	sshrl.u32 s17, $0x3;
	s23 =	sshrl.u32 @!p1 s18, $0x3;
	s16 =	sor.u32 $0x1C07, s16  }
0x4a: {  	s18 =	rddreg [dreg:$0x15]  }
0x4b: {  	[spmem:s17], [sflag:s16] =	dma.local [hbm:s18], $0x500  }
0x4c: {  	_ =	swait.ge [sflag:s28], $0x500  }
0x4d: {  	s21 =	rddreg [dreg:$0xb]  }
0x4e: {  	[sflag:s28] =	ssyncset.done $0x0;
	s22 =	rddreg [dreg:$0x19];
	s19 =	sshrl.u32 s21, $0x3  }
0x4f: {  	[sflag:s28] =	ssyncadd.s32 $0xFFFFFB00;
	[smem:$0x7E5] =	sst s19  }
0x50: {  	[spmem:s19], [sflag:s16] =	dma.local [hbm:s22], $0x500  }
0x51: {  	_ =	swait.ge [sflag:s28], $0x500  }
0x52: {  	s20 =	rddreg [dreg:$0xc]  }
0x53: {  	[sflag:s28] =	ssyncset.done $0x0;
	s22 =	rddreg [dreg:$0x1d];
	s21 =	sshrl.u32 s20, $0x3  }
0x54: {  	[sflag:s28] =	ssyncadd.s32 $0xFFFFFB00;
	[smem:$0x7E6] =	sst s21  }
0x55: {  	[spmem:s21], [sflag:s16] =	dma.local [hbm:s22], $0x500  }
0x56: {  	_ =	swait.ge [sflag:s28], $0x500  }
0x57: {  	s20 =	rddreg [dreg:$0xd]  }
0x58: {  	s22 =	sld [smem:$0x7EE]  }
0x59: {  	[sflag:s28] =	ssyncset.done $0x0;
	s21 =	sshrl.u32 s20, $0x3  }
0x5a: {  	[sflag:s28] =	ssyncadd.s32 $0xFFFFFB00;
	[smem:$0x7E7] =	sst s21  }
0x5b: {  	[spmem:s21], [sflag:s16] =	dma.local [hbm:s22], $0x500  }
0x5c: {  	_ =	swait.ge [sflag:s28], $0x500  }
0x5d: {  	s20 =	rddreg [dreg:$0xe]  }
0x5e: {  	s22 =	sld [smem:$0x7F2]  }
0x5f: {  	[sflag:s28] =	ssyncset.done $0x0;
	s21 =	sshrl.u32 s20, $0x3  }
0x60: {  	[sflag:s28] =	ssyncadd.s32 $0xFFFFFB00;
	[smem:$0x7E8] =	sst s21  }
0x61: {  	[spmem:s21], [sflag:s16] =	dma.local [hbm:s22], $0x500  }
0x62: {  	_ =	swait.ge [sflag:s28], $0x500  }
0x63: {  	s20 =	sld [smem:$0x7F6]  }
0x64: {  	[sflag:s28] =	ssyncset.done $0x0;
	s19 =	rddreg [dreg:$0xf]  }
0x65: {  	[sflag:s28] =	ssyncadd.s32 $0xFFFFFB00;
	s22 =	sshrl.u32 s19, $0x3  }
0x66: {  	[spmem:s22], [sflag:s16] =	dma.local [hbm:s20], $0x500  }
0x67: {  	_ =	swait.ge [sflag:s28], $0x500  }
0x68: {  	s19 =	sld [smem:$0x7FA]  }
0x69: {  	[sflag:s28] =	ssyncset.done $0x0;
	s21 =	rddreg [dreg:$0x10]  }
0x6a: {  	[sflag:s28] =	ssyncadd.s32 $0xFFFFFB00;
	s29 =	sshrl.u32 s21, $0x3  }
0x6b: {  	[spmem:s29], [sflag:s16] =	dma.local [hbm:s19], $0x500  }
0x6c: {  	_ =	swait.ge [sflag:s28], $0x500  }
0x6d: {  	s18 =	sld [smem:$0x7FD]  }
0x6e: {  	[sflag:s28] =	ssyncset.done $0x0  }
0x6f: {  	[sflag:s28] =	ssyncadd.s32 $0xFFFFFB00  }
0x70: {  	[spmem:s23], [sflag:s16] =	dma.local @!p1 [hbm:s18], $0x500  }
0x71: {  	s18 =	simm.s32 @!p1 $0x7  }
0x72: {  	_ =	swait.ge @!p1 [sflag:s18], $0x500  }
0x73: {  	[sflag:s18] =	ssyncset.done @!p1 $0x0  }
0x74: {  	[sflag:s18] =	ssyncadd.s32 @!p1 $0xFFFFFB00  }
0x75: {  	[bflag:$0x0] =	sbarrier.arrive $0xFFFF  }
0x76: {  	s21 =	simm.s32 $0x138C0;
	s20 =	rddreg [dreg:$0x5]  }
0x77: {  	[tilespmem:s21], [sflag:$0x7] =	stream.linear.gather [hbm4b:s20+s2], $0x80, $0x38;
	[tilespmem:$0x1BAC0] =	vst v63  }
0x78: {  	_ =	swait.ge [sflag:s28], $0x80  }
0x79: {  	[sflag:s28] =	ssyncset.done $0x0  }
0x7a: {  	s23 =	rddreg [dreg:$0x6];
	[sflag:s28] =	ssyncadd.s32 $0xFFFFFF80  }
0x7b: {  	[tilespmem:s30], [sflag:$0x7] =	stream.linear.gather [hbm4b:s23+s2], $0x80, $0x38;
	[tilespmem:$0x1BAC0] =	vst v63  }
0x7c: {  	_ =	swait.ge [sflag:s28], $0x80  }
0x7d: {  	[sflag:s28] =	ssyncset.done $0x0  }
0x7e: {  	[sflag:s28] =	ssyncadd.s32 $0xFFFFFF80  }
0x7f: {  	[tilespmem:s0], [sflag:$0x1] =	stream.indirect.gather [hbm4b:s5+s31], $0x80, s21, s31, $0xb8;
	[tilespmem:$0x1BAC0] =	vst v63  }
0x80: {  	s19 =	simm.s32 $0x13900;
	s20 =	simm.s32 $0x15AC0  }
0x81: {  	[tilespmem:s20], [sflag:$0x1] =	stream.indirect.gather [hbm4b:s5+s31], $0x80, s19, s31, $0xb8;
	[tilespmem:$0x1BAC0] =	vst v63  }
0x82: {  	s21 =	rddreg [dreg:$0x7]  }
0x83: {  	[tilespmem:s25], [sflag:$0x7] =	stream.linear.gather [hbm4b:s21+s2], $0x80, $0x38;
	[tilespmem:$0x1BAC0] =	vst v63  }
0x84: {  	_ =	swait.ge [sflag:s28], $0x80  }
0x85: {  	[sflag:s28] =	ssyncset.done $0x0  }
0x86: {  	s23 =	rddreg [dreg:$0x8];
	[sflag:s28] =	ssyncadd.s32 $0xFFFFFF80  }
0x87: {  	[tilespmem:s26], [sflag:$0x7] =	stream.linear.gather [hbm4b:s23+s2], $0x80, $0x38;
	[tilespmem:$0x1BAC0] =	vst v63  }
0x88: {  	_ =	swait.ge [sflag:s28], $0x80  }
0x89: {  	[sflag:s28] =	ssyncset.done $0x0  }
0x8a: {  	[sflag:s28] =	ssyncadd.s32 $0xFFFFFF80  }
0x8b: {  	[tilespmem:s24], [sflag:$0x2] =	stream.indirect.gather [hbm4b:s5+s31], $0x80, s25, s31, $0xb8;
	[tilespmem:$0x1BAC0] =	vst v63  }
0x8c: {  	s23 =	simm.s32 $0x180  }
0x8d: {  	[tilespmem:s8], [sflag:$0x2] =	stream.indirect.gather [hbm4b:s5+s31], $0x80, s4, s31, $0xb8;
	[tilespmem:$0x1BAC0] =	vst v63  }
.LBB2_7:
0x8e: {  	p3 =	seq.s32 s23, $0x4F80  }
0x8f: {  	s18 =	sadd.s32 @!p3 $0xFFFFFF80, s23  }
0x90: {  	s19 =	sand.u32 @!p3 $0xFC00, s18  }
0x91: {  	_ =	swait.ge [sflag:s10], $0x4000;
	s18 =	sand.u32 @!p3 $0x300, s18;
	s19 =	sadd.s32 @!p3 s9, s19  }
0x92: {  	[sflag:s10] =	ssyncset.done $0x0;
	p4 =	seq.s32 @!p3 s23, $0x180;
	s18 =	sor.u32 @!p3 s18, s19  }
0x93: {  	[sflag:s10] =	ssyncadd.s32 $0xFFFFC000;
	p5 =	por p3, !p4;
	s20 =	sshrl.u32 @!p3 s18, $0x3  }
0x94: {  	s19 =	simm.s32 @!p3 $0x138C0;
	s18 =	simm.s32 @!p3 $0x0;
	s21 =	sadd.s32 @!p3 s6, s20  }
0x95: {  	[tilespmem:s19], [sflag:$0x3] =	stream.linear.gather @!p3 [hbm4b:s21+s18], $0x80, $0x38;
	[tilespmem:$0x1BAC0] =	vst v63  }
0x96: {  	_ =	swait.ge @p5 [sflag:s14], $0x80  }
0x97: {  	[sflag:s14] =	ssyncset.done @p5 $0x0  }
0x98: {  	[sflag:s14] =	ssyncadd.s32 @p5 $0xFFFFFF80  }
0x99: {  	[spmem:s1] =	stream.indirect.scatter.add.f32 [tilespmem:s0], [sflag:$0x7], $0x80, s30, s11, $0xb8;
	[tilespmem:$0x1BAC0] =	vst v63  }
0x9a: {  	_ =	swait.ge [sflag:s28], $0x4000  }
0x9b: {  	[sflag:s28] =	ssyncset.done $0x0  }
0x9c: {  	s20 =	sadd.s32 @!p3 s7, s20;
	s21 =	simm.s32 @!p3 $0x139C0;
	[sflag:s28] =	ssyncadd.s32 $0xFFFFC000  }
0x9d: {  	[tilespmem:s21], [sflag:$0x5] =	stream.linear.gather @!p3 [hbm4b:s20+s18], $0x80, $0x38;
	[tilespmem:$0x1BAC0] =	vst v63  }
0x9e: {  	s20 =	simm.s32 @!p3 $0x3  }
0x9f: {  	_ =	swait.ge @!p3 [sflag:s20], $0x80  }
0xa0: {  	[sflag:s20] =	ssyncset.done @!p3 $0x0  }
0xa1: {  	s21 =	simm.s32 @!p3 $0x13AC0;
	[sflag:s20] =	ssyncadd.s32 @!p3 $0xFFFFFF80;
	s20 =	simm.s32 @!p3 $0x40  }
0xa2: {  	[tilespmem:s21], [sflag:$0x1] =	stream.indirect.gather @!p3 [hbm4b:s5+s20], $0x80, s19, s20, $0xb8;
	[tilespmem:$0x1BAC0] =	vst v63  }
0xa3: {  	s19 =	simm.s32 @!p3 $0x13900;
	s21 =	simm.s32 @!p3 $0x15AC0  }
0xa4: {  	[tilespmem:s21], [sflag:$0x1] =	stream.indirect.gather @!p3 [hbm4b:s5+s20], $0x80, s19, s20, $0xb8;
	[tilespmem:$0x1BAC0] =	vst v63  }
0xa5: {  	s19 =	sand.u32 @!p3 $0xFC00, s23  }
0xa6: {  	s20 =	sand.u32 @!p3 $0x380, s23;
	s19 =	sadd.s32 @!p3 s9, s19  }
0xa7: {  	p4 =	por @!p3 $0x1, $0x1;
	_ =	swait.ge [sflag:s12], $0x4000;
	s19 =	sor.u32 @!p3 s20, s19  }
0xa8: {  	p4 =	por @p5 $0x0, $0x0;
	[sflag:s12] =	ssyncset.done $0x0;
	s19 =	sshrl.u32 @!p3 s19, $0x3  }
0xa9: {  	s20 =	simm.s32 @!p3 $0x13940;
	[sflag:s12] =	ssyncadd.s32 $0xFFFFC000;
	s19 =	sadd.s32 @!p3 s6, s19  }
0xaa: {  	[tilespmem:s20], [sflag:$0x4] =	stream.linear.gather @!p3 [hbm4b:s19+s18], $0x80, $0x38;
	[tilespmem:$0x1BAC0] =	vst v63  }
0xab: {  	s18 =	simm.s32 @!p4 $0x6  }
0xac: {  	_ =	swait.ge @!p4 [sflag:s18], $0x80  }
0xad: {  	[sflag:s18] =	ssyncset.done @!p4 $0x0  }
.Ltmp3:
0xae: {  	[sflag:s18] =	ssyncadd.s32 @!p4 $0xFFFFFF80;
	(pc) =	sbr.rel @p3 .LBB2_9-.Ltmp3, $4  }
0xaf: {  	[spmem:s1] =	stream.indirect.scatter.add.f32 [tilespmem:s24], [sflag:$0x7], $0x80, s26, s11, $0xb8;
	[tilespmem:$0x1BAC0] =	vst v63  }
0xb0: {  	_ =	swait.ge [sflag:s28], $0x4000  }
0xb1: {  	[sflag:s28] =	ssyncset.done $0x0  }
0xb2: {  	[sflag:s28] =	ssyncadd.s32 $0xFFFFC000  }
0xb3: {  	s18 =	sand.u32 $0xFC00, s23  }
0xb4: {  	s19 =	sand.u32 $0x380, s23;
	s18 =	sadd.s32 s9, s18  }
0xb5: {  	s18 =	sor.u32 s19, s18  }
0xb6: {  	s18 =	sshrl.u32 s18, $0x3  }
0xb7: {  	s18 =	sadd.s32 s7, s18  }
0xb8: {  	[tilespmem:s26], [sflag:$0x6] =	stream.linear.gather [hbm4b:s18+s2], $0x80, $0x38;
	[tilespmem:$0x1BAC0] =	vst v63  }
0xb9: {  	_ =	swait.ge [sflag:s13], $0x80  }
.Ltmp4:
0xba: {  	[sflag:s13] =	ssyncset.done $0x0;
	(pc) =	sbr.rel .LBB2_7-.Ltmp4, $4  }
0xbb: {  	[sflag:s13] =	ssyncadd.s32 $0xFFFFFF80  }
0xbc: {  	[tilespmem:s24], [sflag:$0x2] =	stream.indirect.gather [hbm4b:s5+s31], $0x80, s25, s31, $0xb8;
	[tilespmem:$0x1BAC0] =	vst v63  }
0xbd: {  	s23 =	sadd.s32 $0x100, s23  }
0xbe: {  	[tilespmem:s8], [sflag:$0x2] =	stream.indirect.gather [hbm4b:s5+s31], $0x80, s4, s31, $0xb8;
	[tilespmem:$0x1BAC0] =	vst v63  }
.LBB2_2:
0xbf: {  	s18 =	rddreg [dreg:$0x13]  }
0xc0: {  	[spmem:s17], [sflag:s16] =	dma.local [hbm:s18], $0x500  }
0xc1: {  	_ =	swait.ge [sflag:s28], $0x500  }
0xc2: {  	s21 =	rddreg [dreg:$0xb]  }
0xc3: {  	[sflag:s28] =	ssyncset.done $0x0;
	s22 =	rddreg [dreg:$0x17];
	s19 =	sshrl.u32 s21, $0x3  }
0xc4: {  	[sflag:s28] =	ssyncadd.s32 $0xFFFFFB00;
	[smem:$0x7E9] =	sst s19  }
0xc5: {  	[spmem:s19], [sflag:s16] =	dma.local [hbm:s22], $0x500  }
0xc6: {  	_ =	swait.ge [sflag:s28], $0x500  }
0xc7: {  	s20 =	rddreg [dreg:$0xc]  }
0xc8: {  	[sflag:s28] =	ssyncset.done $0x0;
	s22 =	rddreg [dreg:$0x1b];
	s21 =	sshrl.u32 s20, $0x3  }
0xc9: {  	[sflag:s28] =	ssyncadd.s32 $0xFFFFFB00;
	[smem:$0x7EA] =	sst s21  }
0xca: {  	[spmem:s21], [sflag:s16] =	dma.local [hbm:s22], $0x500  }
0xcb: {  	_ =	swait.ge [sflag:s28], $0x500  }
0xcc: {  	s20 =	rddreg [dreg:$0xd]  }
0xcd: {  	[sflag:s28] =	ssyncset.done $0x0;
	s22 =	rddreg [dreg:$0x1f];
	s21 =	sshrl.u32 s20, $0x3  }
0xce: {  	[sflag:s28] =	ssyncadd.s32 $0xFFFFFB00;
	[smem:$0x7EB] =	sst s21  }
0xcf: {  	[spmem:s21], [sflag:s16] =	dma.local [hbm:s22], $0x500  }
0xd0: {  	_ =	swait.ge [sflag:s28], $0x500  }
0xd1: {  	s20 =	rddreg [dreg:$0xe]  }
0xd2: {  	s22 =	sld [smem:$0x7F0]  }
0xd3: {  	[sflag:s28] =	ssyncset.done $0x0;
	s21 =	sshrl.u32 s20, $0x3  }
0xd4: {  	[sflag:s28] =	ssyncadd.s32 $0xFFFFFB00;
	[smem:$0x7EC] =	sst s21  }
0xd5: {  	[spmem:s21], [sflag:s16] =	dma.local [hbm:s22], $0x500  }
0xd6: {  	_ =	swait.ge [sflag:s28], $0x500  }
0xd7: {  	s20 =	sld [smem:$0x7F4]  }
0xd8: {  	[sflag:s28] =	ssyncset.done $0x0;
	s19 =	rddreg [dreg:$0xf]  }
0xd9: {  	[sflag:s28] =	ssyncadd.s32 $0xFFFFFB00;
	s22 =	sshrl.u32 s19, $0x3  }
0xda: {  	[spmem:s22], [sflag:s16] =	dma.local [hbm:s20], $0x500  }
0xdb: {  	_ =	swait.ge [sflag:s28], $0x500  }
0xdc: {  	s19 =	sld [smem:$0x7F8]  }
0xdd: {  	[sflag:s28] =	ssyncset.done $0x0;
	s21 =	rddreg [dreg:$0x10]  }
0xde: {  	[sflag:s28] =	ssyncadd.s32 $0xFFFFFB00;
	s29 =	sshrl.u32 s21, $0x3  }
0xdf: {  	[spmem:s29], [sflag:s16] =	dma.local [hbm:s19], $0x500  }
0xe0: {  	_ =	swait.ge [sflag:s28], $0x500  }
0xe1: {  	s18 =	sld [smem:$0x7FC]  }
0xe2: {  	[sflag:s28] =	ssyncset.done $0x0  }
0xe3: {  	[sflag:s28] =	ssyncadd.s32 $0xFFFFFB00  }
0xe4: {  	[spmem:s23], [sflag:s16] =	dma.local @!p1 [hbm:s18], $0x500  }
0xe5: {  	s18 =	simm.s32 @!p1 $0x7  }
0xe6: {  	_ =	swait.ge @!p1 [sflag:s18], $0x500  }
0xe7: {  	[sflag:s18] =	ssyncset.done @!p1 $0x0  }
0xe8: {  	[sflag:s18] =	ssyncadd.s32 @!p1 $0xFFFFFB00  }
0xe9: {  	[bflag:$0x0] =	sbarrier.arrive $0xFFFF  }
0xea: {  	s21 =	simm.s32 $0x138C0;
	s20 =	rddreg [dreg:$0x5]  }
0xeb: {  	[tilespmem:s21], [sflag:$0x7] =	stream.linear.gather [hbm4b:s20+s2], $0x80, $0x38;
	[tilespmem:$0x1BAC0] =	vst v63  }
0xec: {  	_ =	swait.ge [sflag:s28], $0x80  }
0xed: {  	[sflag:s28] =	ssyncset.done $0x0  }
0xee: {  	s23 =	rddreg [dreg:$0x6];
	[sflag:s28] =	ssyncadd.s32 $0xFFFFFF80  }
0xef: {  	[tilespmem:s30], [sflag:$0x7] =	stream.linear.gather [hbm4b:s23+s2], $0x80, $0x38;
	[tilespmem:$0x1BAC0] =	vst v63  }
0xf0: {  	_ =	swait.ge [sflag:s28], $0x80  }
0xf1: {  	[sflag:s28] =	ssyncset.done $0x0  }
0xf2: {  	[sflag:s28] =	ssyncadd.s32 $0xFFFFFF80  }
0xf3: {  	[tilespmem:s0], [sflag:$0x1] =	stream.indirect.gather [hbm4b:s3+s31], $0x80, s21, s31, $0xb8;
	[tilespmem:$0x1BAC0] =	vst v63  }
0xf4: {  	s19 =	simm.s32 $0x13900;
	s20 =	simm.s32 $0x15AC0  }
0xf5: {  	[tilespmem:s20], [sflag:$0x1] =	stream.indirect.gather [hbm4b:s3+s31], $0x80, s19, s31, $0xb8;
	[tilespmem:$0x1BAC0] =	vst v63  }
0xf6: {  	s21 =	rddreg [dreg:$0x7]  }
0xf7: {  	[tilespmem:s25], [sflag:$0x7] =	stream.linear.gather [hbm4b:s21+s2], $0x80, $0x38;
	[tilespmem:$0x1BAC0] =	vst v63  }
0xf8: {  	_ =	swait.ge [sflag:s28], $0x80  }
0xf9: {  	[sflag:s28] =	ssyncset.done $0x0  }
0xfa: {  	s23 =	rddreg [dreg:$0x8];
	[sflag:s28] =	ssyncadd.s32 $0xFFFFFF80  }
0xfb: {  	[tilespmem:s26], [sflag:$0x7] =	stream.linear.gather [hbm4b:s23+s2], $0x80, $0x38;
	[tilespmem:$0x1BAC0] =	vst v63  }
0xfc: {  	_ =	swait.ge [sflag:s28], $0x80  }
0xfd: {  	[sflag:s28] =	ssyncset.done $0x0  }
0xfe: {  	[sflag:s28] =	ssyncadd.s32 $0xFFFFFF80  }
0xff: {  	[tilespmem:s24], [sflag:$0x2] =	stream.indirect.gather [hbm4b:s3+s31], $0x80, s25, s31, $0xb8;
	[tilespmem:$0x1BAC0] =	vst v63  }
0x100: {  	s23 =	simm.s32 $0x180  }
0x101: {  	[tilespmem:s8], [sflag:$0x2] =	stream.indirect.gather [hbm4b:s3+s31], $0x80, s4, s31, $0xb8;
	[tilespmem:$0x1BAC0] =	vst v63  }
.LBB2_3:
0x102: {  	p3 =	seq.s32 s23, $0x4F80  }
0x103: {  	s18 =	sadd.s32 @!p3 $0xFFFFFF80, s23  }
0x104: {  	s19 =	sand.u32 @!p3 $0xFC00, s18  }
0x105: {  	_ =	swait.ge [sflag:s10], $0x4000;
	s18 =	sand.u32 @!p3 $0x300, s18;
	s19 =	sadd.s32 @!p3 s9, s19  }
0x106: {  	[sflag:s10] =	ssyncset.done $0x0;
	p4 =	seq.s32 @!p3 s23, $0x180;
	s18 =	sor.u32 @!p3 s18, s19  }
0x107: {  	[sflag:s10] =	ssyncadd.s32 $0xFFFFC000;
	p5 =	por p3, !p4;
	s20 =	sshrl.u32 @!p3 s18, $0x3  }
0x108: {  	s19 =	simm.s32 @!p3 $0x138C0;
	s18 =	simm.s32 @!p3 $0x0;
	s21 =	sadd.s32 @!p3 s6, s20  }
0x109: {  	[tilespmem:s19], [sflag:$0x3] =	stream.linear.gather @!p3 [hbm4b:s21+s18], $0x80, $0x38;
	[tilespmem:$0x1BAC0] =	vst v63  }
0x10a: {  	_ =	swait.ge @p5 [sflag:s14], $0x80  }
0x10b: {  	[sflag:s14] =	ssyncset.done @p5 $0x0  }
0x10c: {  	[sflag:s14] =	ssyncadd.s32 @p5 $0xFFFFFF80  }
0x10d: {  	[spmem:s1] =	stream.indirect.scatter.add.f32 [tilespmem:s0], [sflag:$0x7], $0x80, s30, s11, $0xb8;
	[tilespmem:$0x1BAC0] =	vst v63  }
0x10e: {  	_ =	swait.ge [sflag:s28], $0x4000  }
0x10f: {  	[sflag:s28] =	ssyncset.done $0x0  }
0x110: {  	s20 =	sadd.s32 @!p3 s7, s20;
	s21 =	simm.s32 @!p3 $0x139C0;
	[sflag:s28] =	ssyncadd.s32 $0xFFFFC000  }
0x111: {  	[tilespmem:s21], [sflag:$0x5] =	stream.linear.gather @!p3 [hbm4b:s20+s18], $0x80, $0x38;
	[tilespmem:$0x1BAC0] =	vst v63  }
0x112: {  	s20 =	simm.s32 @!p3 $0x3  }
0x113: {  	_ =	swait.ge @!p3 [sflag:s20], $0x80  }
0x114: {  	[sflag:s20] =	ssyncset.done @!p3 $0x0  }
0x115: {  	s21 =	simm.s32 @!p3 $0x13AC0;
	[sflag:s20] =	ssyncadd.s32 @!p3 $0xFFFFFF80;
	s20 =	simm.s32 @!p3 $0x40  }
0x116: {  	[tilespmem:s21], [sflag:$0x1] =	stream.indirect.gather @!p3 [hbm4b:s3+s20], $0x80, s19, s20, $0xb8;
	[tilespmem:$0x1BAC0] =	vst v63  }
0x117: {  	s19 =	simm.s32 @!p3 $0x13900;
	s21 =	simm.s32 @!p3 $0x15AC0  }
0x118: {  	[tilespmem:s21], [sflag:$0x1] =	stream.indirect.gather @!p3 [hbm4b:s3+s20], $0x80, s19, s20, $0xb8;
	[tilespmem:$0x1BAC0] =	vst v63  }
0x119: {  	s19 =	sand.u32 @!p3 $0xFC00, s23  }
0x11a: {  	s20 =	sand.u32 @!p3 $0x380, s23;
	s19 =	sadd.s32 @!p3 s9, s19  }
0x11b: {  	p4 =	por @!p3 $0x1, $0x1;
	_ =	swait.ge [sflag:s12], $0x4000;
	s19 =	sor.u32 @!p3 s20, s19  }
0x11c: {  	p4 =	por @p5 $0x0, $0x0;
	[sflag:s12] =	ssyncset.done $0x0;
	s19 =	sshrl.u32 @!p3 s19, $0x3  }
0x11d: {  	s20 =	simm.s32 @!p3 $0x13940;
	[sflag:s12] =	ssyncadd.s32 $0xFFFFC000;
	s19 =	sadd.s32 @!p3 s6, s19  }
0x11e: {  	[tilespmem:s20], [sflag:$0x4] =	stream.linear.gather @!p3 [hbm4b:s19+s18], $0x80, $0x38;
	[tilespmem:$0x1BAC0] =	vst v63  }
0x11f: {  	s18 =	simm.s32 @!p4 $0x6  }
0x120: {  	_ =	swait.ge @!p4 [sflag:s18], $0x80  }
0x121: {  	[sflag:s18] =	ssyncset.done @!p4 $0x0  }
.Ltmp5:
0x122: {  	[sflag:s18] =	ssyncadd.s32 @!p4 $0xFFFFFF80;
	(pc) =	sbr.rel @p3 .LBB2_5-.Ltmp5, $4  }
0x123: {  	[spmem:s1] =	stream.indirect.scatter.add.f32 [tilespmem:s24], [sflag:$0x7], $0x80, s26, s11, $0xb8;
	[tilespmem:$0x1BAC0] =	vst v63  }
0x124: {  	_ =	swait.ge [sflag:s28], $0x4000  }
0x125: {  	[sflag:s28] =	ssyncset.done $0x0  }
0x126: {  	[sflag:s28] =	ssyncadd.s32 $0xFFFFC000  }
0x127: {  	s18 =	sand.u32 $0xFC00, s23  }
0x128: {  	s19 =	sand.u32 $0x380, s23;
	s18 =	sadd.s32 s9, s18  }
0x129: {  	s18 =	sor.u32 s19, s18  }
0x12a: {  	s18 =	sshrl.u32 s18, $0x3  }
0x12b: {  	s18 =	sadd.s32 s7, s18  }
0x12c: {  	[tilespmem:s26], [sflag:$0x6] =	stream.linear.gather [hbm4b:s18+s2], $0x80, $0x38;
	[tilespmem:$0x1BAC0] =	vst v63  }
0x12d: {  	_ =	swait.ge [sflag:s13], $0x80  }
.Ltmp6:
0x12e: {  	[sflag:s13] =	ssyncset.done $0x0;
	(pc) =	sbr.rel .LBB2_3-.Ltmp6, $4  }
0x12f: {  	[sflag:s13] =	ssyncadd.s32 $0xFFFFFF80  }
0x130: {  	[tilespmem:s24], [sflag:$0x2] =	stream.indirect.gather [hbm4b:s3+s31], $0x80, s25, s31, $0xb8;
	[tilespmem:$0x1BAC0] =	vst v63  }
0x131: {  	s23 =	sadd.s32 $0x100, s23  }
0x132: {  	[tilespmem:s8], [sflag:$0x2] =	stream.indirect.gather [hbm4b:s3+s31], $0x80, s4, s31, $0xb8;
	[tilespmem:$0x1BAC0] =	vst v63  }
.LBB2_9:
0x133: {  	[bflag:$0x0] =	sbarrier.arrive $0xFFFF  }
0x134: {  	s18 =	rddreg [dreg:$0x16]  }
0x135: {  	[hbm:s18], [sflag:s16] =	dma.local [spmem:s17], $0x500  }
0x136: {  	_ =	swait.ge [sflag:s28], $0x500  }
0x137: {  	s23 =	sld [smem:$0x7E5]  }
0x138: {  	[sflag:s28] =	ssyncset.done $0x0  }
0x139: {  	s21 =	rddreg [dreg:$0x1a];
	[sflag:s28] =	ssyncadd.s32 $0xFFFFFB00  }
0x13a: {  	[hbm:s21], [sflag:s16] =	dma.local [spmem:s23], $0x500  }
0x13b: {  	_ =	swait.ge [sflag:s28], $0x500  }
0x13c: {  	s20 =	sld [smem:$0x7E6]  }
0x13d: {  	[sflag:s28] =	ssyncset.done $0x0  }
0x13e: {  	s19 =	rddreg [dreg:$0x1e];
	[sflag:s28] =	ssyncadd.s32 $0xFFFFFB00  }
0x13f: {  	[hbm:s19], [sflag:s16] =	dma.local [spmem:s20], $0x500  }
0x140: {  	_ =	swait.ge [sflag:s28], $0x500  }
0x141: {  	s21 =	sld [smem:$0x7EF]  }
0x142: {  	s23 =	sld [smem:$0x7E7]  }
0x143: {  	[sflag:s28] =	ssyncset.done $0x0  }
0x144: {  	[sflag:s28] =	ssyncadd.s32 $0xFFFFFB00  }
0x145: {  	[hbm:s21], [sflag:s16] =	dma.local [spmem:s23], $0x500  }
0x146: {  	_ =	swait.ge [sflag:s28], $0x500  }
0x147: {  	s19 =	sld [smem:$0x7F3]  }
0x148: {  	s20 =	sld [smem:$0x7E8]  }
0x149: {  	[sflag:s28] =	ssyncset.done $0x0  }
0x14a: {  	[sflag:s28] =	ssyncadd.s32 $0xFFFFFB00  }
0x14b: {  	[hbm:s19], [sflag:s16] =	dma.local [spmem:s20], $0x500  }
0x14c: {  	_ =	swait.ge [sflag:s28], $0x500  }
0x14d: {  	s21 =	sld [smem:$0x7F7]  }
0x14e: {  	[sflag:s28] =	ssyncset.done $0x0  }
0x14f: {  	[sflag:s28] =	ssyncadd.s32 $0xFFFFFB00  }
0x150: {  	[hbm:s21], [sflag:s16] =	dma.local [spmem:s22], $0x500  }
0x151: {  	_ =	swait.ge [sflag:s28], $0x500  }
0x152: {  	s23 =	sld [smem:$0x7FB]  }
0x153: {  	[sflag:s28] =	ssyncset.done $0x0  }
0x154: {  	[sflag:s28] =	ssyncadd.s32 $0xFFFFFB00  }
0x155: {  	[hbm:s23], [sflag:s16] =	dma.local [spmem:s29], $0x500  }
.Ltmp7:
0x156: {  	_ = 	snop;
	(pc) =	sbr.rel @p1 .LBB2_11-.Ltmp7, $4  }
.Ltmp8:
0x157: {  	_ = 	snop;
	(pc) =	sbr.rel @!p1 .LBB2_10-.Ltmp8, $4  }
0x158: {  	_ =	swait.ge [sflag:s28], $0x500  }
0x159: {  	[sflag:s28] =	ssyncset.done $0x0  }
0x15a: {  	s17 =	rddreg [dreg:$0x4];
	[sflag:s28] =	ssyncadd.s32 $0xFFFFFB00  }
0x15b: {  	_ = 	snop  }
.LBB2_5:
0x15c: {  	[bflag:$0x0] =	sbarrier.arrive $0xFFFF  }
0x15d: {  	s18 =	rddreg [dreg:$0x14]  }
0x15e: {  	[hbm:s18], [sflag:s16] =	dma.local [spmem:s17], $0x500  }
0x15f: {  	_ =	swait.ge [sflag:s28], $0x500  }
0x160: {  	s23 =	sld [smem:$0x7E9]  }
0x161: {  	[sflag:s28] =	ssyncset.done $0x0  }
0x162: {  	s21 =	rddreg [dreg:$0x18];
	[sflag:s28] =	ssyncadd.s32 $0xFFFFFB00  }
0x163: {  	[hbm:s21], [sflag:s16] =	dma.local [spmem:s23], $0x500  }
0x164: {  	_ =	swait.ge [sflag:s28], $0x500  }
0x165: {  	s20 =	sld [smem:$0x7EA]  }
0x166: {  	[sflag:s28] =	ssyncset.done $0x0  }
0x167: {  	s19 =	rddreg [dreg:$0x1c];
	[sflag:s28] =	ssyncadd.s32 $0xFFFFFB00  }
0x168: {  	[hbm:s19], [sflag:s16] =	dma.local [spmem:s20], $0x500  }
0x169: {  	_ =	swait.ge [sflag:s28], $0x500  }
0x16a: {  	s21 =	sld [smem:$0x7ED]  }
0x16b: {  	s23 =	sld [smem:$0x7EB]  }
0x16c: {  	[sflag:s28] =	ssyncset.done $0x0  }
0x16d: {  	[sflag:s28] =	ssyncadd.s32 $0xFFFFFB00  }
0x16e: {  	[hbm:s21], [sflag:s16] =	dma.local [spmem:s23], $0x500  }
0x16f: {  	_ =	swait.ge [sflag:s28], $0x500  }
0x170: {  	s19 =	sld [smem:$0x7F1]  }
0x171: {  	s20 =	sld [smem:$0x7EC]  }
0x172: {  	[sflag:s28] =	ssyncset.done $0x0  }
0x173: {  	[sflag:s28] =	ssyncadd.s32 $0xFFFFFB00  }
0x174: {  	[hbm:s19], [sflag:s16] =	dma.local [spmem:s20], $0x500  }
0x175: {  	_ =	swait.ge [sflag:s28], $0x500  }
0x176: {  	s21 =	sld [smem:$0x7F5]  }
0x177: {  	[sflag:s28] =	ssyncset.done $0x0  }
0x178: {  	[sflag:s28] =	ssyncadd.s32 $0xFFFFFB00  }
0x179: {  	[hbm:s21], [sflag:s16] =	dma.local [spmem:s22], $0x500  }
0x17a: {  	_ =	swait.ge [sflag:s28], $0x500  }
0x17b: {  	s23 =	sld [smem:$0x7F9]  }
0x17c: {  	[sflag:s28] =	ssyncset.done $0x0  }
0x17d: {  	[sflag:s28] =	ssyncadd.s32 $0xFFFFFB00  }
0x17e: {  	[hbm:s23], [sflag:s16] =	dma.local [spmem:s29], $0x500  }
.Ltmp9:
0x17f: {  	_ = 	snop;
	(pc) =	sbr.rel @p2 .LBB2_10-.Ltmp9, $4  }
.Ltmp10:
0x180: {  	_ = 	snop;
	(pc) =	sbr.rel @!p2 .LBB2_11-.Ltmp10, $4  }
0x181: {  	_ =	swait.ge [sflag:s28], $0x500  }
0x182: {  	[sflag:s28] =	ssyncset.done $0x0  }
0x183: {  	s17 =	rddreg [dreg:$0x3];
	[sflag:s28] =	ssyncadd.s32 $0xFFFFFB00  }
0x184: {  	_ = 	snop  }
.LBB2_12:
0x185: {  	_ =	sfence.sel $0x180000  }
0x186: {  	[bflag:$0x0] =	sbarrier.arrive $0xFFFF  }
0x187: {  	_ =	strace $0x9000004D  }
0x188: {  	s0 =	stileid.u32;
	[bflag:$0x2] =	sbarrier.arrive $0xFFFF  }
0x189: {  	p0 =	sne.s32 s0, $0x0;
	s0 =	rddreg [dreg:$0x2]  }
0x18a: {  	s0 =	sadd.s32 @!p0 $0x100000, s0  }
0x18b: {  	[sflag:s0] =	ssyncadd.tile.s32 @!p0 $0x1;
	_ =	shalt  }
.Lfunc_end2:
_tile_overlayer_lowered:
.L_overlay_start_2:
0x18c: {  	(tag) =	ssettag $0x2  }
0x18d: {  	s0 =	rddreg [dreg:$0x0];
	s2 =	stileid.u32  }
0x18e: {  	s1 =	rddreg [dreg:$0x1];
	p0 =	sne.s32 s2, $0x0  }
0x18f: {  	s3 =	rddreg [dreg:$0x2];
	[bflag:$0x3] =	sbarrier.arrive $0xFFFF;
	s2 =	simm.s32 @!p0 $0x1C07  }
0x190: {  	[timem:s3], [sflag:s2] =	dma.local @!p0 [hbm:s0], s1  }
0x191: {  	s0 =	simm.s32 @!p0 $0x7  }
0x192: {  	_ =	swait.ge @!p0 [sflag:s0], s1  }
0x193: {  	s1 =	ssub.s32 @!p0 $0x0, s1;
	[sflag:s0] =	ssyncset.done @!p0 $0x0  }
0x194: {  	[sflag:s0] =	ssyncadd.s32 @!p0 s1  }
0x195: {  	[bflag:$0x3] =	sbarrier.arrive $0xFFFF  }
0x196: {  	_ =	shalt  }

// kernel: kernel.8.cloned.1.call-start
scs
__scs_entry_jumppad:
0x0: {  	(pc) =	sbr.rel $0x88, $3  }
0x1: {  	(tag) =	ssettag $0x0;
	lr =	simm.s32 $0x1  }
0x2: {  	[smem:$0x3F96] =	sst lr;
	_ =	strace $0xD0000000  }
0x3: {  	_ = 	snop  }
0x4: {  	_ = 	snop  }
0x5: {  	_ = 	snop  }
0x6: {  	_ = 	snop  }
0x7: {  	_ = 	snop  }
__scs_overlays_trampoline_lowered:
0x8: {  	[smem:$0x3FA5] =	sst s0  }
0x9: {  	[smem:$0x3FA6] =	sst s1  }
0xa: {  	[smem:$0x3FA7] =	sst s2  }
0xb: {  	[smem:$0x3FA8] =	sst s3  }
0xc: {  	[smem:$0x3FA9] =	sst s4  }
0xd: {  	[smem:$0x3FAA] =	sst s5  }
0xe: {  	[smem:$0x3FAB] =	sst s6  }
0xf: {  	[smem:$0x3FAC] =	sst s7  }
0x10: {  	[smem:$0x3FAD] =	sst s8  }
0x11: {  	[smem:$0x3FAE] =	sst s9;
	s0 =	simm.s32 @!p0 $0x0  }
0x12: {  	s1 =	sld [smem:$0x3F94];
	s0 =	simm.s32 @p0 $0x1  }
0x13: {  	[smem:$0x3FAF] =	sst s0;
	s0 =	simm.s32 @!p1 $0x0  }
0x14: {  	s2 =	sld [smem:$0x3F93];
	s0 =	simm.s32 @p1 $0x1  }
0x15: {  	[smem:$0x3FB0] =	sst s0;
	s0 =	simm.s32 @!p2 $0x0  }
0x16: {  	s3 =	sld [smem:$0x3FDB];
	s0 =	simm.s32 @p2 $0x1  }
0x17: {  	s4 =	simm.s32 $0x1BF5;
	[smem:$0x3FB2] =	sst s0  }
0x18: {  	s0 =	sld [smem:$0x3F95];
	_ =	swait.ge [sflag:s4], $0x0  }
0x19: {  	s7 =	sld [smem:$0x3F96]  }
0x1a: {  	s8 =	sadd.s32 $0xFFFFE003, lr  }
0x1b: {  	s9 =	sadd.s32 $0xFFFFFEF7, lr;
	s5 =	simm.s32 $0xFFFFFFFF;
	p2 =	slt.u32 s8, $0xFFFFF086  }
0x1c: {  	p1 =	slt.u32 s9, $0xF7A;
	s5 =	simm.s32 @!p2 $0x0  }
0x1d: {  	s5 =	simm.s32 @p1 $0x1;
	p0 =	seq.s32 s7, s2  }
0x1e: {  	s7 =	smul.u32 @!p0 $0xF7A, s2;
	p2 =	seq.s32 @!p0 s5, $0x0  }
0x1f: {  	s9 =	smul.u32 $0xF7A, s1;
	s8 =	simm.s32 @!p0 $0x1BF5;
	p2 =	por !p2, p0  }
0x20: {  	[sflag:s8] =	ssyncset.s32 @!p0 $0xFFFFF086;
	s6 =	sadd.s32 @!p0 s3, s7;
	s7 =	simm.s32 @!p0 $0x108  }
0x21: {  	s3 =	sadd.s32 s3, s9;
	s6 =	sadd.s32 @!p0 $0x88, s6;
	s7 =	simm.s32 @p2 $0x1082  }
0x22: {  	[simem:s7], [sflag:s8] =	dma.local @!p0 [hbm:s6], $0xF7A  }
0x23: {  	s9 =	sor.u32 $0xD0000000, s2;
	s6 =	simm.s32 $0x108;
	_ =	swait.ge @!p0 [sflag:s8], $0x0  }
0x24: {  	s3 =	sadd.s32 $0x88, s3;
	s6 =	simm.s32 @!p1 $0x1082;
	[sflag:s4] =	ssyncset.s32 $0xFFFFF086  }
0x25: {  	[simem:s6], [sflag:s4] =	dma.local [hbm:s3], $0xF7A  }
0x26: {  	[smem:$0x3F96] =	sst s1;
	(tag) =	ssettag s2;
	_ =	strace s9  }
0x27: {  	s1 =	sld [smem:$0x3FA6]  }
0x28: {  	s2 =	sld [smem:$0x3FA7]  }
0x29: {  	s4 =	sld [smem:$0x3FA9]  }
0x2a: {  	p0 =	seq.s32 s5, $0x0;
	s5 =	sld [smem:$0x3FAA]  }
0x2b: {  	s6 =	sld [smem:$0x3FAB]  }
0x2c: {  	s7 =	sld [smem:$0x3FAC]  }
0x2d: {  	s3 =	simm.s32 $0x108;
	s8 =	sld [smem:$0x3FAD]  }
0x2e: {  	s3 =	simm.s32 @!p0 $0x1082;
	s9 =	sld [smem:$0x3FAE]  }
0x2f: {  	lr =	sadd.s32 s0, s3;
	s0 =	sld [smem:$0x3FA5]  }
0x30: {  	s3 =	sld [smem:$0x3FA8]  }
0x31: {  	[smem:$0x3FB1] =	sst s10  }
0x32: {  	s10 =	sld [smem:$0x3FAF];
	_ =	sdelay $0x3  }
0x33: {  	p0 =	seq.s32 s10, $0x1;
	s10 =	sld [smem:$0x3FB1];
	_ =	sdelay $0x3  }
0x34: {  	[smem:$0x3FB1] =	sst s10  }
0x35: {  	s10 =	sld [smem:$0x3FB0];
	_ =	sdelay $0x3  }
0x36: {  	p1 =	seq.s32 s10, $0x1;
	s10 =	sld [smem:$0x3FB1];
	_ =	sdelay $0x3  }
0x37: {  	[smem:$0x3FB1] =	sst s10  }
0x38: {  	s10 =	sld [smem:$0x3FB2]  }
0x39: {  	_ = 	snop;
	(pc) =	sbr.ind lr, $3  }
0x3a: {  	_ = 	snop  }
0x3b: {  	_ = 	snop  }
0x3c: {  	p2 =	seq.s32 s10, $0x1;
	s10 =	sld [smem:$0x3FB1]  }
0x3d: {  	_ =	shalt  }
0x3e: {  	_ =	shalt  }
0x3f: {  	_ =	shalt  }
0x40: {  	_ =	shalt  }
0x41: {  	_ =	shalt  }
0x42: {  	_ =	shalt  }
0x43: {  	_ =	shalt  }
0x44: {  	_ =	shalt  }
0x45: {  	_ =	shalt  }
0x46: {  	_ =	shalt  }
0x47: {  	_ =	shalt  }
0x48: {  	_ =	shalt  }
0x49: {  	_ =	shalt  }
0x4a: {  	_ =	shalt  }
0x4b: {  	_ =	shalt  }
0x4c: {  	_ =	shalt  }
0x4d: {  	_ =	shalt  }
0x4e: {  	_ =	shalt  }
0x4f: {  	_ =	shalt  }
0x50: {  	_ =	shalt  }
0x51: {  	_ =	shalt  }
0x52: {  	_ =	shalt  }
0x53: {  	_ =	shalt  }
0x54: {  	_ =	shalt  }
0x55: {  	_ =	shalt  }
0x56: {  	_ =	shalt  }
0x57: {  	_ =	shalt  }
0x58: {  	_ =	shalt  }
0x59: {  	_ =	shalt  }
0x5a: {  	_ =	shalt  }
0x5b: {  	_ =	shalt  }
0x5c: {  	_ =	shalt  }
0x5d: {  	_ =	shalt  }
0x5e: {  	_ =	shalt  }
0x5f: {  	_ =	shalt  }
0x60: {  	_ =	shalt  }
0x61: {  	_ =	shalt  }
0x62: {  	_ =	shalt  }
0x63: {  	_ =	shalt  }
0x64: {  	_ =	shalt  }
0x65: {  	_ =	shalt  }
0x66: {  	_ =	shalt  }
0x67: {  	_ =	shalt  }
0x68: {  	_ =	shalt  }
0x69: {  	_ =	shalt  }
0x6a: {  	_ =	shalt  }
0x6b: {  	_ =	shalt  }
0x6c: {  	_ =	shalt  }
0x6d: {  	_ =	shalt  }
0x6e: {  	_ =	shalt  }
0x6f: {  	_ =	shalt  }
0x70: {  	_ =	shalt  }
0x71: {  	_ =	shalt  }
0x72: {  	_ =	shalt  }
0x73: {  	_ =	shalt  }
0x74: {  	_ =	shalt  }
0x75: {  	_ =	shalt  }
0x76: {  	_ =	shalt  }
0x77: {  	_ =	shalt  }
0x78: {  	_ =	shalt  }
0x79: {  	_ =	shalt  }
0x7a: {  	_ =	shalt  }
0x7b: {  	_ =	shalt  }
0x7c: {  	_ =	shalt  }
0x7d: {  	_ =	shalt  }
0x7e: {  	_ =	shalt  }
0x7f: {  	_ =	shalt  }
0x80: {  	_ =	shalt  }
0x81: {  	_ =	shalt  }
0x82: {  	_ =	shalt  }
0x83: {  	_ =	shalt  }
0x84: {  	_ =	shalt  }
0x85: {  	_ =	shalt  }
0x86: {  	_ =	shalt  }
0x87: {  	_ =	shalt  }
.Lfunc_end0:
.L_simem_size_0:
called_computation_lowered:
.L_overlay_start_0:
0x88: {  	s2 =	sld [smem:$0x3FD9]  }
0x89: {  	s3 =	sld [smem:$0x3FFE];
	_ =	sdelay $0x1  }
0x8a: {  	s1 =	srdreg.scid  }
0x8b: {  	s0 =	sand.u32 $0x1, s1  }
0x8c: {  	s16 =	sshll.u32 s0, $0xA;
	s2 =	sadd.s32 s3, s2  }
0x8d: {  	s2 =	sadd.s32 s2, s16  }
0x8e: {  	[smem:$0x3FBD] =	sst s2  }
0x8f: {  	_ = 	snop  }
0x90: {  	(tm) =	ssettm $0x1  }
0x91: {  	s17 =	sld [smem:$0x3FFB];
	_ =	sdelay $0x3  }
0x92: {  	_ =	strace s17  }
0x93: {  	s2 =	sld [smem:$0x3FFC];
	_ =	sdelay $0x3  }
0x94: {  	_ =	strace s2  }
0x95: {  	s2 =	sld [smem:$0x3FFD];
	_ =	sdelay $0x3  }
0x96: {  	_ =	strace s2  }
0x97: {  	_ =	strace $0x8FFFFFFF  }
0x98: {  	s18 =	sld [smem:$0x3FDB];
	_ =	sdelay $0x1  }
0x99: {  	s19 =	simm.s32 $_scs_section_size  }
0x9a: {  	s4 =	simm.s32 $_size__tile_overlayer_lowered;
	s5 =	simm.s32 $_tile_overlayer_lowered  }
0x9b: {  	s22 =	simm.s32 $0x1BFF;
	s21 =	sshll.u32 s5, $0x1;
	s2 =	sadd.s32 s19, s18  }
0x9c: {  	s6 =	simm.s32 $0x0;
	s20 =	sshll.u32 s4, $0x1;
	s4 =	sadd.s32 s21, s2  }
0x9d: {  	[timem:s6], [sflag:s22] =	dma.local [hbm:s4], s20  }
0x9e: {  	_ =	swait.ge [sflag:s22], s20  }
0x9f: {  	s3 =	ssub.s32 $0x0, s20;
	[sflag:s22] =	ssyncset.done $0x0  }
0xa0: {  	[sflag:s22] =	ssyncadd.s32 s3;
	_ =	sdelay $0x1  }
0xa1: {  	s23 =	simm.s32 $0x1B8B  }
0xa2: {  	_ =	swait.ge [sflag:s23], $0x1  }
0xa3: {  	[sflag:s23] =	ssyncset.done $0x0  }
0xa4: {  	s25 =	simm.s32 $0x1B8E;
	s24 =	sld [smem:$0x3FFE];
	[sflag:s23] =	ssyncadd.s32 $0xFFFFFFFF  }
0xa5: {  	s26 =	simm.s32 $execute0_lowered;
	[smem:$0x3FD2] =	sst s25  }
0xa6: {  	s4 =	sshll.u32 s26, $0x1;
	_ =	strace $0x80000046;
	[dreg:$0x1] =	wrdreg $0xFFFFFFFF  }
0xa7: {  	s28 =	simm.s32 $_size_execute0_lowered;
	s2 =	sadd.s32 s2, s4;
	[dreg:$0x0] =	wrdreg $0x0  }
0xa8: {  	s4 =	sshll.u32 s28, $0x1;
	[dreg:$0x2] =	wrdreg s2  }
0xa9: {  	[dreg:$0x3] =	wrdreg s4  }
0xaa: {  	[dreg:$0x4] =	wrdreg $0xC0  }
0xab: {  	_ =	task [dreg:s6], $0x5FFFF  }
0xac: {  	[dreg:$0x1] =	wrdreg $0xFFFFFFFF  }
0xad: {  	[dreg:$0x0] =	wrdreg $0x60  }
0xae: {  	[dreg:$0x2] =	wrdreg s24  }
0xaf: {  	[dreg:$0x3] =	wrdreg $0x9  }
0xb0: {  	_ =	task.clear_ibuf [dreg:s6], $0x4FFFF;
	_ =	strace $0x90000046  }
0xb1: {  	s29 =	simm.s32 $0x9;
	_ =	strace $0x80000048  }
0xb2: {  	_ =	swait.ge [sflag:s29], $0x1  }
0xb3: {  	[sflag:s29] =	ssyncadd.s32 $0xFFFFFFFF  }
0xb4: {  	_ =	strace $0x90000048  }
0xb5: {  	_ =	sfence  }
0xb6: {  	s30 =	sld [smem:$0x0];
	_ =	sdelay $0x2  }
0xb7: {  	s31 =	sshll.u32 s1, $0xD;
	s1 =	sshrl.u32 s1, $0x2  }
0xb8: {  	s3 =	sand.u32 $0x4000, s31;
	s1 =	sadd.s32 s1, s30  }
0xb9: {  	s0 =	sor.u32 s3, s0;
	s1 =	sshll.u32 s1, $0x11  }
0xba: {  	s0 =	sor.u32 s1, s0  }
0xbb: {  	s0 =	sadd.s32 $0x8F2B, s0  }
0xbc: {  	[sflag:s0] =	ssyncadd.remote.s32 $0x1  }
0xbd: {  	_ =	sfence.sel $0xFFFF  }
0xbe: {  	[dreg:$0x0] =	wrdreg $0xFFFFFFFF;
	(pc) =	sbr.abs _section_cstart, $3  }
0xbf: {  	[dreg:$0x1] =	wrdreg $0xFFFFFFFF  }
0xc0: {  	_ =	task.clear_ibuf [dreg:s6], $0x2FFFF;
	_ =	strace $0x9FFFFFFF  }
0xc1: {  	(tm) =	ssettm $0x7FFFFFFF  }
tec
execute0_lowered:
.L_overlay_start_1:
0x0: {  	(tag) =	ssettag $0x1  }
0x1: {  	s1 =	srdreg.scid  }
0x2: {  	s0 =	stileid.u32;
	s5 =	rddreg [dreg:$0x0];
	s7 =	simm.s32 $0x400  }
0x3: {  	s8 =	simm.s32 $0x1;
	s9 =	simm.s32 $0x2780;
	s10 =	simm.s32 $0x0  }
0x4: {  	s3 =	sand.u32 $0x1, s1;
	s29 =	sshrl.u32 s0, $0x2;
	s2 =	sshll.u32 s0, $0x8  }
0x5: {  	s4 =	smul.u32 $0x13C00, s29;
	s30 =	sshll.u32 s3, $0x7;
	s2 =	sand.u32 $0x300, s2  }
0x6: {  	s1 =	rddreg [dreg:$0x1];
	s3 =	ssub.s32 $0x2, s3;
	s6 =	sor.u32 s30, s2  }
0x7: {  	s2 =	simm.s32 $0x0;
	s31 =	sshrl.u32 s3, $0x1;
	s4 =	sor.u32 s4, s6  }
0x8: {  	[smem:$0x7FF] =	sst s2;
	s6 =	simm.s32 $0x80;
	s4 =	sshrl.u32 s4, $0x3  }
0x9: {  	_ =	strace $0x80000047;
	s4 =	sadd.s32 s4, s5;
	s5 =	ssub.s32 s3, s31  }
0xa: {  	v0 =	vimm.f32 $0.0e+00;
	v1 =	vimm.f32 $1.000000000e+00;
	s3 =	sadd.s32 $0x3A00, s4;
	s4 =	sadd.s32 $0xD800, s4;
	s5 =	smax.u32 s5, $0x1  }
.LBB2_1:
0xb: {  	[tilespmem:s2], [sflag:$0x1] =	stream.strided.gather [hbm4b:s3+s6], $0x2780, s7, s6, $0x38;
	[tilespmem:$0x4F00] =	vst v63  }
0xc: {  	_ =	swait.ge [sflag:s8], $0x2780  }
0xd: {  	[sflag:s8] =	ssyncset.done $0x0  }
0xe: {  	s11 =	simm.s32 $0x27A0;
	[sflag:s8] =	ssyncadd.s32 $0xFFFFD880  }
0xf: {  	[tilespmem:s11+$0xFFFFFFE0] =	vst v0  }
0x10: {  	[tilespmem:s11+$0x10] =	vst v0  }
0x11: {  	s12 =	simm.s32 $0x0;
	[tilespmem:s11+$0x0] =	vst v0  }
.LBB2_2:
0x12: {  	s12 =	sadd.s32 $0x4, s12  }
0x13: {  	[tilespmem:s11+$0xFFFFFFF0] =	vst v0;
	s11 =	sadd.s32 $0x40, s11;
	p0 =	slt.u32 s12, $0x26C  }
.Ltmp0:
0x14: {  	[tilespmem:s11+$0xFFFFFFE0] =	vst v0;
	(pc) =	sbr.rel @p0 .LBB2_2-.Ltmp0, $3  }
0x15: {  	_ =	sdelay $0x1  }
0x16: {  	[tilespmem:s11+$0x10] =	vst v0  }
0x17: {  	[tilespmem:s11+$0x0] =	vst v0  }
0x18: {  	[tilespmem:s11+$0xFFFFFFF0] =	vst v0  }
0x19: {  	s11 =	simm.s32 $0xFFFFFFFC;
	s12 =	simm.s32 $0x20;
	[tilespmem:$0x4E80] =	vst v0  }
.LBB2_4:
0x1a: {  	v2 =	vld [tilespmem:s12+$0xFFFFFFE0];
	_ =	sdelay $0x7  }
0x1b: {  	[tilespmem:v2+s9+$0x0] =	vst.idx.add.f32.msk $0xffff, v1  }
0x1c: {  	v2 =	vld [tilespmem:s12+$0xFFFFFFF0];
	_ =	sdelay $0x7  }
0x1d: {  	[tilespmem:v2+s9+$0x0] =	vst.idx.add.f32.msk $0xffff, v1  }
0x1e: {  	v2 =	vld [tilespmem:s12+$0x0];
	_ =	sdelay $0x7  }
0x1f: {  	[tilespmem:v2+s9+$0x0] =	vst.idx.add.f32.msk $0xffff, v1  }
0x20: {  	v2 =	vld [tilespmem:s12+$0x10];
	_ =	sdelay $0x1  }
0x21: {  	s11 =	sadd.s32 $0x4, s11  }
0x22: {  	p0 =	slt.u32 s11, $0x26C  }
.Ltmp1:
0x23: {  	_ = 	snop;
	(pc) =	sbr.rel @p0 .LBB2_4-.Ltmp1, $2  }
0x24: {  	_ =	sdelay $0x2  }
0x25: {  	s12 =	sadd.s32 $0x40, s12;
	[tilespmem:v2+s9+$0x0] =	vst.idx.add.f32.msk $0xffff, v1  }
0x26: {  	v2 =	vld [tilespmem:$0x2700];
	_ =	sdelay $0x5  }
0x27: {  	s10 =	sadd.s32 $0x1, s10  }
0x28: {  	p0 =	sne.s32 s10, s5  }
.Ltmp2:
0x29: {  	[tilespmem:v2+s9+$0x0] =	vst.idx.add.f32.msk $0xffff, v1;
	(pc) =	sbr.rel @p0 .LBB2_1-.Ltmp2, $4  }
0x2a: {  	[hbm4b:s4+s6] =	stream.strided.scatter [tilespmem:s9], [sflag:$0x1], $0x2780, s7, s6, $0x38;
	[tilespmem:$0x4F00] =	vst v63  }
0x2b: {  	_ =	swait.ge [sflag:s8], $0x2780  }
0x2c: {  	[sflag:s8] =	ssyncset.done $0x0  }
0x2d: {  	[sflag:s8] =	ssyncadd.s32 $0xFFFFD880  }
0x2e: {  	_ =	sfence.sel $0x180000  }
0x2f: {  	[bflag:$0x0] =	sbarrier.arrive $0xFFFF  }
0x30: {  	p0 =	sne.s32 s0, $0x0;
	_ =	strace $0x90000047  }
0x31: {  	s0 =	sadd.s32 @!p0 $0x100000, s1;
	[bflag:$0x2] =	sbarrier.arrive $0xFFFF  }
0x32: {  	[sflag:s0] =	ssyncadd.tile.s32 @!p0 $0x1;
	_ =	shalt  }
.Lfunc_end2:
_tile_overlayer_lowered:
.L_overlay_start_2:
0x33: {  	(tag) =	ssettag $0x2  }
0x34: {  	s0 =	rddreg [dreg:$0x0];
	s2 =	stileid.u32  }
0x35: {  	s1 =	rddreg [dreg:$0x1];
	p0 =	sne.s32 s2, $0x0  }
0x36: {  	s3 =	rddreg [dreg:$0x2];
	[bflag:$0x3] =	sbarrier.arrive $0xFFFF;
	s2 =	simm.s32 @!p0 $0x1C01  }
0x37: {  	[timem:s3], [sflag:s2] =	dma.local @!p0 [hbm:s0], s1  }
0x38: {  	s0 =	simm.s32 @!p0 $0x1  }
0x39: {  	_ =	swait.ge @!p0 [sflag:s0], s1  }
0x3a: {  	s1 =	ssub.s32 @!p0 $0x0, s1;
	[sflag:s0] =	ssyncset.done @!p0 $0x0  }
0x3b: {  	[sflag:s0] =	ssyncadd.s32 @!p0 s1  }
0x3c: {  	[bflag:$0x3] =	sbarrier.arrive $0xFFFF  }
0x3d: {  	_ =	shalt  }

</sc_bundles>
